<compile_context>
chip_gen: v7x
topology: tpu7x:2x2x1
jax: 0.10.2.dev20260603
libtpu: 0.0.44.dev20260713+nightly
codegen_flags: <defaults>
</compile_context>

<pallas_src>
import functools

import jax
import jax.numpy as jnp
from jax import lax
from jax.experimental import pallas as pl
from jax.experimental.pallas import tpu as pltpu
from jax.experimental.pallas import tpu_sc as plsc

N = 32768
NTN = 4096
NT = 64
DIM = 64
SUB = 50000
TOKV = 100000

NC = 2
NS = 16
NW = NC * NS
RW = N // NW
CH = 128
NCH = RW // CH



_BT = 8192
_TBLK = -(-TOKV // _BT)


def _tpose_body(x_ref, o_ref):
    xt = jnp.transpose(x_ref[...])
    o_ref[...] = jnp.concatenate([xt[:_BT // 2], xt[_BT // 2:]], axis=1)


def _tpose_tc(tab_t):
    return pl.pallas_call(
        _tpose_body,
        grid=(_TBLK,),
        in_specs=[pl.BlockSpec((DIM, _BT), lambda j: (0, j))],
        out_specs=pl.BlockSpec((_BT // 2, 2 * DIM), lambda j: (j, 0)),
        out_shape=jax.ShapeDtypeStruct((TOKV // 2, 2 * DIM), jnp.float32),
        compiler_params=pltpu.CompilerParams(
            dimension_semantics=("arbitrary",)),
    )(tab_t)


def _gather_body(typ_tab, tok_tab, typ_idx, tok_idx, p_out,
                 idx_v, buf_a, buf_b, gsem, wsem):
    wid = lax.axis_index("s") * NC + lax.axis_index("c")
    base = wid * RW
    half = RW // 2
    for c in range(NCH):
        pltpu.sync_copy(typ_idx.at[pl.ds(base + c * CH, CH)], idx_v.at[c])
        pltpu.sync_copy(tok_idx.at[pl.ds(base + c * CH, CH)],
                        idx_v.at[NCH + c])
    bufs = (buf_a, buf_b)
    phases = [(typ_tab, 0, 0, 0), (typ_tab, 4, 0, half),
              (tok_tab, 8, DIM, 0), (tok_tab, 12, DIM, half)]
    wbs = []
    for p, (tab, ir, col, roff) in enumerate(phases):
        buf = bufs[p % 2]
        if len(wbs) >= 2:
            wbs[p - 2].wait()
        cps = [
            pltpu.async_copy(tab.at[idx_v.at[ir + c]],
                             buf.at[pl.ds(c * CH, CH)], gsem)
            for c in range(4)
        ]
        for cp in cps:
            cp.wait()
        wbs.append(pltpu.async_copy(
            buf, p_out.at[pl.ds(base + roff, half), pl.ds(col, DIM)], wsem))
    wbs[2].wait()
    wbs[3].wait()


_BN = 4096


def _conv_body(p_ref, eta_ref, wh_ref, bh_ref, wt_ref, wl_ref, wr_ref,
               out_ref):
    i = pl.program_id(0)
    n_blk = N // _BN
    hidden = (jnp.dot(p_ref[...], wh_ref[...],
                      preferred_element_type=jnp.float32)
              + bh_ref[...])
    hb = hidden.astype(jnp.bfloat16)
    eta = eta_ref[...]
    lane = lax.broadcasted_iota(jnp.int32, (1, 3 * n_blk), 1)

    def col(x):
        m = (lane == x * n_blk + i).astype(jnp.float32)
        return jnp.sum(eta * m, axis=1, keepdims=True)

    conv = (
        col(0) * jnp.dot(hb, wt_ref[...], preferred_element_type=jnp.float32)
        + col(1) * jnp.dot(hb, wl_ref[...], preferred_element_type=jnp.float32)
        + col(2) * jnp.dot(hb, wr_ref[...], preferred_element_type=jnp.float32))
    out_ref[...] = jnp.concatenate(
        [conv[:_BN // 2], conv[_BN // 2:]], axis=1)


def _conv_tc(p, eta_all, wh, bh, wt, wl, wr):
    n_blk = N // _BN
    row = lambda i: (i, 0)
    full = lambda i: (0, 0)
    return pl.pallas_call(
        _conv_body,
        grid=(n_blk,),
        in_specs=[
            pl.BlockSpec((_BN, 2 * DIM), row),
            pl.BlockSpec((_BN, 3 * n_blk), lambda i: (0, 0)),
            pl.BlockSpec((2 * DIM, DIM), full),
            pl.BlockSpec((1, DIM), full),
            pl.BlockSpec((DIM, DIM), full),
            pl.BlockSpec((DIM, DIM), full),
            pl.BlockSpec((DIM, DIM), full),
        ],
        out_specs=pl.BlockSpec((_BN // 2, 2 * DIM), row),
        out_shape=jax.ShapeDtypeStruct((N // 2, 2 * DIM), jnp.float32),
        compiler_params=pltpu.CompilerParams(
            dimension_semantics=("arbitrary",)),
    )(p, eta_all, wh, bh, wt, wl, wr)


def _scatter_body(conv_hbm, nidx_hbm, zeros_hbm, out_hbm,
                  idx_v, rows_v, acc_sh, sem):
    cid = lax.axis_index("c")
    sid = lax.axis_index("s")
    wid = sid * NC + cid
    seg = NTN // NS
    pltpu.sync_copy(zeros_hbm, acc_sh.at[pl.ds(sid * seg, seg)])
    plsc.subcore_barrier()
    for c in range(NCH):
        pltpu.sync_copy(nidx_hbm.at[pl.ds(wid * RW + c * CH, CH)],
                        idx_v.at[c])
    pltpu.sync_copy(conv_hbm.at[pl.ds(wid * RW, RW)], rows_v)
    for c in range(NCH):
        pltpu.sync_copy(rows_v.at[pl.ds(c * CH, CH)],
                        acc_sh.at[idx_v.at[c]], add=True)
    plsc.subcore_barrier()
    pltpu.sync_copy(acc_sh.at[pl.ds(sid * seg, seg)],
                    out_hbm.at[cid].at[pl.ds(sid * seg, seg)])


_BK = 4096
_KBLK = -(-SUB // _BK)


def _tail_body(pre_ref, tree_ref, bc_ref, alpha_ref, wo_ref, bo_ref,
               out_ref, cv_ref):
    @pl.when(pl.program_id(0) == 0)
    def _():
        pp = pre_ref[0] + pre_ref[1]
        pre = jnp.concatenate([pp[:, :DIM], pp[:, DIM:]], axis=0)
        node_emb = jnp.tanh(pre + bc_ref[0, 0])
        onehot = (tree_ref[...] ==
                  lax.broadcasted_iota(jnp.int32, (NT, NTN), 0)
                  ).astype(jnp.float32)
        interT = lax.dot_general(alpha_ref[...], node_emb,
                                 (((1,), (1,)), ((), ())),
                                 preferred_element_type=jnp.float32)
        seg_max = jnp.max(jnp.where(onehot > 0.5, interT, -1e30),
                          axis=1, keepdims=True)
        maxn = lax.dot_general(seg_max, onehot, (((0,), (0,)), ((), ())),
                               preferred_element_type=jnp.float32)
        ex = jnp.exp(interT - maxn)
        denom = lax.dot_general(onehot, ex, (((1,), (1,)), ((), ())),
                                preferred_element_type=jnp.float32)
        denn = lax.dot_general(denom, onehot, (((0,), (0,)), ((), ())),
                               preferred_element_type=jnp.float32)
        wts = onehot * (ex / denn)
        cv_ref[...] = lax.dot_general(wts, node_emb,
                                      (((1,), (0,)), ((), ())),
                                      preferred_element_type=jnp.float32)

    out_ref[...] = (lax.dot_general(cv_ref[...], wo_ref[...],
                                    (((1,), (0,)), ((), ())),
                                    preferred_element_type=jnp.float32)
                    + bo_ref[...])


def _tail_tc(pre2, tree, bc, alpha_r, wo, bo):
    return pl.pallas_call(
        _tail_body,
        grid=(_KBLK,),
        in_specs=[
            pl.BlockSpec((NC, NTN // 2, 2 * DIM), lambda j: (0, 0, 0)),
            pl.BlockSpec((1, NTN), lambda j: (0, 0)),
            pl.BlockSpec((1, 1), lambda j: (0, 0)),
            pl.BlockSpec((1, DIM), lambda j: (0, 0)),
            pl.BlockSpec((DIM, _BK), lambda j: (0, j)),
            pl.BlockSpec((1, _BK), lambda j: (0, j)),
        ],
        out_specs=pl.BlockSpec((NT, _BK), lambda j: (0, j)),
        out_shape=jax.ShapeDtypeStruct((NT, SUB), jnp.float32),
        scratch_shapes=[pltpu.VMEM((NT, DIM), jnp.float32)],
        compiler_params=pltpu.CompilerParams(
            dimension_semantics=("arbitrary",)),
    )(pre2, tree, bc, alpha_r, wo, bo)


@functools.cache
def _sc_kernels():
    mesh = plsc.VectorSubcoreMesh(core_axis_name="c", subcore_axis_name="s")
    gather = functools.partial(
        pl.kernel,
        mesh=mesh,
        out_type=jax.ShapeDtypeStruct((N, 2 * DIM), jnp.float32),
        scratch_types=[
            pltpu.VMEM((2 * NCH, CH), jnp.int32),
            pltpu.VMEM((RW // 2, DIM), jnp.float32),
            pltpu.VMEM((RW // 2, DIM), jnp.float32),
            pltpu.SemaphoreType.DMA,
            pltpu.SemaphoreType.DMA,
        ],
        compiler_params=pltpu.CompilerParams(use_tc_tiling_on_sc=False),
    )(_gather_body)
    scatter = functools.partial(
        pl.kernel,
        mesh=mesh,
        out_type=jax.ShapeDtypeStruct((NC, NTN, DIM), jnp.float32),
        scratch_types=[
            pltpu.VMEM((NCH, CH), jnp.int32),
            pltpu.VMEM((RW, DIM), jnp.float32),
            pltpu.VMEM_SHARED((NTN, DIM), jnp.float32),
            pltpu.SemaphoreType.DMA,
        ],
        compiler_params=pltpu.CompilerParams(use_tc_tiling_on_sc=False),
    )(_scatter_body)
    return gather, scatter


def kernel(type_batch, token_batch, node_indices, eta_t, eta_l, eta_r,
           tree_indices, emb_type, emb_token, W_h, b_h, w_t, w_l, w_r,
           bias_conv, alpha, W_out, b_out):
    f32 = jnp.float32
    tb = type_batch.astype(jnp.int32)
    kb0 = token_batch.astype(jnp.int32)
    blk = kb0 // _BT
    r = kb0 % _BT
    kb = blk * _BT + jnp.where(r >= _BT // 2, 2 * (r - _BT // 2) + 1, 2 * r)
    ni = (node_indices.astype(jnp.int32)
          .reshape(N // _BN, 2, _BN // 2)
          .transpose(0, 2, 1)
          .reshape(N))
    ti0 = tree_indices.astype(jnp.int32)
    ti = jnp.concatenate([ti0[0::2], ti0[1::2]]).reshape(1, NTN)
    eta_all = jnp.concatenate(
        [eta_t.astype(f32).reshape(N // _BN, _BN).T,
         eta_l.astype(f32).reshape(N // _BN, _BN).T,
         eta_r.astype(f32).reshape(N // _BN, _BN).T], axis=1)
    wh = W_h.T.astype(f32)
    bh = b_h.astype(f32).reshape(1, DIM)
    wt = w_t.T.astype(jnp.bfloat16)
    wl = w_l.T.astype(jnp.bfloat16)
    wr = w_r.T.astype(jnp.bfloat16)
    zeros = jnp.zeros((NTN // NS, DIM), f32)

    gather_sc, scatter_sc = _sc_kernels()
    tok_flat = _tpose_tc(emb_token.T.astype(f32)).reshape(TOKV, DIM)
    p = gather_sc(emb_type.astype(f32), tok_flat, tb, kb)
    conv_packed = _conv_tc(p, eta_all, wh, bh, wt, wl, wr)
    conv = conv_packed.reshape(N, DIM)
    pre2 = scatter_sc(conv, ni, zeros).reshape(NC, NTN // 2, 2 * DIM)
    logits = _tail_tc(pre2, ti, bias_conv.reshape(1, 1).astype(f32),
                      alpha.reshape(1, DIM).astype(f32),
                      W_out.T.astype(f32),
                      b_out.reshape(1, SUB).astype(f32))
    return logits

# --- scband reference (transcript-rebuilt; emitter-appended) ---
"""Pipeline reference for scband-infer-code-22651657519716 (READ-ONLY COPY).

The authoritative reference and input builder live on the scoring server;
editing this copy changes nothing except your own understanding.
"""

import jax, jax.numpy as jnp
import numpy as np

N = 32768
N_TREE_NODES = 4096
N_TREES = 64
DIM = 64
TYPE_SIZE = 1000
TOKEN_SIZE = 100000
SUBTREE_SIZE = 50000


def setup_inputs(seed: int = 0) -> dict:
    key = jax.random.key(seed)
    ks = jax.random.split(key, 18)
    inp = {}
    inp['type_batch'] = jax.random.randint(ks[0], (N,), 0, TYPE_SIZE)
    inp['token_batch'] = jax.random.randint(ks[1], (N,), 0, TOKEN_SIZE)
    inp['node_indices'] = jnp.sort(jax.random.randint(ks[2], (N,), 0, N_TREE_NODES))
    inp['eta_t'] = jax.random.uniform(ks[3], (N,), dtype=jnp.float32)
    inp['eta_l'] = jax.random.uniform(ks[4], (N,), dtype=jnp.float32)
    inp['eta_r'] = jax.random.uniform(ks[5], (N,), dtype=jnp.float32)
    inp['tree_indices'] = jnp.sort(jax.random.randint(ks[6], (N_TREE_NODES,), 0, N_TREES))
    # learned parameters (mirroring InferCode.__init__)
    inp['emb_type'] = jax.random.normal(ks[7], (TYPE_SIZE, DIM), jnp.float32) * 0.05
    inp['emb_token'] = jax.random.normal(ks[8], (TOKEN_SIZE, DIM), jnp.float32) * 0.05
    inp['W_h'] = jax.random.normal(ks[9], (DIM, 2 * DIM), jnp.float32) * 0.05
    inp['b_h'] = jax.random.normal(ks[10], (DIM,), jnp.float32) * 0.05
    inp['w_t'] = jax.random.uniform(ks[11], (DIM, DIM), dtype=jnp.float32) * 0.05
    inp['w_l'] = jax.random.uniform(ks[12], (DIM, DIM), dtype=jnp.float32) * 0.05
    inp['w_r'] = jax.random.uniform(ks[13], (DIM, DIM), dtype=jnp.float32) * 0.05
    inp['bias_conv'] = jax.random.uniform(ks[14], (1,), dtype=jnp.float32)
    inp['alpha'] = jax.random.uniform(ks[15], (DIM,), dtype=jnp.float32)
    inp['W_out'] = jax.random.normal(ks[16], (SUBTREE_SIZE, DIM), jnp.float32) * 0.05
    inp['b_out'] = jax.random.normal(ks[17], (SUBTREE_SIZE,), jnp.float32) * 0.05
    return inp


def reference(type_batch, token_batch, node_indices, eta_t, eta_l, eta_r, tree_indices,
              emb_type, emb_token, W_h, b_h, w_t, w_l, w_r, bias_conv, alpha, W_out, b_out):
    # __get_node_hidden_state
    te = jnp.take(emb_type, type_batch, axis=0)
    to = jnp.take(emb_token, token_batch, axis=0)
    hidden = jnp.concatenate([te, to], axis=1) @ W_h.T + b_h
    # __get_convoluted_result (TBCNN-style conv)
    added = (eta_t[:, None, None] * w_t
             + eta_l[:, None, None] * w_l
             + eta_r[:, None, None] * w_r)  # [N, dim, dim]
    conv = jnp.einsum('nij,nj->ni', added, hidden)  # bmm + squeeze
    pre = jax.ops.segment_sum(conv, node_indices, num_segments=N_TREE_NODES) + bias_conv
    node_emb = jnp.tanh(pre)  # [n, dim]
    # __get_code_vectors (attention pooling via scatter_softmax)
    inter = (node_emb @ alpha[:, None])[:, 0]  # [n]
    seg_max = jax.ops.segment_max(inter, tree_indices, num_segments=N_TREES)
    ex = jnp.exp(inter - seg_max[tree_indices])
    denom = jax.ops.segment_sum(ex, tree_indices, num_segments=N_TREES)
    alpha_i = ex / denom[tree_indices]  # [n]
    res = node_emb * alpha_i[:, None]
    code_vectors = jax.ops.segment_sum(res, tree_indices, num_segments=N_TREES)  # [T, dim]
    # __get_logits
    logits = code_vectors @ W_out.T + b_out
    return logits

if __name__ == "__main__":
    import jax
    _d = setup_inputs()
    print(jax.jit(kernel)(*tuple(_d.values())))

</pallas_src>

<mosaic_0001>
#map = affine_map<(d0, d1) -> (0, 0)>
#map1 = affine_map<(d0, d1) -> (0)>
#map2 = affine_map<(d0, d1) -> (0, 0, 0)>
module attributes {stable_mosaic.version = 14 : i64} {
  func.func @_scatter_body(%arg0: i32, %arg1: i32, %arg2: memref<32768x64xf32, #tpu.memory_space<hbm>>, %arg3: memref<32768xi32, #tpu.memory_space<hbm>>, %arg4: memref<256x64xf32, #tpu.memory_space<hbm>>, %arg5: memref<2x4096x64xf32, #tpu.memory_space<hbm>>, %arg6: memref<8x128xi32, #tpu.memory_space<vmem>>, %arg7: memref<1024x64xf32, #tpu.memory_space<vmem>>, %arg8: memref<4096x64xf32, #tpu.memory_space<vmem_shared>>, %arg9: memref<!tpu.dma_semaphore, #tpu.memory_space<semaphore_mem>>) attributes {dimension_semantics = [#tpu.dimension_semantics<core_parallel>, #tpu.dimension_semantics<subcore_parallel>], iteration_bounds = array<i64: 2, 16>, scalar_prefetch = 0 : i64, scratch_operands = 4 : i64, tpu.core_type = #tpu.core_type<sc_vector_subcore>, window_params = [{transform_indices = #map}, {transform_indices = #map1}, {transform_indices = #map}, {transform_indices = #map2}]} {
    %mul3A = arith.constant 2 : i32
    %mul3A_0 = arith.muli %arg1, %mul3A : i32
    %add3A = arith.addi %mul3A_0, %arg0 : i32
    %mul3A_1 = arith.constant 256 : i32
    %mul3A_2 = arith.muli %arg1, %mul3A_1 : i32
    "tpu.region"() ({
      %run_scoped3A_57 = tpu.sem_alloc : memref<!tpu.dma_semaphore, #tpu.memory_space<semaphore_mem>>
      %dma_start3A = arith.constant 0 : i32
      %dma_start3A_58 = tpu.memref_slice %arg8[%mul3A_2, %dma_start3A] : memref<4096x64xf32, #tpu.memory_space<vmem_shared>> -> memref<256x64xf32, #tpu.memory_space<vmem_shared>>
      tpu.enqueue_dma source(%arg4 : memref<256x64xf32, #tpu.memory_space<hbm>>) target(%dma_start3A_58 : memref<256x64xf32, #tpu.memory_space<vmem_shared>>) target_semaphore(%run_scoped3A_57 : memref<!tpu.dma_semaphore, #tpu.memory_space<semaphore_mem>>)
      %dma_wait3A = arith.constant 0 : i32
      %dma_wait3A_59 = tpu.memref_slice %arg8[%mul3A_2, %dma_wait3A] : memref<4096x64xf32, #tpu.memory_space<vmem_shared>> -> memref<256x64xf32, #tpu.memory_space<vmem_shared>>
      tpu.wait_dma2 semaphore(%run_scoped3A_57 : memref<!tpu.dma_semaphore, #tpu.memory_space<semaphore_mem>>) src(%arg4 : memref<256x64xf32, #tpu.memory_space<hbm>>) dst(%dma_wait3A_59 : memref<256x64xf32, #tpu.memory_space<vmem_shared>>)
      tpu.yield
    }) : () -> ()
    %barrier3A = arith.constant 0 : index
    tpu.barrier barrier_id(%barrier3A)
    %mul3A_3 = arith.constant 1024 : i32
    %mul3A_4 = arith.muli %add3A, %mul3A_3 : i32
    %add3A_5 = arith.constant 0 : i32
    %add3A_6 = arith.addi %mul3A_4, %add3A_5 : i32
    %run_scoped3A = arith.constant 0 : i32
    "tpu.region"() ({
      %run_scoped3A_57 = tpu.sem_alloc : memref<!tpu.dma_semaphore, #tpu.memory_space<semaphore_mem>>
      %dma_start3A = arith.constant 0 : i32
      %dma_start3A_58 = tpu.memref_slice %arg6[%run_scoped3A, %dma_start3A] : memref<8x128xi32, #tpu.memory_space<vmem>> -> memref<1x128xi32, #tpu.memory_space<vmem>>
      %dma_start3A_59 = tpu.memref_squeeze %dma_start3A_58 : memref<1x128xi32, #tpu.memory_space<vmem>> -> memref<128xi32, #tpu.memory_space<vmem>>
      %dma_start3A_60 = tpu.memref_slice %arg3[%add3A_6] : memref<32768xi32, #tpu.memory_space<hbm>> -> memref<128xi32, #tpu.memory_space<hbm>>
      %dma_start3A_61 = arith.constant 0 : i32
      %dma_start3A_62 = tpu.memref_slice %arg6[%run_scoped3A, %dma_start3A_61] : memref<8x128xi32, #tpu.memory_space<vmem>> -> memref<1x128xi32, #tpu.memory_space<vmem>>
      %dma_start3A_63 = tpu.memref_squeeze %dma_start3A_62 : memref<1x128xi32, #tpu.memory_space<vmem>> -> memref<128xi32, #tpu.memory_space<vmem>>
      %dma_start3A_64 = tpu.memref_slice %arg3[%add3A_6] : memref<32768xi32, #tpu.memory_space<hbm>> -> memref<128xi32, #tpu.memory_space<hbm>>
      tpu.enqueue_dma source(%dma_start3A_64 : memref<128xi32, #tpu.memory_space<hbm>>) target(%dma_start3A_63 : memref<128xi32, #tpu.memory_space<vmem>>) target_semaphore(%run_scoped3A_57 : memref<!tpu.dma_semaphore, #tpu.memory_space<semaphore_mem>>)
      %dma_wait3A = arith.constant 0 : i32
      %dma_wait3A_65 = tpu.memref_slice %arg6[%run_scoped3A, %dma_wait3A] : memref<8x128xi32, #tpu.memory_space<vmem>> -> memref<1x128xi32, #tpu.memory_space<vmem>>
      %dma_wait3A_66 = tpu.memref_squeeze %dma_wait3A_65 : memref<1x128xi32, #tpu.memory_space<vmem>> -> memref<128xi32, #tpu.memory_space<vmem>>
      %dma_wait3A_67 = tpu.memref_slice %arg3[%add3A_6] : memref<32768xi32, #tpu.memory_space<hbm>> -> memref<128xi32, #tpu.memory_space<hbm>>
      %dma_wait3A_68 = arith.constant 0 : i32
      %dma_wait3A_69 = tpu.memref_slice %arg6[%run_scoped3A, %dma_wait3A_68] : memref<8x128xi32, #tpu.memory_space<vmem>> -> memref<1x128xi32, #tpu.memory_space<vmem>>
      %dma_wait3A_70 = tpu.memref_squeeze %dma_wait3A_69 : memref<1x128xi32, #tpu.memory_space<vmem>> -> memref<128xi32, #tpu.memory_space<vmem>>
      %dma_wait3A_71 = tpu.memref_slice %arg3[%add3A_6] : memref<32768xi32, #tpu.memory_space<hbm>> -> memref<128xi32, #tpu.memory_space<hbm>>
      tpu.wait_dma2 semaphore(%run_scoped3A_57 : memref<!tpu.dma_semaphore, #tpu.memory_space<semaphore_mem>>) src(%dma_wait3A_71 : memref<128xi32, #tpu.memory_space<hbm>>) dst(%dma_wait3A_70 : memref<128xi32, #tpu.memory_space<vmem>>)
      tpu.yield
    }) : () -> ()
    %mul3A_7 = arith.constant 1024 : i32
    %mul3A_8 = arith.muli %add3A, %mul3A_7 : i32
    %add3A_9 = arith.constant 128 : i32
    %add3A_10 = arith.addi %mul3A_8, %add3A_9 : i32
    %run_scoped3A_11 = arith.constant 1 : i32
    "tpu.region"() ({
      %run_scoped3A_57 = tpu.sem_alloc : memref<!tpu.dma_semaphore, #tpu.memory_space<semaphore_mem>>
      %dma_start3A = arith.constant 0 : i32
      %dma_start3A_58 = tpu.memref_slice %arg6[%run_scoped3A_11, %dma_start3A] : memref<8x128xi32, #tpu.memory_space<vmem>> -> memref<1x128xi32, #tpu.memory_space<vmem>>
      %dma_start3A_59 = tpu.memref_squeeze %dma_start3A_58 : memref<1x128xi32, #tpu.memory_space<vmem>> -> memref<128xi32, #tpu.memory_space<vmem>>
      %dma_start3A_60 = tpu.memref_slice %arg3[%add3A_10] : memref<32768xi32, #tpu.memory_space<hbm>> -> memref<128xi32, #tpu.memory_space<hbm>>
      %dma_start3A_61 = arith.constant 0 : i32
      %dma_start3A_62 = tpu.memref_slice %arg6[%run_scoped3A_11, %dma_start3A_61] : memref<8x128xi32, #tpu.memory_space<vmem>> -> memref<1x128xi32, #tpu.memory_space<vmem>>
      %dma_start3A_63 = tpu.memref_squeeze %dma_start3A_62 : memref<1x128xi32, #tpu.memory_space<vmem>> -> memref<128xi32, #tpu.memory_space<vmem>>
      %dma_start3A_64 = tpu.memref_slice %arg3[%add3A_10] : memref<32768xi32, #tpu.memory_space<hbm>> -> memref<128xi32, #tpu.memory_space<hbm>>
      tpu.enqueue_dma source(%dma_start3A_64 : memref<128xi32, #tpu.memory_space<hbm>>) target(%dma_start3A_63 : memref<128xi32, #tpu.memory_space<vmem>>) target_semaphore(%run_scoped3A_57 : memref<!tpu.dma_semaphore, #tpu.memory_space<semaphore_mem>>)
      %dma_wait3A = arith.constant 0 : i32
      %dma_wait3A_65 = tpu.memref_slice %arg6[%run_scoped3A_11, %dma_wait3A] : memref<8x128xi32, #tpu.memory_space<vmem>> -> memref<1x128xi32, #tpu.memory_space<vmem>>
      %dma_wait3A_66 = tpu.memref_squeeze %dma_wait3A_65 : memref<1x128xi32, #tpu.memory_space<vmem>> -> memref<128xi32, #tpu.memory_space<vmem>>
      %dma_wait3A_67 = tpu.memref_slice %arg3[%add3A_10] : memref<32768xi32, #tpu.memory_space<hbm>> -> memref<128xi32, #tpu.memory_space<hbm>>
      %dma_wait3A_68 = arith.constant 0 : i32
      %dma_wait3A_69 = tpu.memref_slice %arg6[%run_scoped3A_11, %dma_wait3A_68] : memref<8x128xi32, #tpu.memory_space<vmem>> -> memref<1x128xi32, #tpu.memory_space<vmem>>
      %dma_wait3A_70 = tpu.memref_squeeze %dma_wait3A_69 : memref<1x128xi32, #tpu.memory_space<vmem>> -> memref<128xi32, #tpu.memory_space<vmem>>
      %dma_wait3A_71 = tpu.memref_slice %arg3[%add3A_10] : memref<32768xi32, #tpu.memory_space<hbm>> -> memref<128xi32, #tpu.memory_space<hbm>>
      tpu.wait_dma2 semaphore(%run_scoped3A_57 : memref<!tpu.dma_semaphore, #tpu.memory_space<semaphore_mem>>) src(%dma_wait3A_71 : memref<128xi32, #tpu.memory_space<hbm>>) dst(%dma_wait3A_70 : memref<128xi32, #tpu.memory_space<vmem>>)
      tpu.yield
    }) : () -> ()
    %mul3A_12 = arith.constant 1024 : i32
    %mul3A_13 = arith.muli %add3A, %mul3A_12 : i32
    %add3A_14 = arith.constant 256 : i32
    %add3A_15 = arith.addi %mul3A_13, %add3A_14 : i32
    %run_scoped3A_16 = arith.constant 2 : i32
    "tpu.region"() ({
      %run_scoped3A_57 = tpu.sem_alloc : memref<!tpu.dma_semaphore, #tpu.memory_space<semaphore_mem>>
      %dma_start3A = arith.constant 0 : i32
      %dma_start3A_58 = tpu.memref_slice %arg6[%run_scoped3A_16, %dma_start3A] : memref<8x128xi32, #tpu.memory_space<vmem>> -> memref<1x128xi32, #tpu.memory_space<vmem>>
      %dma_start3A_59 = tpu.memref_squeeze %dma_start3A_58 : memref<1x128xi32, #tpu.memory_space<vmem>> -> memref<128xi32, #tpu.memory_space<vmem>>
      %dma_start3A_60 = tpu.memref_slice %arg3[%add3A_15] : memref<32768xi32, #tpu.memory_space<hbm>> -> memref<128xi32, #tpu.memory_space<hbm>>
      %dma_start3A_61 = arith.constant 0 : i32
      %dma_start3A_62 = tpu.memref_slice %arg6[%run_scoped3A_16, %dma_start3A_61] : memref<8x128xi32, #tpu.memory_space<vmem>> -> memref<1x128xi32, #tpu.memory_space<vmem>>
      %dma_start3A_63 = tpu.memref_squeeze %dma_start3A_62 : memref<1x128xi32, #tpu.memory_space<vmem>> -> memref<128xi32, #tpu.memory_space<vmem>>
      %dma_start3A_64 = tpu.memref_slice %arg3[%add3A_15] : memref<32768xi32, #tpu.memory_space<hbm>> -> memref<128xi32, #tpu.memory_space<hbm>>
      tpu.enqueue_dma source(%dma_start3A_64 : memref<128xi32, #tpu.memory_space<hbm>>) target(%dma_start3A_63 : memref<128xi32, #tpu.memory_space<vmem>>) target_semaphore(%run_scoped3A_57 : memref<!tpu.dma_semaphore, #tpu.memory_space<semaphore_mem>>)
      %dma_wait3A = arith.constant 0 : i32
      %dma_wait3A_65 = tpu.memref_slice %arg6[%run_scoped3A_16, %dma_wait3A] : memref<8x128xi32, #tpu.memory_space<vmem>> -> memref<1x128xi32, #tpu.memory_space<vmem>>
      %dma_wait3A_66 = tpu.memref_squeeze %dma_wait3A_65 : memref<1x128xi32, #tpu.memory_space<vmem>> -> memref<128xi32, #tpu.memory_space<vmem>>
      %dma_wait3A_67 = tpu.memref_slice %arg3[%add3A_15] : memref<32768xi32, #tpu.memory_space<hbm>> -> memref<128xi32, #tpu.memory_space<hbm>>
      %dma_wait3A_68 = arith.constant 0 : i32
      %dma_wait3A_69 = tpu.memref_slice %arg6[%run_scoped3A_16, %dma_wait3A_68] : memref<8x128xi32, #tpu.memory_space<vmem>> -> memref<1x128xi32, #tpu.memory_space<vmem>>
      %dma_wait3A_70 = tpu.memref_squeeze %dma_wait3A_69 : memref<1x128xi32, #tpu.memory_space<vmem>> -> memref<128xi32, #tpu.memory_space<vmem>>
      %dma_wait3A_71 = tpu.memref_slice %arg3[%add3A_15] : memref<32768xi32, #tpu.memory_space<hbm>> -> memref<128xi32, #tpu.memory_space<hbm>>
      tpu.wait_dma2 semaphore(%run_scoped3A_57 : memref<!tpu.dma_semaphore, #tpu.memory_space<semaphore_mem>>) src(%dma_wait3A_71 : memref<128xi32, #tpu.memory_space<hbm>>) dst(%dma_wait3A_70 : memref<128xi32, #tpu.memory_space<vmem>>)
      tpu.yield
    }) : () -> ()
    %mul3A_17 = arith.constant 1024 : i32
    %mul3A_18 = arith.muli %add3A, %mul3A_17 : i32
    %add3A_19 = arith.constant 384 : i32
    %add3A_20 = arith.addi %mul3A_18, %add3A_19 : i32
    %run_scoped3A_21 = arith.constant 3 : i32
    "tpu.region"() ({
      %run_scoped3A_57 = tpu.sem_alloc : memref<!tpu.dma_semaphore, #tpu.memory_space<semaphore_mem>>
      %dma_start3A = arith.constant 0 : i32
      %dma_start3A_58 = tpu.memref_slice %arg6[%run_scoped3A_21, %dma_start3A] : memref<8x128xi32, #tpu.memory_space<vmem>> -> memref<1x128xi32, #tpu.memory_space<vmem>>
      %dma_start3A_59 = tpu.memref_squeeze %dma_start3A_58 : memref<1x128xi32, #tpu.memory_space<vmem>> -> memref<128xi32, #tpu.memory_space<vmem>>
      %dma_start3A_60 = tpu.memref_slice %arg3[%add3A_20] : memref<32768xi32, #tpu.memory_space<hbm>> -> memref<128xi32, #tpu.memory_space<hbm>>
      %dma_start3A_61 = arith.constant 0 : i32
      %dma_start3A_62 = tpu.memref_slice %arg6[%run_scoped3A_21, %dma_start3A_61] : memref<8x128xi32, #tpu.memory_space<vmem>> -> memref<1x128xi32, #tpu.memory_space<vmem>>
      %dma_start3A_63 = tpu.memref_squeeze %dma_start3A_62 : memref<1x128xi32, #tpu.memory_space<vmem>> -> memref<128xi32, #tpu.memory_space<vmem>>
      %dma_start3A_64 = tpu.memref_slice %arg3[%add3A_20] : memref<32768xi32, #tpu.memory_space<hbm>> -> memref<128xi32, #tpu.memory_space<hbm>>
      tpu.enqueue_dma source(%dma_start3A_64 : memref<128xi32, #tpu.memory_space<hbm>>) target(%dma_start3A_63 : memref<128xi32, #tpu.memory_space<vmem>>) target_semaphore(%run_scoped3A_57 : memref<!tpu.dma_semaphore, #tpu.memory_space<semaphore_mem>>)
      %dma_wait3A = arith.constant 0 : i32
      %dma_wait3A_65 = tpu.memref_slice %arg6[%run_scoped3A_21, %dma_wait3A] : memref<8x128xi32, #tpu.memory_space<vmem>> -> memref<1x128xi32, #tpu.memory_space<vmem>>
      %dma_wait3A_66 = tpu.memref_squeeze %dma_wait3A_65 : memref<1x128xi32, #tpu.memory_space<vmem>> -> memref<128xi32, #tpu.memory_space<vmem>>
      %dma_wait3A_67 = tpu.memref_slice %arg3[%add3A_20] : memref<32768xi32, #tpu.memory_space<hbm>> -> memref<128xi32, #tpu.memory_space<hbm>>
      %dma_wait3A_68 = arith.constant 0 : i32
      %dma_wait3A_69 = tpu.memref_slice %arg6[%run_scoped3A_21, %dma_wait3A_68] : memref<8x128xi32, #tpu.memory_space<vmem>> -> memref<1x128xi32, #tpu.memory_space<vmem>>
      %dma_wait3A_70 = tpu.memref_squeeze %dma_wait3A_69 : memref<1x128xi32, #tpu.memory_space<vmem>> -> memref<128xi32, #tpu.memory_space<vmem>>
      %dma_wait3A_71 = tpu.memref_slice %arg3[%add3A_20] : memref<32768xi32, #tpu.memory_space<hbm>> -> memref<128xi32, #tpu.memory_space<hbm>>
      tpu.wait_dma2 semaphore(%run_scoped3A_57 : memref<!tpu.dma_semaphore, #tpu.memory_space<semaphore_mem>>) src(%dma_wait3A_71 : memref<128xi32, #tpu.memory_space<hbm>>) dst(%dma_wait3A_70 : memref<128xi32, #tpu.memory_space<vmem>>)
      tpu.yield
    }) : () -> ()
    %mul3A_22 = arith.constant 1024 : i32
    %mul3A_23 = arith.muli %add3A, %mul3A_22 : i32
    %add3A_24 = arith.constant 512 : i32
    %add3A_25 = arith.addi %mul3A_23, %add3A_24 : i32
    %run_scoped3A_26 = arith.constant 4 : i32
    "tpu.region"() ({
      %run_scoped3A_57 = tpu.sem_alloc : memref<!tpu.dma_semaphore, #tpu.memory_space<semaphore_mem>>
      %dma_start3A = arith.constant 0 : i32
      %dma_start3A_58 = tpu.memref_slice %arg6[%run_scoped3A_26, %dma_start3A] : memref<8x128xi32, #tpu.memory_space<vmem>> -> memref<1x128xi32, #tpu.memory_space<vmem>>
      %dma_start3A_59 = tpu.memref_squeeze %dma_start3A_58 : memref<1x128xi32, #tpu.memory_space<vmem>> -> memref<128xi32, #tpu.memory_space<vmem>>
      %dma_start3A_60 = tpu.memref_slice %arg3[%add3A_25] : memref<32768xi32, #tpu.memory_space<hbm>> -> memref<128xi32, #tpu.memory_space<hbm>>
      %dma_start3A_61 = arith.constant 0 : i32
      %dma_start3A_62 = tpu.memref_slice %arg6[%run_scoped3A_26, %dma_start3A_61] : memref<8x128xi32, #tpu.memory_space<vmem>> -> memref<1x128xi32, #tpu.memory_space<vmem>>
      %dma_start3A_63 = tpu.memref_squeeze %dma_start3A_62 : memref<1x128xi32, #tpu.memory_space<vmem>> -> memref<128xi32, #tpu.memory_space<vmem>>
      %dma_start3A_64 = tpu.memref_slice %arg3[%add3A_25] : memref<32768xi32, #tpu.memory_space<hbm>> -> memref<128xi32, #tpu.memory_space<hbm>>
      tpu.enqueue_dma source(%dma_start3A_64 : memref<128xi32, #tpu.memory_space<hbm>>) target(%dma_start3A_63 : memref<128xi32, #tpu.memory_space<vmem>>) target_semaphore(%run_scoped3A_57 : memref<!tpu.dma_semaphore, #tpu.memory_space<semaphore_mem>>)
      %dma_wait3A = arith.constant 0 : i32
      %dma_wait3A_65 = tpu.memref_slice %arg6[%run_scoped3A_26, %dma_wait3A] : memref<8x128xi32, #tpu.memory_space<vmem>> -> memref<1x128xi32, #tpu.memory_space<vmem>>
      %dma_wait3A_66 = tpu.memref_squeeze %dma_wait3A_65 : memref<1x128xi32, #tpu.memory_space<vmem>> -> memref<128xi32, #tpu.memory_space<vmem>>
      %dma_wait3A_67 = tpu.memref_slice %arg3[%add3A_25] : memref<32768xi32, #tpu.memory_space<hbm>> -> memref<128xi32, #tpu.memory_space<hbm>>
      %dma_wait3A_68 = arith.constant 0 : i32
      %dma_wait3A_69 = tpu.memref_slice %arg6[%run_scoped3A_26, %dma_wait3A_68] : memref<8x128xi32, #tpu.memory_space<vmem>> -> memref<1x128xi32, #tpu.memory_space<vmem>>
      %dma_wait3A_70 = tpu.memref_squeeze %dma_wait3A_69 : memref<1x128xi32, #tpu.memory_space<vmem>> -> memref<128xi32, #tpu.memory_space<vmem>>
      %dma_wait3A_71 = tpu.memref_slice %arg3[%add3A_25] : memref<32768xi32, #tpu.memory_space<hbm>> -> memref<128xi32, #tpu.memory_space<hbm>>
      tpu.wait_dma2 semaphore(%run_scoped3A_57 : memref<!tpu.dma_semaphore, #tpu.memory_space<semaphore_mem>>) src(%dma_wait3A_71 : memref<128xi32, #tpu.memory_space<hbm>>) dst(%dma_wait3A_70 : memref<128xi32, #tpu.memory_space<vmem>>)
      tpu.yield
    }) : () -> ()
    %mul3A_27 = arith.constant 1024 : i32
    %mul3A_28 = arith.muli %add3A, %mul3A_27 : i32
    %add3A_29 = arith.constant 640 : i32
    %add3A_30 = arith.addi %mul3A_28, %add3A_29 : i32
    %run_scoped3A_31 = arith.constant 5 : i32
    "tpu.region"() ({
      %run_scoped3A_57 = tpu.sem_alloc : memref<!tpu.dma_semaphore, #tpu.memory_space<semaphore_mem>>
      %dma_start3A = arith.constant 0 : i32
      %dma_start3A_58 = tpu.memref_slice %arg6[%run_scoped3A_31, %dma_start3A] : memref<8x128xi32, #tpu.memory_space<vmem>> -> memref<1x128xi32, #tpu.memory_space<vmem>>
      %dma_start3A_59 = tpu.memref_squeeze %dma_start3A_58 : memref<1x128xi32, #tpu.memory_space<vmem>> -> memref<128xi32, #tpu.memory_space<vmem>>
      %dma_start3A_60 = tpu.memref_slice %arg3[%add3A_30] : memref<32768xi32, #tpu.memory_space<hbm>> -> memref<128xi32, #tpu.memory_space<hbm>>
      %dma_start3A_61 = arith.constant 0 : i32
      %dma_start3A_62 = tpu.memref_slice %arg6[%run_scoped3A_31, %dma_start3A_61] : memref<8x128xi32, #tpu.memory_space<vmem>> -> memref<1x128xi32, #tpu.memory_space<vmem>>
      %dma_start3A_63 = tpu.memref_squeeze %dma_start3A_62 : memref<1x128xi32, #tpu.memory_space<vmem>> -> memref<128xi32, #tpu.memory_space<vmem>>
      %dma_start3A_64 = tpu.memref_slice %arg3[%add3A_30] : memref<32768xi32, #tpu.memory_space<hbm>> -> memref<128xi32, #tpu.memory_space<hbm>>
      tpu.enqueue_dma source(%dma_start3A_64 : memref<128xi32, #tpu.memory_space<hbm>>) target(%dma_start3A_63 : memref<128xi32, #tpu.memory_space<vmem>>) target_semaphore(%run_scoped3A_57 : memref<!tpu.dma_semaphore, #tpu.memory_space<semaphore_mem>>)
      %dma_wait3A = arith.constant 0 : i32
      %dma_wait3A_65 = tpu.memref_slice %arg6[%run_scoped3A_31, %dma_wait3A] : memref<8x128xi32, #tpu.memory_space<vmem>> -> memref<1x128xi32, #tpu.memory_space<vmem>>
      %dma_wait3A_66 = tpu.memref_squeeze %dma_wait3A_65 : memref<1x128xi32, #tpu.memory_space<vmem>> -> memref<128xi32, #tpu.memory_space<vmem>>
      %dma_wait3A_67 = tpu.memref_slice %arg3[%add3A_30] : memref<32768xi32, #tpu.memory_space<hbm>> -> memref<128xi32, #tpu.memory_space<hbm>>
      %dma_wait3A_68 = arith.constant 0 : i32
      %dma_wait3A_69 = tpu.memref_slice %arg6[%run_scoped3A_31, %dma_wait3A_68] : memref<8x128xi32, #tpu.memory_space<vmem>> -> memref<1x128xi32, #tpu.memory_space<vmem>>
      %dma_wait3A_70 = tpu.memref_squeeze %dma_wait3A_69 : memref<1x128xi32, #tpu.memory_space<vmem>> -> memref<128xi32, #tpu.memory_space<vmem>>
      %dma_wait3A_71 = tpu.memref_slice %arg3[%add3A_30] : memref<32768xi32, #tpu.memory_space<hbm>> -> memref<128xi32, #tpu.memory_space<hbm>>
      tpu.wait_dma2 semaphore(%run_scoped3A_57 : memref<!tpu.dma_semaphore, #tpu.memory_space<semaphore_mem>>) src(%dma_wait3A_71 : memref<128xi32, #tpu.memory_space<hbm>>) dst(%dma_wait3A_70 : memref<128xi32, #tpu.memory_space<vmem>>)
      tpu.yield
    }) : () -> ()
    %mul3A_32 = arith.constant 1024 : i32
    %mul3A_33 = arith.muli %add3A, %mul3A_32 : i32
    %add3A_34 = arith.constant 768 : i32
    %add3A_35 = arith.addi %mul3A_33, %add3A_34 : i32
    %run_scoped3A_36 = arith.constant 6 : i32
    "tpu.region"() ({
      %run_scoped3A_57 = tpu.sem_alloc : memref<!tpu.dma_semaphore, #tpu.memory_space<semaphore_mem>>
      %dma_start3A = arith.constant 0 : i32
      %dma_start3A_58 = tpu.memref_slice %arg6[%run_scoped3A_36, %dma_start3A] : memref<8x128xi32, #tpu.memory_space<vmem>> -> memref<1x128xi32, #tpu.memory_space<vmem>>
      %dma_start3A_59 = tpu.memref_squeeze %dma_start3A_58 : memref<1x128xi32, #tpu.memory_space<vmem>> -> memref<128xi32, #tpu.memory_space<vmem>>
      %dma_start3A_60 = tpu.memref_slice %arg3[%add3A_35] : memref<32768xi32, #tpu.memory_space<hbm>> -> memref<128xi32, #tpu.memory_space<hbm>>
      %dma_start3A_61 = arith.constant 0 : i32
      %dma_start3A_62 = tpu.memref_slice %arg6[%run_scoped3A_36, %dma_start3A_61] : memref<8x128xi32, #tpu.memory_space<vmem>> -> memref<1x128xi32, #tpu.memory_space<vmem>>
      %dma_start3A_63 = tpu.memref_squeeze %dma_start3A_62 : memref<1x128xi32, #tpu.memory_space<vmem>> -> memref<128xi32, #tpu.memory_space<vmem>>
      %dma_start3A_64 = tpu.memref_slice %arg3[%add3A_35] : memref<32768xi32, #tpu.memory_space<hbm>> -> memref<128xi32, #tpu.memory_space<hbm>>
      tpu.enqueue_dma source(%dma_start3A_64 : memref<128xi32, #tpu.memory_space<hbm>>) target(%dma_start3A_63 : memref<128xi32, #tpu.memory_space<vmem>>) target_semaphore(%run_scoped3A_57 : memref<!tpu.dma_semaphore, #tpu.memory_space<semaphore_mem>>)
      %dma_wait3A = arith.constant 0 : i32
      %dma_wait3A_65 = tpu.memref_slice %arg6[%run_scoped3A_36, %dma_wait3A] : memref<8x128xi32, #tpu.memory_space<vmem>> -> memref<1x128xi32, #tpu.memory_space<vmem>>
      %dma_wait3A_66 = tpu.memref_squeeze %dma_wait3A_65 : memref<1x128xi32, #tpu.memory_space<vmem>> -> memref<128xi32, #tpu.memory_space<vmem>>
      %dma_wait3A_67 = tpu.memref_slice %arg3[%add3A_35] : memref<32768xi32, #tpu.memory_space<hbm>> -> memref<128xi32, #tpu.memory_space<hbm>>
      %dma_wait3A_68 = arith.constant 0 : i32
      %dma_wait3A_69 = tpu.memref_slice %arg6[%run_scoped3A_36, %dma_wait3A_68] : memref<8x128xi32, #tpu.memory_space<vmem>> -> memref<1x128xi32, #tpu.memory_space<vmem>>
      %dma_wait3A_70 = tpu.memref_squeeze %dma_wait3A_69 : memref<1x128xi32, #tpu.memory_space<vmem>> -> memref<128xi32, #tpu.memory_space<vmem>>
      %dma_wait3A_71 = tpu.memref_slice %arg3[%add3A_35] : memref<32768xi32, #tpu.memory_space<hbm>> -> memref<128xi32, #tpu.memory_space<hbm>>
      tpu.wait_dma2 semaphore(%run_scoped3A_57 : memref<!tpu.dma_semaphore, #tpu.memory_space<semaphore_mem>>) src(%dma_wait3A_71 : memref<128xi32, #tpu.memory_space<hbm>>) dst(%dma_wait3A_70 : memref<128xi32, #tpu.memory_space<vmem>>)
      tpu.yield
    }) : () -> ()
    %mul3A_37 = arith.constant 1024 : i32
    %mul3A_38 = arith.muli %add3A, %mul3A_37 : i32
    %add3A_39 = arith.constant 896 : i32
    %add3A_40 = arith.addi %mul3A_38, %add3A_39 : i32
    %run_scoped3A_41 = arith.constant 7 : i32
    "tpu.region"() ({
      %run_scoped3A_57 = tpu.sem_alloc : memref<!tpu.dma_semaphore, #tpu.memory_space<semaphore_mem>>
      %dma_start3A = arith.constant 0 : i32
      %dma_start3A_58 = tpu.memref_slice %arg6[%run_scoped3A_41, %dma_start3A] : memref<8x128xi32, #tpu.memory_space<vmem>> -> memref<1x128xi32, #tpu.memory_space<vmem>>
      %dma_start3A_59 = tpu.memref_squeeze %dma_start3A_58 : memref<1x128xi32, #tpu.memory_space<vmem>> -> memref<128xi32, #tpu.memory_space<vmem>>
      %dma_start3A_60 = tpu.memref_slice %arg3[%add3A_40] : memref<32768xi32, #tpu.memory_space<hbm>> -> memref<128xi32, #tpu.memory_space<hbm>>
      %dma_start3A_61 = arith.constant 0 : i32
      %dma_start3A_62 = tpu.memref_slice %arg6[%run_scoped3A_41, %dma_start3A_61] : memref<8x128xi32, #tpu.memory_space<vmem>> -> memref<1x128xi32, #tpu.memory_space<vmem>>
      %dma_start3A_63 = tpu.memref_squeeze %dma_start3A_62 : memref<1x128xi32, #tpu.memory_space<vmem>> -> memref<128xi32, #tpu.memory_space<vmem>>
      %dma_start3A_64 = tpu.memref_slice %arg3[%add3A_40] : memref<32768xi32, #tpu.memory_space<hbm>> -> memref<128xi32, #tpu.memory_space<hbm>>
      tpu.enqueue_dma source(%dma_start3A_64 : memref<128xi32, #tpu.memory_space<hbm>>) target(%dma_start3A_63 : memref<128xi32, #tpu.memory_space<vmem>>) target_semaphore(%run_scoped3A_57 : memref<!tpu.dma_semaphore, #tpu.memory_space<semaphore_mem>>)
      %dma_wait3A = arith.constant 0 : i32
      %dma_wait3A_65 = tpu.memref_slice %arg6[%run_scoped3A_41, %dma_wait3A] : memref<8x128xi32, #tpu.memory_space<vmem>> -> memref<1x128xi32, #tpu.memory_space<vmem>>
      %dma_wait3A_66 = tpu.memref_squeeze %dma_wait3A_65 : memref<1x128xi32, #tpu.memory_space<vmem>> -> memref<128xi32, #tpu.memory_space<vmem>>
      %dma_wait3A_67 = tpu.memref_slice %arg3[%add3A_40] : memref<32768xi32, #tpu.memory_space<hbm>> -> memref<128xi32, #tpu.memory_space<hbm>>
      %dma_wait3A_68 = arith.constant 0 : i32
      %dma_wait3A_69 = tpu.memref_slice %arg6[%run_scoped3A_41, %dma_wait3A_68] : memref<8x128xi32, #tpu.memory_space<vmem>> -> memref<1x128xi32, #tpu.memory_space<vmem>>
      %dma_wait3A_70 = tpu.memref_squeeze %dma_wait3A_69 : memref<1x128xi32, #tpu.memory_space<vmem>> -> memref<128xi32, #tpu.memory_space<vmem>>
      %dma_wait3A_71 = tpu.memref_slice %arg3[%add3A_40] : memref<32768xi32, #tpu.memory_space<hbm>> -> memref<128xi32, #tpu.memory_space<hbm>>
      tpu.wait_dma2 semaphore(%run_scoped3A_57 : memref<!tpu.dma_semaphore, #tpu.memory_space<semaphore_mem>>) src(%dma_wait3A_71 : memref<128xi32, #tpu.memory_space<hbm>>) dst(%dma_wait3A_70 : memref<128xi32, #tpu.memory_space<vmem>>)
      tpu.yield
    }) : () -> ()
    %mul3A_42 = arith.constant 1024 : i32
    %mul3A_43 = arith.muli %add3A, %mul3A_42 : i32
    "tpu.region"() ({
      %run_scoped3A_57 = tpu.sem_alloc : memref<!tpu.dma_semaphore, #tpu.memory_space<semaphore_mem>>
      %dma_start3A = arith.constant 0 : i32
      %dma_start3A_58 = tpu.memref_slice %arg2[%mul3A_43, %dma_start3A] : memref<32768x64xf32, #tpu.memory_space<hbm>> -> memref<1024x64xf32, #tpu.memory_space<hbm>>
      %dma_start3A_59 = arith.constant 0 : i32
      %dma_start3A_60 = tpu.memref_slice %arg2[%mul3A_43, %dma_start3A_59] : memref<32768x64xf32, #tpu.memory_space<hbm>> -> memref<1024x64xf32, #tpu.memory_space<hbm>>
      tpu.enqueue_dma source(%dma_start3A_60 : memref<1024x64xf32, #tpu.memory_space<hbm>>) target(%arg7 : memref<1024x64xf32, #tpu.memory_space<vmem>>) target_semaphore(%run_scoped3A_57 : memref<!tpu.dma_semaphore, #tpu.memory_space<semaphore_mem>>)
      %dma_wait3A = arith.constant 0 : i32
      %dma_wait3A_61 = tpu.memref_slice %arg2[%mul3A_43, %dma_wait3A] : memref<32768x64xf32, #tpu.memory_space<hbm>> -> memref<1024x64xf32, #tpu.memory_space<hbm>>
      %dma_wait3A_62 = arith.constant 0 : i32
      %dma_wait3A_63 = tpu.memref_slice %arg2[%mul3A_43, %dma_wait3A_62] : memref<32768x64xf32, #tpu.memory_space<hbm>> -> memref<1024x64xf32, #tpu.memory_space<hbm>>
      tpu.wait_dma2 semaphore(%run_scoped3A_57 : memref<!tpu.dma_semaphore, #tpu.memory_space<semaphore_mem>>) src(%dma_wait3A_63 : memref<1024x64xf32, #tpu.memory_space<hbm>>) dst(%arg7 : memref<1024x64xf32, #tpu.memory_space<vmem>>)
      tpu.yield
    }) : () -> ()
    %run_scoped3A_44 = arith.constant 0 : i32
    "tpu.region"() ({
      %run_scoped3A_57 = tpu.sem_alloc : memref<!tpu.dma_semaphore, #tpu.memory_space<semaphore_mem>>
      %dma_start3A = arith.constant 0 : i32
      %dma_start3A_58 = arith.constant 0 : i32
      %dma_start3A_59 = tpu.memref_slice %arg7[%dma_start3A, %dma_start3A_58] : memref<1024x64xf32, #tpu.memory_space<vmem>> -> memref<128x64xf32, #tpu.memory_space<vmem>>
      %dma_start3A_60 = arith.constant 0 : i32
      %dma_start3A_61 = tpu.memref_slice %arg6[%run_scoped3A_44, %dma_start3A_60] : memref<8x128xi32, #tpu.memory_space<vmem>> -> memref<1x128xi32, #tpu.memory_space<vmem>>
      %dma_start3A_62 = tpu.memref_squeeze %dma_start3A_61 : memref<1x128xi32, #tpu.memory_space<vmem>> -> memref<128xi32, #tpu.memory_space<vmem>>
      %dma_start3A_63 = arith.constant 0 : i32
      %dma_start3A_64 = arith.constant 0 : i32
      %dma_start3A_65 = tpu.memref_slice %arg8[%dma_start3A_63, %dma_start3A_64] : memref<4096x64xf32, #tpu.memory_space<vmem_shared>> -> memref<4096x64xf32, #tpu.memory_space<vmem_shared>>
      tpu.enqueue_indirect_dma source(%dma_start3A_59 : memref<128x64xf32, #tpu.memory_space<vmem>>) target(%dma_start3A_65 : memref<4096x64xf32, #tpu.memory_space<vmem_shared>>) offsets(%dma_start3A_62 : memref<128xi32, #tpu.memory_space<vmem>>) semaphore(%run_scoped3A_57 : memref<!tpu.dma_semaphore, #tpu.memory_space<semaphore_mem>>) {add = true}
      %dma_wait3A = arith.constant 0 : i32
      %dma_wait3A_66 = arith.constant 0 : i32
      %dma_wait3A_67 = tpu.memref_slice %arg7[%dma_wait3A, %dma_wait3A_66] : memref<1024x64xf32, #tpu.memory_space<vmem>> -> memref<128x64xf32, #tpu.memory_space<vmem>>
      %dma_wait3A_68 = arith.constant 0 : i32
      %dma_wait3A_69 = tpu.memref_slice %arg6[%run_scoped3A_44, %dma_wait3A_68] : memref<8x128xi32, #tpu.memory_space<vmem>> -> memref<1x128xi32, #tpu.memory_space<vmem>>
      %dma_wait3A_70 = tpu.memref_squeeze %dma_wait3A_69 : memref<1x128xi32, #tpu.memory_space<vmem>> -> memref<128xi32, #tpu.memory_space<vmem>>
      %dma_wait3A_71 = arith.constant 0 : i32
      %dma_wait3A_72 = arith.constant 0 : i32
      %dma_wait3A_73 = tpu.memref_slice %arg8[%dma_wait3A_71, %dma_wait3A_72] : memref<4096x64xf32, #tpu.memory_space<vmem_shared>> -> memref<4096x64xf32, #tpu.memory_space<vmem_shared>>
      tpu.wait_indirect_dma semaphore(%run_scoped3A_57 : memref<!tpu.dma_semaphore, #tpu.memory_space<semaphore_mem>>) src(%dma_wait3A_67 : memref<128x64xf32, #tpu.memory_space<vmem>>) dst(%dma_wait3A_73 : memref<4096x64xf32, #tpu.memory_space<vmem_shared>>)
      tpu.yield
    }) : () -> ()
    %run_scoped3A_45 = arith.constant 1 : i32
    "tpu.region"() ({
      %run_scoped3A_57 = tpu.sem_alloc : memref<!tpu.dma_semaphore, #tpu.memory_space<semaphore_mem>>
      %dma_start3A = arith.constant 128 : i32
      %dma_start3A_58 = arith.constant 0 : i32
      %dma_start3A_59 = tpu.memref_slice %arg7[%dma_start3A, %dma_start3A_58] : memref<1024x64xf32, #tpu.memory_space<vmem>> -> memref<128x64xf32, #tpu.memory_space<vmem>>
      %dma_start3A_60 = arith.constant 0 : i32
      %dma_start3A_61 = tpu.memref_slice %arg6[%run_scoped3A_45, %dma_start3A_60] : memref<8x128xi32, #tpu.memory_space<vmem>> -> memref<1x128xi32, #tpu.memory_space<vmem>>
      %dma_start3A_62 = tpu.memref_squeeze %dma_start3A_61 : memref<1x128xi32, #tpu.memory_space<vmem>> -> memref<128xi32, #tpu.memory_space<vmem>>
      %dma_start3A_63 = arith.constant 0 : i32
      %dma_start3A_64 = arith.constant 0 : i32
      %dma_start3A_65 = tpu.memref_slice %arg8[%dma_start3A_63, %dma_start3A_64] : memref<4096x64xf32, #tpu.memory_space<vmem_shared>> -> memref<4096x64xf32, #tpu.memory_space<vmem_shared>>
      tpu.enqueue_indirect_dma source(%dma_start3A_59 : memref<128x64xf32, #tpu.memory_space<vmem>>) target(%dma_start3A_65 : memref<4096x64xf32, #tpu.memory_space<vmem_shared>>) offsets(%dma_start3A_62 : memref<128xi32, #tpu.memory_space<vmem>>) semaphore(%run_scoped3A_57 : memref<!tpu.dma_semaphore, #tpu.memory_space<semaphore_mem>>) {add = true}
      %dma_wait3A = arith.constant 128 : i32
      %dma_wait3A_66 = arith.constant 0 : i32
      %dma_wait3A_67 = tpu.memref_slice %arg7[%dma_wait3A, %dma_wait3A_66] : memref<1024x64xf32, #tpu.memory_space<vmem>> -> memref<128x64xf32, #tpu.memory_space<vmem>>
      %dma_wait3A_68 = arith.constant 0 : i32
      %dma_wait3A_69 = tpu.memref_slice %arg6[%run_scoped3A_45, %dma_wait3A_68] : memref<8x128xi32, #tpu.memory_space<vmem>> -> memref<1x128xi32, #tpu.memory_space<vmem>>
      %dma_wait3A_70 = tpu.memref_squeeze %dma_wait3A_69 : memref<1x128xi32, #tpu.memory_space<vmem>> -> memref<128xi32, #tpu.memory_space<vmem>>
      %dma_wait3A_71 = arith.constant 0 : i32
      %dma_wait3A_72 = arith.constant 0 : i32
      %dma_wait3A_73 = tpu.memref_slice %arg8[%dma_wait3A_71, %dma_wait3A_72] : memref<4096x64xf32, #tpu.memory_space<vmem_shared>> -> memref<4096x64xf32, #tpu.memory_space<vmem_shared>>
      tpu.wait_indirect_dma semaphore(%run_scoped3A_57 : memref<!tpu.dma_semaphore, #tpu.memory_space<semaphore_mem>>) src(%dma_wait3A_67 : memref<128x64xf32, #tpu.memory_space<vmem>>) dst(%dma_wait3A_73 : memref<4096x64xf32, #tpu.memory_space<vmem_shared>>)
      tpu.yield
    }) : () -> ()
    %run_scoped3A_46 = arith.constant 2 : i32
    "tpu.region"() ({
      %run_scoped3A_57 = tpu.sem_alloc : memref<!tpu.dma_semaphore, #tpu.memory_space<semaphore_mem>>
      %dma_start3A = arith.constant 256 : i32
      %dma_start3A_58 = arith.constant 0 : i32
      %dma_start3A_59 = tpu.memref_slice %arg7[%dma_start3A, %dma_start3A_58] : memref<1024x64xf32, #tpu.memory_space<vmem>> -> memref<128x64xf32, #tpu.memory_space<vmem>>
      %dma_start3A_60 = arith.constant 0 : i32
      %dma_start3A_61 = tpu.memref_slice %arg6[%run_scoped3A_46, %dma_start3A_60] : memref<8x128xi32, #tpu.memory_space<vmem>> -> memref<1x128xi32, #tpu.memory_space<vmem>>
      %dma_start3A_62 = tpu.memref_squeeze %dma_start3A_61 : memref<1x128xi32, #tpu.memory_space<vmem>> -> memref<128xi32, #tpu.memory_space<vmem>>
      %dma_start3A_63 = arith.constant 0 : i32
      %dma_start3A_64 = arith.constant 0 : i32
      %dma_start3A_65 = tpu.memref_slice %arg8[%dma_start3A_63, %dma_start3A_64] : memref<4096x64xf32, #tpu.memory_space<vmem_shared>> -> memref<4096x64xf32, #tpu.memory_space<vmem_shared>>
      tpu.enqueue_indirect_dma source(%dma_start3A_59 : memref<128x64xf32, #tpu.memory_space<vmem>>) target(%dma_start3A_65 : memref<4096x64xf32, #tpu.memory_space<vmem_shared>>) offsets(%dma_start3A_62 : memref<128xi32, #tpu.memory_space<vmem>>) semaphore(%run_scoped3A_57 : memref<!tpu.dma_semaphore, #tpu.memory_space<semaphore_mem>>) {add = true}
      %dma_wait3A = arith.constant 256 : i32
      %dma_wait3A_66 = arith.constant 0 : i32
      %dma_wait3A_67 = tpu.memref_slice %arg7[%dma_wait3A, %dma_wait3A_66] : memref<1024x64xf32, #tpu.memory_space<vmem>> -> memref<128x64xf32, #tpu.memory_space<vmem>>
      %dma_wait3A_68 = arith.constant 0 : i32
      %dma_wait3A_69 = tpu.memref_slice %arg6[%run_scoped3A_46, %dma_wait3A_68] : memref<8x128xi32, #tpu.memory_space<vmem>> -> memref<1x128xi32, #tpu.memory_space<vmem>>
      %dma_wait3A_70 = tpu.memref_squeeze %dma_wait3A_69 : memref<1x128xi32, #tpu.memory_space<vmem>> -> memref<128xi32, #tpu.memory_space<vmem>>
      %dma_wait3A_71 = arith.constant 0 : i32
      %dma_wait3A_72 = arith.constant 0 : i32
      %dma_wait3A_73 = tpu.memref_slice %arg8[%dma_wait3A_71, %dma_wait3A_72] : memref<4096x64xf32, #tpu.memory_space<vmem_shared>> -> memref<4096x64xf32, #tpu.memory_space<vmem_shared>>
      tpu.wait_indirect_dma semaphore(%run_scoped3A_57 : memref<!tpu.dma_semaphore, #tpu.memory_space<semaphore_mem>>) src(%dma_wait3A_67 : memref<128x64xf32, #tpu.memory_space<vmem>>) dst(%dma_wait3A_73 : memref<4096x64xf32, #tpu.memory_space<vmem_shared>>)
      tpu.yield
    }) : () -> ()
    %run_scoped3A_47 = arith.constant 3 : i32
    "tpu.region"() ({
      %run_scoped3A_57 = tpu.sem_alloc : memref<!tpu.dma_semaphore, #tpu.memory_space<semaphore_mem>>
      %dma_start3A = arith.constant 384 : i32
      %dma_start3A_58 = arith.constant 0 : i32
      %dma_start3A_59 = tpu.memref_slice %arg7[%dma_start3A, %dma_start3A_58] : memref<1024x64xf32, #tpu.memory_space<vmem>> -> memref<128x64xf32, #tpu.memory_space<vmem>>
      %dma_start3A_60 = arith.constant 0 : i32
      %dma_start3A_61 = tpu.memref_slice %arg6[%run_scoped3A_47, %dma_start3A_60] : memref<8x128xi32, #tpu.memory_space<vmem>> -> memref<1x128xi32, #tpu.memory_space<vmem>>
      %dma_start3A_62 = tpu.memref_squeeze %dma_start3A_61 : memref<1x128xi32, #tpu.memory_space<vmem>> -> memref<128xi32, #tpu.memory_space<vmem>>
      %dma_start3A_63 = arith.constant 0 : i32
      %dma_start3A_64 = arith.constant 0 : i32
      %dma_start3A_65 = tpu.memref_slice %arg8[%dma_start3A_63, %dma_start3A_64] : memref<4096x64xf32, #tpu.memory_space<vmem_shared>> -> memref<4096x64xf32, #tpu.memory_space<vmem_shared>>
      tpu.enqueue_indirect_dma source(%dma_start3A_59 : memref<128x64xf32, #tpu.memory_space<vmem>>) target(%dma_start3A_65 : memref<4096x64xf32, #tpu.memory_space<vmem_shared>>) offsets(%dma_start3A_62 : memref<128xi32, #tpu.memory_space<vmem>>) semaphore(%run_scoped3A_57 : memref<!tpu.dma_semaphore, #tpu.memory_space<semaphore_mem>>) {add = true}
      %dma_wait3A = arith.constant 384 : i32
      %dma_wait3A_66 = arith.constant 0 : i32
      %dma_wait3A_67 = tpu.memref_slice %arg7[%dma_wait3A, %dma_wait3A_66] : memref<1024x64xf32, #tpu.memory_space<vmem>> -> memref<128x64xf32, #tpu.memory_space<vmem>>
      %dma_wait3A_68 = arith.constant 0 : i32
      %dma_wait3A_69 = tpu.memref_slice %arg6[%run_scoped3A_47, %dma_wait3A_68] : memref<8x128xi32, #tpu.memory_space<vmem>> -> memref<1x128xi32, #tpu.memory_space<vmem>>
      %dma_wait3A_70 = tpu.memref_squeeze %dma_wait3A_69 : memref<1x128xi32, #tpu.memory_space<vmem>> -> memref<128xi32, #tpu.memory_space<vmem>>
      %dma_wait3A_71 = arith.constant 0 : i32
      %dma_wait3A_72 = arith.constant 0 : i32
      %dma_wait3A_73 = tpu.memref_slice %arg8[%dma_wait3A_71, %dma_wait3A_72] : memref<4096x64xf32, #tpu.memory_space<vmem_shared>> -> memref<4096x64xf32, #tpu.memory_space<vmem_shared>>
      tpu.wait_indirect_dma semaphore(%run_scoped3A_57 : memref<!tpu.dma_semaphore, #tpu.memory_space<semaphore_mem>>) src(%dma_wait3A_67 : memref<128x64xf32, #tpu.memory_space<vmem>>) dst(%dma_wait3A_73 : memref<4096x64xf32, #tpu.memory_space<vmem_shared>>)
      tpu.yield
    }) : () -> ()
    %run_scoped3A_48 = arith.constant 4 : i32
    "tpu.region"() ({
      %run_scoped3A_57 = tpu.sem_alloc : memref<!tpu.dma_semaphore, #tpu.memory_space<semaphore_mem>>
      %dma_start3A = arith.constant 512 : i32
      %dma_start3A_58 = arith.constant 0 : i32
      %dma_start3A_59 = tpu.memref_slice %arg7[%dma_start3A, %dma_start3A_58] : memref<1024x64xf32, #tpu.memory_space<vmem>> -> memref<128x64xf32, #tpu.memory_space<vmem>>
      %dma_start3A_60 = arith.constant 0 : i32
      %dma_start3A_61 = tpu.memref_slice %arg6[%run_scoped3A_48, %dma_start3A_60] : memref<8x128xi32, #tpu.memory_space<vmem>> -> memref<1x128xi32, #tpu.memory_space<vmem>>
      %dma_start3A_62 = tpu.memref_squeeze %dma_start3A_61 : memref<1x128xi32, #tpu.memory_space<vmem>> -> memref<128xi32, #tpu.memory_space<vmem>>
      %dma_start3A_63 = arith.constant 0 : i32
      %dma_start3A_64 = arith.constant 0 : i32
      %dma_start3A_65 = tpu.memref_slice %arg8[%dma_start3A_63, %dma_start3A_64] : memref<4096x64xf32, #tpu.memory_space<vmem_shared>> -> memref<4096x64xf32, #tpu.memory_space<vmem_shared>>
      tpu.enqueue_indirect_dma source(%dma_start3A_59 : memref<128x64xf32, #tpu.memory_space<vmem>>) target(%dma_start3A_65 : memref<4096x64xf32, #tpu.memory_space<vmem_shared>>) offsets(%dma_start3A_62 : memref<128xi32, #tpu.memory_space<vmem>>) semaphore(%run_scoped3A_57 : memref<!tpu.dma_semaphore, #tpu.memory_space<semaphore_mem>>) {add = true}
      %dma_wait3A = arith.constant 512 : i32
      %dma_wait3A_66 = arith.constant 0 : i32
      %dma_wait3A_67 = tpu.memref_slice %arg7[%dma_wait3A, %dma_wait3A_66] : memref<1024x64xf32, #tpu.memory_space<vmem>> -> memref<128x64xf32, #tpu.memory_space<vmem>>
      %dma_wait3A_68 = arith.constant 0 : i32
      %dma_wait3A_69 = tpu.memref_slice %arg6[%run_scoped3A_48, %dma_wait3A_68] : memref<8x128xi32, #tpu.memory_space<vmem>> -> memref<1x128xi32, #tpu.memory_space<vmem>>
      %dma_wait3A_70 = tpu.memref_squeeze %dma_wait3A_69 : memref<1x128xi32, #tpu.memory_space<vmem>> -> memref<128xi32, #tpu.memory_space<vmem>>
      %dma_wait3A_71 = arith.constant 0 : i32
      %dma_wait3A_72 = arith.constant 0 : i32
      %dma_wait3A_73 = tpu.memref_slice %arg8[%dma_wait3A_71, %dma_wait3A_72] : memref<4096x64xf32, #tpu.memory_space<vmem_shared>> -> memref<4096x64xf32, #tpu.memory_space<vmem_shared>>
      tpu.wait_indirect_dma semaphore(%run_scoped3A_57 : memref<!tpu.dma_semaphore, #tpu.memory_space<semaphore_mem>>) src(%dma_wait3A_67 : memref<128x64xf32, #tpu.memory_space<vmem>>) dst(%dma_wait3A_73 : memref<4096x64xf32, #tpu.memory_space<vmem_shared>>)
      tpu.yield
    }) : () -> ()
    %run_scoped3A_49 = arith.constant 5 : i32
    "tpu.region"() ({
      %run_scoped3A_57 = tpu.sem_alloc : memref<!tpu.dma_semaphore, #tpu.memory_space<semaphore_mem>>
      %dma_start3A = arith.constant 640 : i32
      %dma_start3A_58 = arith.constant 0 : i32
      %dma_start3A_59 = tpu.memref_slice %arg7[%dma_start3A, %dma_start3A_58] : memref<1024x64xf32, #tpu.memory_space<vmem>> -> memref<128x64xf32, #tpu.memory_space<vmem>>
      %dma_start3A_60 = arith.constant 0 : i32
      %dma_start3A_61 = tpu.memref_slice %arg6[%run_scoped3A_49, %dma_start3A_60] : memref<8x128xi32, #tpu.memory_space<vmem>> -> memref<1x128xi32, #tpu.memory_space<vmem>>
      %dma_start3A_62 = tpu.memref_squeeze %dma_start3A_61 : memref<1x128xi32, #tpu.memory_space<vmem>> -> memref<128xi32, #tpu.memory_space<vmem>>
      %dma_start3A_63 = arith.constant 0 : i32
      %dma_start3A_64 = arith.constant 0 : i32
      %dma_start3A_65 = tpu.memref_slice %arg8[%dma_start3A_63, %dma_start3A_64] : memref<4096x64xf32, #tpu.memory_space<vmem_shared>> -> memref<4096x64xf32, #tpu.memory_space<vmem_shared>>
      tpu.enqueue_indirect_dma source(%dma_start3A_59 : memref<128x64xf32, #tpu.memory_space<vmem>>) target(%dma_start3A_65 : memref<4096x64xf32, #tpu.memory_space<vmem_shared>>) offsets(%dma_start3A_62 : memref<128xi32, #tpu.memory_space<vmem>>) semaphore(%run_scoped3A_57 : memref<!tpu.dma_semaphore, #tpu.memory_space<semaphore_mem>>) {add = true}
      %dma_wait3A = arith.constant 640 : i32
      %dma_wait3A_66 = arith.constant 0 : i32
      %dma_wait3A_67 = tpu.memref_slice %arg7[%dma_wait3A, %dma_wait3A_66] : memref<1024x64xf32, #tpu.memory_space<vmem>> -> memref<128x64xf32, #tpu.memory_space<vmem>>
      %dma_wait3A_68 = arith.constant 0 : i32
      %dma_wait3A_69 = tpu.memref_slice %arg6[%run_scoped3A_49, %dma_wait3A_68] : memref<8x128xi32, #tpu.memory_space<vmem>> -> memref<1x128xi32, #tpu.memory_space<vmem>>
      %dma_wait3A_70 = tpu.memref_squeeze %dma_wait3A_69 : memref<1x128xi32, #tpu.memory_space<vmem>> -> memref<128xi32, #tpu.memory_space<vmem>>
      %dma_wait3A_71 = arith.constant 0 : i32
      %dma_wait3A_72 = arith.constant 0 : i32
      %dma_wait3A_73 = tpu.memref_slice %arg8[%dma_wait3A_71, %dma_wait3A_72] : memref<4096x64xf32, #tpu.memory_space<vmem_shared>> -> memref<4096x64xf32, #tpu.memory_space<vmem_shared>>
      tpu.wait_indirect_dma semaphore(%run_scoped3A_57 : memref<!tpu.dma_semaphore, #tpu.memory_space<semaphore_mem>>) src(%dma_wait3A_67 : memref<128x64xf32, #tpu.memory_space<vmem>>) dst(%dma_wait3A_73 : memref<4096x64xf32, #tpu.memory_space<vmem_shared>>)
      tpu.yield
    }) : () -> ()
    %run_scoped3A_50 = arith.constant 6 : i32
    "tpu.region"() ({
      %run_scoped3A_57 = tpu.sem_alloc : memref<!tpu.dma_semaphore, #tpu.memory_space<semaphore_mem>>
      %dma_start3A = arith.constant 768 : i32
      %dma_start3A_58 = arith.constant 0 : i32
      %dma_start3A_59 = tpu.memref_slice %arg7[%dma_start3A, %dma_start3A_58] : memref<1024x64xf32, #tpu.memory_space<vmem>> -> memref<128x64xf32, #tpu.memory_space<vmem>>
      %dma_start3A_60 = arith.constant 0 : i32
      %dma_start3A_61 = tpu.memref_slice %arg6[%run_scoped3A_50, %dma_start3A_60] : memref<8x128xi32, #tpu.memory_space<vmem>> -> memref<1x128xi32, #tpu.memory_space<vmem>>
      %dma_start3A_62 = tpu.memref_squeeze %dma_start3A_61 : memref<1x128xi32, #tpu.memory_space<vmem>> -> memref<128xi32, #tpu.memory_space<vmem>>
      %dma_start3A_63 = arith.constant 0 : i32
      %dma_start3A_64 = arith.constant 0 : i32
      %dma_start3A_65 = tpu.memref_slice %arg8[%dma_start3A_63, %dma_start3A_64] : memref<4096x64xf32, #tpu.memory_space<vmem_shared>> -> memref<4096x64xf32, #tpu.memory_space<vmem_shared>>
      tpu.enqueue_indirect_dma source(%dma_start3A_59 : memref<128x64xf32, #tpu.memory_space<vmem>>) target(%dma_start3A_65 : memref<4096x64xf32, #tpu.memory_space<vmem_shared>>) offsets(%dma_start3A_62 : memref<128xi32, #tpu.memory_space<vmem>>) semaphore(%run_scoped3A_57 : memref<!tpu.dma_semaphore, #tpu.memory_space<semaphore_mem>>) {add = true}
      %dma_wait3A = arith.constant 768 : i32
      %dma_wait3A_66 = arith.constant 0 : i32
      %dma_wait3A_67 = tpu.memref_slice %arg7[%dma_wait3A, %dma_wait3A_66] : memref<1024x64xf32, #tpu.memory_space<vmem>> -> memref<128x64xf32, #tpu.memory_space<vmem>>
      %dma_wait3A_68 = arith.constant 0 : i32
      %dma_wait3A_69 = tpu.memref_slice %arg6[%run_scoped3A_50, %dma_wait3A_68] : memref<8x128xi32, #tpu.memory_space<vmem>> -> memref<1x128xi32, #tpu.memory_space<vmem>>
      %dma_wait3A_70 = tpu.memref_squeeze %dma_wait3A_69 : memref<1x128xi32, #tpu.memory_space<vmem>> -> memref<128xi32, #tpu.memory_space<vmem>>
      %dma_wait3A_71 = arith.constant 0 : i32
      %dma_wait3A_72 = arith.constant 0 : i32
      %dma_wait3A_73 = tpu.memref_slice %arg8[%dma_wait3A_71, %dma_wait3A_72] : memref<4096x64xf32, #tpu.memory_space<vmem_shared>> -> memref<4096x64xf32, #tpu.memory_space<vmem_shared>>
      tpu.wait_indirect_dma semaphore(%run_scoped3A_57 : memref<!tpu.dma_semaphore, #tpu.memory_space<semaphore_mem>>) src(%dma_wait3A_67 : memref<128x64xf32, #tpu.memory_space<vmem>>) dst(%dma_wait3A_73 : memref<4096x64xf32, #tpu.memory_space<vmem_shared>>)
      tpu.yield
    }) : () -> ()
    %run_scoped3A_51 = arith.constant 7 : i32
    "tpu.region"() ({
      %run_scoped3A_57 = tpu.sem_alloc : memref<!tpu.dma_semaphore, #tpu.memory_space<semaphore_mem>>
      %dma_start3A = arith.constant 896 : i32
      %dma_start3A_58 = arith.constant 0 : i32
      %dma_start3A_59 = tpu.memref_slice %arg7[%dma_start3A, %dma_start3A_58] : memref<1024x64xf32, #tpu.memory_space<vmem>> -> memref<128x64xf32, #tpu.memory_space<vmem>>
      %dma_start3A_60 = arith.constant 0 : i32
      %dma_start3A_61 = tpu.memref_slice %arg6[%run_scoped3A_51, %dma_start3A_60] : memref<8x128xi32, #tpu.memory_space<vmem>> -> memref<1x128xi32, #tpu.memory_space<vmem>>
      %dma_start3A_62 = tpu.memref_squeeze %dma_start3A_61 : memref<1x128xi32, #tpu.memory_space<vmem>> -> memref<128xi32, #tpu.memory_space<vmem>>
      %dma_start3A_63 = arith.constant 0 : i32
      %dma_start3A_64 = arith.constant 0 : i32
      %dma_start3A_65 = tpu.memref_slice %arg8[%dma_start3A_63, %dma_start3A_64] : memref<4096x64xf32, #tpu.memory_space<vmem_shared>> -> memref<4096x64xf32, #tpu.memory_space<vmem_shared>>
      tpu.enqueue_indirect_dma source(%dma_start3A_59 : memref<128x64xf32, #tpu.memory_space<vmem>>) target(%dma_start3A_65 : memref<4096x64xf32, #tpu.memory_space<vmem_shared>>) offsets(%dma_start3A_62 : memref<128xi32, #tpu.memory_space<vmem>>) semaphore(%run_scoped3A_57 : memref<!tpu.dma_semaphore, #tpu.memory_space<semaphore_mem>>) {add = true}
      %dma_wait3A = arith.constant 896 : i32
      %dma_wait3A_66 = arith.constant 0 : i32
      %dma_wait3A_67 = tpu.memref_slice %arg7[%dma_wait3A, %dma_wait3A_66] : memref<1024x64xf32, #tpu.memory_space<vmem>> -> memref<128x64xf32, #tpu.memory_space<vmem>>
      %dma_wait3A_68 = arith.constant 0 : i32
      %dma_wait3A_69 = tpu.memref_slice %arg6[%run_scoped3A_51, %dma_wait3A_68] : memref<8x128xi32, #tpu.memory_space<vmem>> -> memref<1x128xi32, #tpu.memory_space<vmem>>
      %dma_wait3A_70 = tpu.memref_squeeze %dma_wait3A_69 : memref<1x128xi32, #tpu.memory_space<vmem>> -> memref<128xi32, #tpu.memory_space<vmem>>
      %dma_wait3A_71 = arith.constant 0 : i32
      %dma_wait3A_72 = arith.constant 0 : i32
      %dma_wait3A_73 = tpu.memref_slice %arg8[%dma_wait3A_71, %dma_wait3A_72] : memref<4096x64xf32, #tpu.memory_space<vmem_shared>> -> memref<4096x64xf32, #tpu.memory_space<vmem_shared>>
      tpu.wait_indirect_dma semaphore(%run_scoped3A_57 : memref<!tpu.dma_semaphore, #tpu.memory_space<semaphore_mem>>) src(%dma_wait3A_67 : memref<128x64xf32, #tpu.memory_space<vmem>>) dst(%dma_wait3A_73 : memref<4096x64xf32, #tpu.memory_space<vmem_shared>>)
      tpu.yield
    }) : () -> ()
    %barrier3A_52 = arith.constant 0 : index
    tpu.barrier barrier_id(%barrier3A_52)
    %mul3A_53 = arith.constant 256 : i32
    %mul3A_54 = arith.muli %arg1, %mul3A_53 : i32
    %mul3A_55 = arith.constant 256 : i32
    %mul3A_56 = arith.muli %arg1, %mul3A_55 : i32
    "tpu.region"() ({
      %run_scoped3A_57 = tpu.sem_alloc : memref<!tpu.dma_semaphore, #tpu.memory_space<semaphore_mem>>
      %dma_start3A = arith.constant 0 : i32
      %dma_start3A_58 = arith.constant 0 : i32
      %dma_start3A_59 = tpu.memref_slice %arg5[%arg0, %dma_start3A, %dma_start3A_58] : memref<2x4096x64xf32, #tpu.memory_space<hbm>> -> memref<1x4096x64xf32, #tpu.memory_space<hbm>>
      %dma_start3A_60 = tpu.memref_squeeze %dma_start3A_59 : memref<1x4096x64xf32, #tpu.memory_space<hbm>> -> memref<4096x64xf32, #tpu.memory_space<hbm>>
      %dma_start3A_61 = arith.constant 0 : i32
      %dma_start3A_62 = tpu.memref_slice %dma_start3A_60[%mul3A_56, %dma_start3A_61] : memref<4096x64xf32, #tpu.memory_space<hbm>> -> memref<256x64xf32, #tpu.memory_space<hbm>>
      %dma_start3A_63 = arith.constant 0 : i32
      %dma_start3A_64 = tpu.memref_slice %arg8[%mul3A_54, %dma_start3A_63] : memref<4096x64xf32, #tpu.memory_space<vmem_shared>> -> memref<256x64xf32, #tpu.memory_space<vmem_shared>>
      tpu.enqueue_dma source(%dma_start3A_64 : memref<256x64xf32, #tpu.memory_space<vmem_shared>>) target(%dma_start3A_62 : memref<256x64xf32, #tpu.memory_space<hbm>>) target_semaphore(%run_scoped3A_57 : memref<!tpu.dma_semaphore, #tpu.memory_space<semaphore_mem>>)
      %dma_wait3A = arith.constant 0 : i32
      %dma_wait3A_65 = arith.constant 0 : i32
      %dma_wait3A_66 = tpu.memref_slice %arg5[%arg0, %dma_wait3A, %dma_wait3A_65] : memref<2x4096x64xf32, #tpu.memory_space<hbm>> -> memref<1x4096x64xf32, #tpu.memory_space<hbm>>
      %dma_wait3A_67 = tpu.memref_squeeze %dma_wait3A_66 : memref<1x4096x64xf32, #tpu.memory_space<hbm>> -> memref<4096x64xf32, #tpu.memory_space<hbm>>
      %dma_wait3A_68 = arith.constant 0 : i32
      %dma_wait3A_69 = tpu.memref_slice %dma_wait3A_67[%mul3A_56, %dma_wait3A_68] : memref<4096x64xf32, #tpu.memory_space<hbm>> -> memref<256x64xf32, #tpu.memory_space<hbm>>
      %dma_wait3A_70 = arith.constant 0 : i32
      %dma_wait3A_71 = tpu.memref_slice %arg8[%mul3A_54, %dma_wait3A_70] : memref<4096x64xf32, #tpu.memory_space<vmem_shared>> -> memref<256x64xf32, #tpu.memory_space<vmem_shared>>
      tpu.wait_dma2 semaphore(%run_scoped3A_57 : memref<!tpu.dma_semaphore, #tpu.memory_space<semaphore_mem>>) src(%dma_wait3A_71 : memref<256x64xf32, #tpu.memory_space<vmem_shared>>) dst(%dma_wait3A_69 : memref<256x64xf32, #tpu.memory_space<hbm>>)
      tpu.yield
    }) : () -> ()
    return
  }
}

#map = affine_map<(d0, d1) -> (0, 0)>
#map1 = affine_map<(d0, d1) -> (0)>
module attributes {stable_mosaic.version = 14 : i64} {
  func.func @_gather_body(%arg0: i32, %arg1: i32, %arg2: memref<1000x64xf32, #tpu.memory_space<hbm>>, %arg3: memref<100000x64xf32, #tpu.memory_space<hbm>>, %arg4: memref<32768xi32, #tpu.memory_space<hbm>>, %arg5: memref<32768xi32, #tpu.memory_space<hbm>>, %arg6: memref<32768x128xf32, #tpu.memory_space<hbm>>, %arg7: memref<16x128xi32, #tpu.memory_space<vmem>>, %arg8: memref<512x64xf32, #tpu.memory_space<vmem>>, %arg9: memref<512x64xf32, #tpu.memory_space<vmem>>, %arg10: memref<!tpu.dma_semaphore, #tpu.memory_space<semaphore_mem>>, %arg11: memref<!tpu.dma_semaphore, #tpu.memory_space<semaphore_mem>>) attributes {dimension_semantics = [#tpu.dimension_semantics<core_parallel>, #tpu.dimension_semantics<subcore_parallel>], iteration_bounds = array<i64: 2, 16>, scalar_prefetch = 0 : i64, scratch_operands = 5 : i64, tpu.core_type = #tpu.core_type<sc_vector_subcore>, window_params = [{transform_indices = #map}, {transform_indices = #map}, {transform_indices = #map1}, {transform_indices = #map1}, {transform_indices = #map}]} {
    %mul3A = arith.constant 2 : i32
    %mul3A_0 = arith.muli %arg1, %mul3A : i32
    %add3A = arith.addi %mul3A_0, %arg0 : i32
    %mul3A_1 = arith.constant 1024 : i32
    %mul3A_2 = arith.muli %add3A, %mul3A_1 : i32
    %add3A_3 = arith.constant 0 : i32
    %add3A_4 = arith.addi %mul3A_2, %add3A_3 : i32
    %run_scoped3A = arith.constant 0 : i32
    "tpu.region"() ({
      %run_scoped3A_408 = tpu.sem_alloc : memref<!tpu.dma_semaphore, #tpu.memory_space<semaphore_mem>>
      %dma_start3A_409 = arith.constant 0 : i32
      %dma_start3A_410 = tpu.memref_slice %arg7[%run_scoped3A, %dma_start3A_409] : memref<16x128xi32, #tpu.memory_space<vmem>> -> memref<1x128xi32, #tpu.memory_space<vmem>>
      %dma_start3A_411 = tpu.memref_squeeze %dma_start3A_410 : memref<1x128xi32, #tpu.memory_space<vmem>> -> memref<128xi32, #tpu.memory_space<vmem>>
      %dma_start3A_412 = tpu.memref_slice %arg4[%add3A_4] : memref<32768xi32, #tpu.memory_space<hbm>> -> memref<128xi32, #tpu.memory_space<hbm>>
      %dma_start3A_413 = arith.constant 0 : i32
      %dma_start3A_414 = tpu.memref_slice %arg7[%run_scoped3A, %dma_start3A_413] : memref<16x128xi32, #tpu.memory_space<vmem>> -> memref<1x128xi32, #tpu.memory_space<vmem>>
      %dma_start3A_415 = tpu.memref_squeeze %dma_start3A_414 : memref<1x128xi32, #tpu.memory_space<vmem>> -> memref<128xi32, #tpu.memory_space<vmem>>
      %dma_start3A_416 = tpu.memref_slice %arg4[%add3A_4] : memref<32768xi32, #tpu.memory_space<hbm>> -> memref<128xi32, #tpu.memory_space<hbm>>
      tpu.enqueue_dma source(%dma_start3A_416 : memref<128xi32, #tpu.memory_space<hbm>>) target(%dma_start3A_415 : memref<128xi32, #tpu.memory_space<vmem>>) target_semaphore(%run_scoped3A_408 : memref<!tpu.dma_semaphore, #tpu.memory_space<semaphore_mem>>)
      %dma_wait3A_417 = arith.constant 0 : i32
      %dma_wait3A_418 = tpu.memref_slice %arg7[%run_scoped3A, %dma_wait3A_417] : memref<16x128xi32, #tpu.memory_space<vmem>> -> memref<1x128xi32, #tpu.memory_space<vmem>>
      %dma_wait3A_419 = tpu.memref_squeeze %dma_wait3A_418 : memref<1x128xi32, #tpu.memory_space<vmem>> -> memref<128xi32, #tpu.memory_space<vmem>>
      %dma_wait3A_420 = tpu.memref_slice %arg4[%add3A_4] : memref<32768xi32, #tpu.memory_space<hbm>> -> memref<128xi32, #tpu.memory_space<hbm>>
      %dma_wait3A_421 = arith.constant 0 : i32
      %dma_wait3A_422 = tpu.memref_slice %arg7[%run_scoped3A, %dma_wait3A_421] : memref<16x128xi32, #tpu.memory_space<vmem>> -> memref<1x128xi32, #tpu.memory_space<vmem>>
      %dma_wait3A_423 = tpu.memref_squeeze %dma_wait3A_422 : memref<1x128xi32, #tpu.memory_space<vmem>> -> memref<128xi32, #tpu.memory_space<vmem>>
      %dma_wait3A_424 = tpu.memref_slice %arg4[%add3A_4] : memref<32768xi32, #tpu.memory_space<hbm>> -> memref<128xi32, #tpu.memory_space<hbm>>
      tpu.wait_dma2 semaphore(%run_scoped3A_408 : memref<!tpu.dma_semaphore, #tpu.memory_space<semaphore_mem>>) src(%dma_wait3A_424 : memref<128xi32, #tpu.memory_space<hbm>>) dst(%dma_wait3A_423 : memref<128xi32, #tpu.memory_space<vmem>>)
      tpu.yield
    }) : () -> ()
    %add3A_5 = arith.constant 0 : i32
    %add3A_6 = arith.addi %mul3A_2, %add3A_5 : i32
    %run_scoped3A_7 = arith.constant 8 : i32
    "tpu.region"() ({
      %run_scoped3A_408 = tpu.sem_alloc : memref<!tpu.dma_semaphore, #tpu.memory_space<semaphore_mem>>
      %dma_start3A_409 = arith.constant 0 : i32
      %dma_start3A_410 = tpu.memref_slice %arg7[%run_scoped3A_7, %dma_start3A_409] : memref<16x128xi32, #tpu.memory_space<vmem>> -> memref<1x128xi32, #tpu.memory_space<vmem>>
      %dma_start3A_411 = tpu.memref_squeeze %dma_start3A_410 : memref<1x128xi32, #tpu.memory_space<vmem>> -> memref<128xi32, #tpu.memory_space<vmem>>
      %dma_start3A_412 = tpu.memref_slice %arg5[%add3A_6] : memref<32768xi32, #tpu.memory_space<hbm>> -> memref<128xi32, #tpu.memory_space<hbm>>
      %dma_start3A_413 = arith.constant 0 : i32
      %dma_start3A_414 = tpu.memref_slice %arg7[%run_scoped3A_7, %dma_start3A_413] : memref<16x128xi32, #tpu.memory_space<vmem>> -> memref<1x128xi32, #tpu.memory_space<vmem>>
      %dma_start3A_415 = tpu.memref_squeeze %dma_start3A_414 : memref<1x128xi32, #tpu.memory_space<vmem>> -> memref<128xi32, #tpu.memory_space<vmem>>
      %dma_start3A_416 = tpu.memref_slice %arg5[%add3A_6] : memref<32768xi32, #tpu.memory_space<hbm>> -> memref<128xi32, #tpu.memory_space<hbm>>
      tpu.enqueue_dma source(%dma_start3A_416 : memref<128xi32, #tpu.memory_space<hbm>>) target(%dma_start3A_415 : memref<128xi32, #tpu.memory_space<vmem>>) target_semaphore(%run_scoped3A_408 : memref<!tpu.dma_semaphore, #tpu.memory_space<semaphore_mem>>)
      %dma_wait3A_417 = arith.constant 0 : i32
      %dma_wait3A_418 = tpu.memref_slice %arg7[%run_scoped3A_7, %dma_wait3A_417] : memref<16x128xi32, #tpu.memory_space<vmem>> -> memref<1x128xi32, #tpu.memory_space<vmem>>
      %dma_wait3A_419 = tpu.memref_squeeze %dma_wait3A_418 : memref<1x128xi32, #tpu.memory_space<vmem>> -> memref<128xi32, #tpu.memory_space<vmem>>
      %dma_wait3A_420 = tpu.memref_slice %arg5[%add3A_6] : memref<32768xi32, #tpu.memory_space<hbm>> -> memref<128xi32, #tpu.memory_space<hbm>>
      %dma_wait3A_421 = arith.constant 0 : i32
      %dma_wait3A_422 = tpu.memref_slice %arg7[%run_scoped3A_7, %dma_wait3A_421] : memref<16x128xi32, #tpu.memory_space<vmem>> -> memref<1x128xi32, #tpu.memory_space<vmem>>
      %dma_wait3A_423 = tpu.memref_squeeze %dma_wait3A_422 : memref<1x128xi32, #tpu.memory_space<vmem>> -> memref<128xi32, #tpu.memory_space<vmem>>
      %dma_wait3A_424 = tpu.memref_slice %arg5[%add3A_6] : memref<32768xi32, #tpu.memory_space<hbm>> -> memref<128xi32, #tpu.memory_space<hbm>>
      tpu.wait_dma2 semaphore(%run_scoped3A_408 : memref<!tpu.dma_semaphore, #tpu.memory_space<semaphore_mem>>) src(%dma_wait3A_424 : memref<128xi32, #tpu.memory_space<hbm>>) dst(%dma_wait3A_423 : memref<128xi32, #tpu.memory_space<vmem>>)
      tpu.yield
    }) : () -> ()
    %add3A_8 = arith.constant 128 : i32
    %add3A_9 = arith.addi %mul3A_2, %add3A_8 : i32
    %run_scoped3A_10 = arith.constant 1 : i32
    "tpu.region"() ({
      %run_scoped3A_408 = tpu.sem_alloc : memref<!tpu.dma_semaphore, #tpu.memory_space<semaphore_mem>>
      %dma_start3A_409 = arith.constant 0 : i32
      %dma_start3A_410 = tpu.memref_slice %arg7[%run_scoped3A_10, %dma_start3A_409] : memref<16x128xi32, #tpu.memory_space<vmem>> -> memref<1x128xi32, #tpu.memory_space<vmem>>
      %dma_start3A_411 = tpu.memref_squeeze %dma_start3A_410 : memref<1x128xi32, #tpu.memory_space<vmem>> -> memref<128xi32, #tpu.memory_space<vmem>>
      %dma_start3A_412 = tpu.memref_slice %arg4[%add3A_9] : memref<32768xi32, #tpu.memory_space<hbm>> -> memref<128xi32, #tpu.memory_space<hbm>>
      %dma_start3A_413 = arith.constant 0 : i32
      %dma_start3A_414 = tpu.memref_slice %arg7[%run_scoped3A_10, %dma_start3A_413] : memref<16x128xi32, #tpu.memory_space<vmem>> -> memref<1x128xi32, #tpu.memory_space<vmem>>
      %dma_start3A_415 = tpu.memref_squeeze %dma_start3A_414 : memref<1x128xi32, #tpu.memory_space<vmem>> -> memref<128xi32, #tpu.memory_space<vmem>>
      %dma_start3A_416 = tpu.memref_slice %arg4[%add3A_9] : memref<32768xi32, #tpu.memory_space<hbm>> -> memref<128xi32, #tpu.memory_space<hbm>>
      tpu.enqueue_dma source(%dma_start3A_416 : memref<128xi32, #tpu.memory_space<hbm>>) target(%dma_start3A_415 : memref<128xi32, #tpu.memory_space<vmem>>) target_semaphore(%run_scoped3A_408 : memref<!tpu.dma_semaphore, #tpu.memory_space<semaphore_mem>>)
      %dma_wait3A_417 = arith.constant 0 : i32
      %dma_wait3A_418 = tpu.memref_slice %arg7[%run_scoped3A_10, %dma_wait3A_417] : memref<16x128xi32, #tpu.memory_space<vmem>> -> memref<1x128xi32, #tpu.memory_space<vmem>>
      %dma_wait3A_419 = tpu.memref_squeeze %dma_wait3A_418 : memref<1x128xi32, #tpu.memory_space<vmem>> -> memref<128xi32, #tpu.memory_space<vmem>>
      %dma_wait3A_420 = tpu.memref_slice %arg4[%add3A_9] : memref<32768xi32, #tpu.memory_space<hbm>> -> memref<128xi32, #tpu.memory_space<hbm>>
      %dma_wait3A_421 = arith.constant 0 : i32
      %dma_wait3A_422 = tpu.memref_slice %arg7[%run_scoped3A_10, %dma_wait3A_421] : memref<16x128xi32, #tpu.memory_space<vmem>> -> memref<1x128xi32, #tpu.memory_space<vmem>>
      %dma_wait3A_423 = tpu.memref_squeeze %dma_wait3A_422 : memref<1x128xi32, #tpu.memory_space<vmem>> -> memref<128xi32, #tpu.memory_space<vmem>>
      %dma_wait3A_424 = tpu.memref_slice %arg4[%add3A_9] : memref<32768xi32, #tpu.memory_space<hbm>> -> memref<128xi32, #tpu.memory_space<hbm>>
      tpu.wait_dma2 semaphore(%run_scoped3A_408 : memref<!tpu.dma_semaphore, #tpu.memory_space<semaphore_mem>>) src(%dma_wait3A_424 : memref<128xi32, #tpu.memory_space<hbm>>) dst(%dma_wait3A_423 : memref<128xi32, #tpu.memory_space<vmem>>)
      tpu.yield
    }) : () -> ()
    %add3A_11 = arith.constant 128 : i32
    %add3A_12 = arith.addi %mul3A_2, %add3A_11 : i32
    %run_scoped3A_13 = arith.constant 9 : i32
    "tpu.region"() ({
      %run_scoped3A_408 = tpu.sem_alloc : memref<!tpu.dma_semaphore, #tpu.memory_space<semaphore_mem>>
      %dma_start3A_409 = arith.constant 0 : i32
      %dma_start3A_410 = tpu.memref_slice %arg7[%run_scoped3A_13, %dma_start3A_409] : memref<16x128xi32, #tpu.memory_space<vmem>> -> memref<1x128xi32, #tpu.memory_space<vmem>>
      %dma_start3A_411 = tpu.memref_squeeze %dma_start3A_410 : memref<1x128xi32, #tpu.memory_space<vmem>> -> memref<128xi32, #tpu.memory_space<vmem>>
      %dma_start3A_412 = tpu.memref_slice %arg5[%add3A_12] : memref<32768xi32, #tpu.memory_space<hbm>> -> memref<128xi32, #tpu.memory_space<hbm>>
      %dma_start3A_413 = arith.constant 0 : i32
      %dma_start3A_414 = tpu.memref_slice %arg7[%run_scoped3A_13, %dma_start3A_413] : memref<16x128xi32, #tpu.memory_space<vmem>> -> memref<1x128xi32, #tpu.memory_space<vmem>>
      %dma_start3A_415 = tpu.memref_squeeze %dma_start3A_414 : memref<1x128xi32, #tpu.memory_space<vmem>> -> memref<128xi32, #tpu.memory_space<vmem>>
      %dma_start3A_416 = tpu.memref_slice %arg5[%add3A_12] : memref<32768xi32, #tpu.memory_space<hbm>> -> memref<128xi32, #tpu.memory_space<hbm>>
      tpu.enqueue_dma source(%dma_start3A_416 : memref<128xi32, #tpu.memory_space<hbm>>) target(%dma_start3A_415 : memref<128xi32, #tpu.memory_space<vmem>>) target_semaphore(%run_scoped3A_408 : memref<!tpu.dma_semaphore, #tpu.memory_space<semaphore_mem>>)
      %dma_wait3A_417 = arith.constant 0 : i32
      %dma_wait3A_418 = tpu.memref_slice %arg7[%run_scoped3A_13, %dma_wait3A_417] : memref<16x128xi32, #tpu.memory_space<vmem>> -> memref<1x128xi32, #tpu.memory_space<vmem>>
      %dma_wait3A_419 = tpu.memref_squeeze %dma_wait3A_418 : memref<1x128xi32, #tpu.memory_space<vmem>> -> memref<128xi32, #tpu.memory_space<vmem>>
      %dma_wait3A_420 = tpu.memref_slice %arg5[%add3A_12] : memref<32768xi32, #tpu.memory_space<hbm>> -> memref<128xi32, #tpu.memory_space<hbm>>
      %dma_wait3A_421 = arith.constant 0 : i32
      %dma_wait3A_422 = tpu.memref_slice %arg7[%run_scoped3A_13, %dma_wait3A_421] : memref<16x128xi32, #tpu.memory_space<vmem>> -> memref<1x128xi32, #tpu.memory_space<vmem>>
      %dma_wait3A_423 = tpu.memref_squeeze %dma_wait3A_422 : memref<1x128xi32, #tpu.memory_space<vmem>> -> memref<128xi32, #tpu.memory_space<vmem>>
      %dma_wait3A_424 = tpu.memref_slice %arg5[%add3A_12] : memref<32768xi32, #tpu.memory_space<hbm>> -> memref<128xi32, #tpu.memory_space<hbm>>
      tpu.wait_dma2 semaphore(%run_scoped3A_408 : memref<!tpu.dma_semaphore, #tpu.memory_space<semaphore_mem>>) src(%dma_wait3A_424 : memref<128xi32, #tpu.memory_space<hbm>>) dst(%dma_wait3A_423 : memref<128xi32, #tpu.memory_space<vmem>>)
      tpu.yield
    }) : () -> ()
    %add3A_14 = arith.constant 256 : i32
    %add3A_15 = arith.addi %mul3A_2, %add3A_14 : i32
    %run_scoped3A_16 = arith.constant 2 : i32
    "tpu.region"() ({
      %run_scoped3A_408 = tpu.sem_alloc : memref<!tpu.dma_semaphore, #tpu.memory_space<semaphore_mem>>
      %dma_start3A_409 = arith.constant 0 : i32
      %dma_start3A_410 = tpu.memref_slice %arg7[%run_scoped3A_16, %dma_start3A_409] : memref<16x128xi32, #tpu.memory_space<vmem>> -> memref<1x128xi32, #tpu.memory_space<vmem>>
      %dma_start3A_411 = tpu.memref_squeeze %dma_start3A_410 : memref<1x128xi32, #tpu.memory_space<vmem>> -> memref<128xi32, #tpu.memory_space<vmem>>
      %dma_start3A_412 = tpu.memref_slice %arg4[%add3A_15] : memref<32768xi32, #tpu.memory_space<hbm>> -> memref<128xi32, #tpu.memory_space<hbm>>
      %dma_start3A_413 = arith.constant 0 : i32
      %dma_start3A_414 = tpu.memref_slice %arg7[%run_scoped3A_16, %dma_start3A_413] : memref<16x128xi32, #tpu.memory_space<vmem>> -> memref<1x128xi32, #tpu.memory_space<vmem>>
      %dma_start3A_415 = tpu.memref_squeeze %dma_start3A_414 : memref<1x128xi32, #tpu.memory_space<vmem>> -> memref<128xi32, #tpu.memory_space<vmem>>
      %dma_start3A_416 = tpu.memref_slice %arg4[%add3A_15] : memref<32768xi32, #tpu.memory_space<hbm>> -> memref<128xi32, #tpu.memory_space<hbm>>
      tpu.enqueue_dma source(%dma_start3A_416 : memref<128xi32, #tpu.memory_space<hbm>>) target(%dma_start3A_415 : memref<128xi32, #tpu.memory_space<vmem>>) target_semaphore(%run_scoped3A_408 : memref<!tpu.dma_semaphore, #tpu.memory_space<semaphore_mem>>)
      %dma_wait3A_417 = arith.constant 0 : i32
      %dma_wait3A_418 = tpu.memref_slice %arg7[%run_scoped3A_16, %dma_wait3A_417] : memref<16x128xi32, #tpu.memory_space<vmem>> -> memref<1x128xi32, #tpu.memory_space<vmem>>
      %dma_wait3A_419 = tpu.memref_squeeze %dma_wait3A_418 : memref<1x128xi32, #tpu.memory_space<vmem>> -> memref<128xi32, #tpu.memory_space<vmem>>
      %dma_wait3A_420 = tpu.memref_slice %arg4[%add3A_15] : memref<32768xi32, #tpu.memory_space<hbm>> -> memref<128xi32, #tpu.memory_space<hbm>>
      %dma_wait3A_421 = arith.constant 0 : i32
      %dma_wait3A_422 = tpu.memref_slice %arg7[%run_scoped3A_16, %dma_wait3A_421] : memref<16x128xi32, #tpu.memory_space<vmem>> -> memref<1x128xi32, #tpu.memory_space<vmem>>
      %dma_wait3A_423 = tpu.memref_squeeze %dma_wait3A_422 : memref<1x128xi32, #tpu.memory_space<vmem>> -> memref<128xi32, #tpu.memory_space<vmem>>
      %dma_wait3A_424 = tpu.memref_slice %arg4[%add3A_15] : memref<32768xi32, #tpu.memory_space<hbm>> -> memref<128xi32, #tpu.memory_space<hbm>>
      tpu.wait_dma2 semaphore(%run_scoped3A_408 : memref<!tpu.dma_semaphore, #tpu.memory_space<semaphore_mem>>) src(%dma_wait3A_424 : memref<128xi32, #tpu.memory_space<hbm>>) dst(%dma_wait3A_423 : memref<128xi32, #tpu.memory_space<vmem>>)
      tpu.yield
    }) : () -> ()
    %add3A_17 = arith.constant 256 : i32
    %add3A_18 = arith.addi %mul3A_2, %add3A_17 : i32
    %run_scoped3A_19 = arith.constant 10 : i32
    "tpu.region"() ({
      %run_scoped3A_408 = tpu.sem_alloc : memref<!tpu.dma_semaphore, #tpu.memory_space<semaphore_mem>>
      %dma_start3A_409 = arith.constant 0 : i32
      %dma_start3A_410 = tpu.memref_slice %arg7[%run_scoped3A_19, %dma_start3A_409] : memref<16x128xi32, #tpu.memory_space<vmem>> -> memref<1x128xi32, #tpu.memory_space<vmem>>
      %dma_start3A_411 = tpu.memref_squeeze %dma_start3A_410 : memref<1x128xi32, #tpu.memory_space<vmem>> -> memref<128xi32, #tpu.memory_space<vmem>>
      %dma_start3A_412 = tpu.memref_slice %arg5[%add3A_18] : memref<32768xi32, #tpu.memory_space<hbm>> -> memref<128xi32, #tpu.memory_space<hbm>>
      %dma_start3A_413 = arith.constant 0 : i32
      %dma_start3A_414 = tpu.memref_slice %arg7[%run_scoped3A_19, %dma_start3A_413] : memref<16x128xi32, #tpu.memory_space<vmem>> -> memref<1x128xi32, #tpu.memory_space<vmem>>
      %dma_start3A_415 = tpu.memref_squeeze %dma_start3A_414 : memref<1x128xi32, #tpu.memory_space<vmem>> -> memref<128xi32, #tpu.memory_space<vmem>>
      %dma_start3A_416 = tpu.memref_slice %arg5[%add3A_18] : memref<32768xi32, #tpu.memory_space<hbm>> -> memref<128xi32, #tpu.memory_space<hbm>>
      tpu.enqueue_dma source(%dma_start3A_416 : memref<128xi32, #tpu.memory_space<hbm>>) target(%dma_start3A_415 : memref<128xi32, #tpu.memory_space<vmem>>) target_semaphore(%run_scoped3A_408 : memref<!tpu.dma_semaphore, #tpu.memory_space<semaphore_mem>>)
      %dma_wait3A_417 = arith.constant 0 : i32
      %dma_wait3A_418 = tpu.memref_slice %arg7[%run_scoped3A_19, %dma_wait3A_417] : memref<16x128xi32, #tpu.memory_space<vmem>> -> memref<1x128xi32, #tpu.memory_space<vmem>>
      %dma_wait3A_419 = tpu.memref_squeeze %dma_wait3A_418 : memref<1x128xi32, #tpu.memory_space<vmem>> -> memref<128xi32, #tpu.memory_space<vmem>>
      %dma_wait3A_420 = tpu.memref_slice %arg5[%add3A_18] : memref<32768xi32, #tpu.memory_space<hbm>> -> memref<128xi32, #tpu.memory_space<hbm>>
      %dma_wait3A_421 = arith.constant 0 : i32
      %dma_wait3A_422 = tpu.memref_slice %arg7[%run_scoped3A_19, %dma_wait3A_421] : memref<16x128xi32, #tpu.memory_space<vmem>> -> memref<1x128xi32, #tpu.memory_space<vmem>>
      %dma_wait3A_423 = tpu.memref_squeeze %dma_wait3A_422 : memref<1x128xi32, #tpu.memory_space<vmem>> -> memref<128xi32, #tpu.memory_space<vmem>>
      %dma_wait3A_424 = tpu.memref_slice %arg5[%add3A_18] : memref<32768xi32, #tpu.memory_space<hbm>> -> memref<128xi32, #tpu.memory_space<hbm>>
      tpu.wait_dma2 semaphore(%run_scoped3A_408 : memref<!tpu.dma_semaphore, #tpu.memory_space<semaphore_mem>>) src(%dma_wait3A_424 : memref<128xi32, #tpu.memory_space<hbm>>) dst(%dma_wait3A_423 : memref<128xi32, #tpu.memory_space<vmem>>)
      tpu.yield
    }) : () -> ()
    %add3A_20 = arith.constant 384 : i32
    %add3A_21 = arith.addi %mul3A_2, %add3A_20 : i32
    %run_scoped3A_22 = arith.constant 3 : i32
    "tpu.region"() ({
      %run_scoped3A_408 = tpu.sem_alloc : memref<!tpu.dma_semaphore, #tpu.memory_space<semaphore_mem>>
      %dma_start3A_409 = arith.constant 0 : i32
      %dma_start3A_410 = tpu.memref_slice %arg7[%run_scoped3A_22, %dma_start3A_409] : memref<16x128xi32, #tpu.memory_space<vmem>> -> memref<1x128xi32, #tpu.memory_space<vmem>>
      %dma_start3A_411 = tpu.memref_squeeze %dma_start3A_410 : memref<1x128xi32, #tpu.memory_space<vmem>> -> memref<128xi32, #tpu.memory_space<vmem>>
      %dma_start3A_412 = tpu.memref_slice %arg4[%add3A_21] : memref<32768xi32, #tpu.memory_space<hbm>> -> memref<128xi32, #tpu.memory_space<hbm>>
      %dma_start3A_413 = arith.constant 0 : i32
      %dma_start3A_414 = tpu.memref_slice %arg7[%run_scoped3A_22, %dma_start3A_413] : memref<16x128xi32, #tpu.memory_space<vmem>> -> memref<1x128xi32, #tpu.memory_space<vmem>>
      %dma_start3A_415 = tpu.memref_squeeze %dma_start3A_414 : memref<1x128xi32, #tpu.memory_space<vmem>> -> memref<128xi32, #tpu.memory_space<vmem>>
      %dma_start3A_416 = tpu.memref_slice %arg4[%add3A_21] : memref<32768xi32, #tpu.memory_space<hbm>> -> memref<128xi32, #tpu.memory_space<hbm>>
      tpu.enqueue_dma source(%dma_start3A_416 : memref<128xi32, #tpu.memory_space<hbm>>) target(%dma_start3A_415 : memref<128xi32, #tpu.memory_space<vmem>>) target_semaphore(%run_scoped3A_408 : memref<!tpu.dma_semaphore, #tpu.memory_space<semaphore_mem>>)
      %dma_wait3A_417 = arith.constant 0 : i32
      %dma_wait3A_418 = tpu.memref_slice %arg7[%run_scoped3A_22, %dma_wait3A_417] : memref<16x128xi32, #tpu.memory_space<vmem>> -> memref<1x128xi32, #tpu.memory_space<vmem>>
      %dma_wait3A_419 = tpu.memref_squeeze %dma_wait3A_418 : memref<1x128xi32, #tpu.memory_space<vmem>> -> memref<128xi32, #tpu.memory_space<vmem>>
      %dma_wait3A_420 = tpu.memref_slice %arg4[%add3A_21] : memref<32768xi32, #tpu.memory_space<hbm>> -> memref<128xi32, #tpu.memory_space<hbm>>
      %dma_wait3A_421 = arith.constant 0 : i32
      %dma_wait3A_422 = tpu.memref_slice %arg7[%run_scoped3A_22, %dma_wait3A_421] : memref<16x128xi32, #tpu.memory_space<vmem>> -> memref<1x128xi32, #tpu.memory_space<vmem>>
      %dma_wait3A_423 = tpu.memref_squeeze %dma_wait3A_422 : memref<1x128xi32, #tpu.memory_space<vmem>> -> memref<128xi32, #tpu.memory_space<vmem>>
      %dma_wait3A_424 = tpu.memref_slice %arg4[%add3A_21] : memref<32768xi32, #tpu.memory_space<hbm>> -> memref<128xi32, #tpu.memory_space<hbm>>
      tpu.wait_dma2 semaphore(%run_scoped3A_408 : memref<!tpu.dma_semaphore, #tpu.memory_space<semaphore_mem>>) src(%dma_wait3A_424 : memref<128xi32, #tpu.memory_space<hbm>>) dst(%dma_wait3A_423 : memref<128xi32, #tpu.memory_space<vmem>>)
      tpu.yield
    }) : () -> ()
    %add3A_23 = arith.constant 384 : i32
    %add3A_24 = arith.addi %mul3A_2, %add3A_23 : i32
    %run_scoped3A_25 = arith.constant 11 : i32
    "tpu.region"() ({
      %run_scoped3A_408 = tpu.sem_alloc : memref<!tpu.dma_semaphore, #tpu.memory_space<semaphore_mem>>
      %dma_start3A_409 = arith.constant 0 : i32
      %dma_start3A_410 = tpu.memref_slice %arg7[%run_scoped3A_25, %dma_start3A_409] : memref<16x128xi32, #tpu.memory_space<vmem>> -> memref<1x128xi32, #tpu.memory_space<vmem>>
      %dma_start3A_411 = tpu.memref_squeeze %dma_start3A_410 : memref<1x128xi32, #tpu.memory_space<vmem>> -> memref<128xi32, #tpu.memory_space<vmem>>
      %dma_start3A_412 = tpu.memref_slice %arg5[%add3A_24] : memref<32768xi32, #tpu.memory_space<hbm>> -> memref<128xi32, #tpu.memory_space<hbm>>
      %dma_start3A_413 = arith.constant 0 : i32
      %dma_start3A_414 = tpu.memref_slice %arg7[%run_scoped3A_25, %dma_start3A_413] : memref<16x128xi32, #tpu.memory_space<vmem>> -> memref<1x128xi32, #tpu.memory_space<vmem>>
      %dma_start3A_415 = tpu.memref_squeeze %dma_start3A_414 : memref<1x128xi32, #tpu.memory_space<vmem>> -> memref<128xi32, #tpu.memory_space<vmem>>
      %dma_start3A_416 = tpu.memref_slice %arg5[%add3A_24] : memref<32768xi32, #tpu.memory_space<hbm>> -> memref<128xi32, #tpu.memory_space<hbm>>
      tpu.enqueue_dma source(%dma_start3A_416 : memref<128xi32, #tpu.memory_space<hbm>>) target(%dma_start3A_415 : memref<128xi32, #tpu.memory_space<vmem>>) target_semaphore(%run_scoped3A_408 : memref<!tpu.dma_semaphore, #tpu.memory_space<semaphore_mem>>)
      %dma_wait3A_417 = arith.constant 0 : i32
      %dma_wait3A_418 = tpu.memref_slice %arg7[%run_scoped3A_25, %dma_wait3A_417] : memref<16x128xi32, #tpu.memory_space<vmem>> -> memref<1x128xi32, #tpu.memory_space<vmem>>
      %dma_wait3A_419 = tpu.memref_squeeze %dma_wait3A_418 : memref<1x128xi32, #tpu.memory_space<vmem>> -> memref<128xi32, #tpu.memory_space<vmem>>
      %dma_wait3A_420 = tpu.memref_slice %arg5[%add3A_24] : memref<32768xi32, #tpu.memory_space<hbm>> -> memref<128xi32, #tpu.memory_space<hbm>>
      %dma_wait3A_421 = arith.constant 0 : i32
      %dma_wait3A_422 = tpu.memref_slice %arg7[%run_scoped3A_25, %dma_wait3A_421] : memref<16x128xi32, #tpu.memory_space<vmem>> -> memref<1x128xi32, #tpu.memory_space<vmem>>
      %dma_wait3A_423 = tpu.memref_squeeze %dma_wait3A_422 : memref<1x128xi32, #tpu.memory_space<vmem>> -> memref<128xi32, #tpu.memory_space<vmem>>
      %dma_wait3A_424 = tpu.memref_slice %arg5[%add3A_24] : memref<32768xi32, #tpu.memory_space<hbm>> -> memref<128xi32, #tpu.memory_space<hbm>>
      tpu.wait_dma2 semaphore(%run_scoped3A_408 : memref<!tpu.dma_semaphore, #tpu.memory_space<semaphore_mem>>) src(%dma_wait3A_424 : memref<128xi32, #tpu.memory_space<hbm>>) dst(%dma_wait3A_423 : memref<128xi32, #tpu.memory_space<vmem>>)
      tpu.yield
    }) : () -> ()
    %add3A_26 = arith.constant 512 : i32
    %add3A_27 = arith.addi %mul3A_2, %add3A_26 : i32
    %run_scoped3A_28 = arith.constant 4 : i32
    "tpu.region"() ({
      %run_scoped3A_408 = tpu.sem_alloc : memref<!tpu.dma_semaphore, #tpu.memory_space<semaphore_mem>>
      %dma_start3A_409 = arith.constant 0 : i32
      %dma_start3A_410 = tpu.memref_slice %arg7[%run_scoped3A_28, %dma_start3A_409] : memref<16x128xi32, #tpu.memory_space<vmem>> -> memref<1x128xi32, #tpu.memory_space<vmem>>
      %dma_start3A_411 = tpu.memref_squeeze %dma_start3A_410 : memref<1x128xi32, #tpu.memory_space<vmem>> -> memref<128xi32, #tpu.memory_space<vmem>>
      %dma_start3A_412 = tpu.memref_slice %arg4[%add3A_27] : memref<32768xi32, #tpu.memory_space<hbm>> -> memref<128xi32, #tpu.memory_space<hbm>>
      %dma_start3A_413 = arith.constant 0 : i32
      %dma_start3A_414 = tpu.memref_slice %arg7[%run_scoped3A_28, %dma_start3A_413] : memref<16x128xi32, #tpu.memory_space<vmem>> -> memref<1x128xi32, #tpu.memory_space<vmem>>
      %dma_start3A_415 = tpu.memref_squeeze %dma_start3A_414 : memref<1x128xi32, #tpu.memory_space<vmem>> -> memref<128xi32, #tpu.memory_space<vmem>>
      %dma_start3A_416 = tpu.memref_slice %arg4[%add3A_27] : memref<32768xi32, #tpu.memory_space<hbm>> -> memref<128xi32, #tpu.memory_space<hbm>>
      tpu.enqueue_dma source(%dma_start3A_416 : memref<128xi32, #tpu.memory_space<hbm>>) target(%dma_start3A_415 : memref<128xi32, #tpu.memory_space<vmem>>) target_semaphore(%run_scoped3A_408 : memref<!tpu.dma_semaphore, #tpu.memory_space<semaphore_mem>>)
      %dma_wait3A_417 = arith.constant 0 : i32
      %dma_wait3A_418 = tpu.memref_slice %arg7[%run_scoped3A_28, %dma_wait3A_417] : memref<16x128xi32, #tpu.memory_space<vmem>> -> memref<1x128xi32, #tpu.memory_space<vmem>>
      %dma_wait3A_419 = tpu.memref_squeeze %dma_wait3A_418 : memref<1x128xi32, #tpu.memory_space<vmem>> -> memref<128xi32, #tpu.memory_space<vmem>>
      %dma_wait3A_420 = tpu.memref_slice %arg4[%add3A_27] : memref<32768xi32, #tpu.memory_space<hbm>> -> memref<128xi32, #tpu.memory_space<hbm>>
      %dma_wait3A_421 = arith.constant 0 : i32
      %dma_wait3A_422 = tpu.memref_slice %arg7[%run_scoped3A_28, %dma_wait3A_421] : memref<16x128xi32, #tpu.memory_space<vmem>> -> memref<1x128xi32, #tpu.memory_space<vmem>>
      %dma_wait3A_423 = tpu.memref_squeeze %dma_wait3A_422 : memref<1x128xi32, #tpu.memory_space<vmem>> -> memref<128xi32, #tpu.memory_space<vmem>>
      %dma_wait3A_424 = tpu.memref_slice %arg4[%add3A_27] : memref<32768xi32, #tpu.memory_space<hbm>> -> memref<128xi32, #tpu.memory_space<hbm>>
      tpu.wait_dma2 semaphore(%run_scoped3A_408 : memref<!tpu.dma_semaphore, #tpu.memory_space<semaphore_mem>>) src(%dma_wait3A_424 : memref<128xi32, #tpu.memory_space<hbm>>) dst(%dma_wait3A_423 : memref<128xi32, #tpu.memory_space<vmem>>)
      tpu.yield
    }) : () -> ()
    %add3A_29 = arith.constant 512 : i32
    %add3A_30 = arith.addi %mul3A_2, %add3A_29 : i32
    %run_scoped3A_31 = arith.constant 12 : i32
    "tpu.region"() ({
      %run_scoped3A_408 = tpu.sem_alloc : memref<!tpu.dma_semaphore, #tpu.memory_space<semaphore_mem>>
      %dma_start3A_409 = arith.constant 0 : i32
      %dma_start3A_410 = tpu.memref_slice %arg7[%run_scoped3A_31, %dma_start3A_409] : memref<16x128xi32, #tpu.memory_space<vmem>> -> memref<1x128xi32, #tpu.memory_space<vmem>>
      %dma_start3A_411 = tpu.memref_squeeze %dma_start3A_410 : memref<1x128xi32, #tpu.memory_space<vmem>> -> memref<128xi32, #tpu.memory_space<vmem>>
      %dma_start3A_412 = tpu.memref_slice %arg5[%add3A_30] : memref<32768xi32, #tpu.memory_space<hbm>> -> memref<128xi32, #tpu.memory_space<hbm>>
      %dma_start3A_413 = arith.constant 0 : i32
      %dma_start3A_414 = tpu.memref_slice %arg7[%run_scoped3A_31, %dma_start3A_413] : memref<16x128xi32, #tpu.memory_space<vmem>> -> memref<1x128xi32, #tpu.memory_space<vmem>>
      %dma_start3A_415 = tpu.memref_squeeze %dma_start3A_414 : memref<1x128xi32, #tpu.memory_space<vmem>> -> memref<128xi32, #tpu.memory_space<vmem>>
      %dma_start3A_416 = tpu.memref_slice %arg5[%add3A_30] : memref<32768xi32, #tpu.memory_space<hbm>> -> memref<128xi32, #tpu.memory_space<hbm>>
      tpu.enqueue_dma source(%dma_start3A_416 : memref<128xi32, #tpu.memory_space<hbm>>) target(%dma_start3A_415 : memref<128xi32, #tpu.memory_space<vmem>>) target_semaphore(%run_scoped3A_408 : memref<!tpu.dma_semaphore, #tpu.memory_space<semaphore_mem>>)
      %dma_wait3A_417 = arith.constant 0 : i32
      %dma_wait3A_418 = tpu.memref_slice %arg7[%run_scoped3A_31, %dma_wait3A_417] : memref<16x128xi32, #tpu.memory_space<vmem>> -> memref<1x128xi32, #tpu.memory_space<vmem>>
      %dma_wait3A_419 = tpu.memref_squeeze %dma_wait3A_418 : memref<1x128xi32, #tpu.memory_space<vmem>> -> memref<128xi32, #tpu.memory_space<vmem>>
      %dma_wait3A_420 = tpu.memref_slice %arg5[%add3A_30] : memref<32768xi32, #tpu.memory_space<hbm>> -> memref<128xi32, #tpu.memory_space<hbm>>
      %dma_wait3A_421 = arith.constant 0 : i32
      %dma_wait3A_422 = tpu.memref_slice %arg7[%run_scoped3A_31, %dma_wait3A_421] : memref<16x128xi32, #tpu.memory_space<vmem>> -> memref<1x128xi32, #tpu.memory_space<vmem>>
      %dma_wait3A_423 = tpu.memref_squeeze %dma_wait3A_422 : memref<1x128xi32, #tpu.memory_space<vmem>> -> memref<128xi32, #tpu.memory_space<vmem>>
      %dma_wait3A_424 = tpu.memref_slice %arg5[%add3A_30] : memref<32768xi32, #tpu.memory_space<hbm>> -> memref<128xi32, #tpu.memory_space<hbm>>
      tpu.wait_dma2 semaphore(%run_scoped3A_408 : memref<!tpu.dma_semaphore, #tpu.memory_space<semaphore_mem>>) src(%dma_wait3A_424 : memref<128xi32, #tpu.memory_space<hbm>>) dst(%dma_wait3A_423 : memref<128xi32, #tpu.memory_space<vmem>>)
      tpu.yield
    }) : () -> ()
    %add3A_32 = arith.constant 640 : i32
    %add3A_33 = arith.addi %mul3A_2, %add3A_32 : i32
    %run_scoped3A_34 = arith.constant 5 : i32
    "tpu.region"() ({
      %run_scoped3A_408 = tpu.sem_alloc : memref<!tpu.dma_semaphore, #tpu.memory_space<semaphore_mem>>
      %dma_start3A_409 = arith.constant 0 : i32
      %dma_start3A_410 = tpu.memref_slice %arg7[%run_scoped3A_34, %dma_start3A_409] : memref<16x128xi32, #tpu.memory_space<vmem>> -> memref<1x128xi32, #tpu.memory_space<vmem>>
      %dma_start3A_411 = tpu.memref_squeeze %dma_start3A_410 : memref<1x128xi32, #tpu.memory_space<vmem>> -> memref<128xi32, #tpu.memory_space<vmem>>
      %dma_start3A_412 = tpu.memref_slice %arg4[%add3A_33] : memref<32768xi32, #tpu.memory_space<hbm>> -> memref<128xi32, #tpu.memory_space<hbm>>
      %dma_start3A_413 = arith.constant 0 : i32
      %dma_start3A_414 = tpu.memref_slice %arg7[%run_scoped3A_34, %dma_start3A_413] : memref<16x128xi32, #tpu.memory_space<vmem>> -> memref<1x128xi32, #tpu.memory_space<vmem>>
      %dma_start3A_415 = tpu.memref_squeeze %dma_start3A_414 : memref<1x128xi32, #tpu.memory_space<vmem>> -> memref<128xi32, #tpu.memory_space<vmem>>
      %dma_start3A_416 = tpu.memref_slice %arg4[%add3A_33] : memref<32768xi32, #tpu.memory_space<hbm>> -> memref<128xi32, #tpu.memory_space<hbm>>
      tpu.enqueue_dma source(%dma_start3A_416 : memref<128xi32, #tpu.memory_space<hbm>>) target(%dma_start3A_415 : memref<128xi32, #tpu.memory_space<vmem>>) target_semaphore(%run_scoped3A_408 : memref<!tpu.dma_semaphore, #tpu.memory_space<semaphore_mem>>)
      %dma_wait3A_417 = arith.constant 0 : i32
      %dma_wait3A_418 = tpu.memref_slice %arg7[%run_scoped3A_34, %dma_wait3A_417] : memref<16x128xi32, #tpu.memory_space<vmem>> -> memref<1x128xi32, #tpu.memory_space<vmem>>
      %dma_wait3A_419 = tpu.memref_squeeze %dma_wait3A_418 : memref<1x128xi32, #tpu.memory_space<vmem>> -> memref<128xi32, #tpu.memory_space<vmem>>
      %dma_wait3A_420 = tpu.memref_slice %arg4[%add3A_33] : memref<32768xi32, #tpu.memory_space<hbm>> -> memref<128xi32, #tpu.memory_space<hbm>>
      %dma_wait3A_421 = arith.constant 0 : i32
      %dma_wait3A_422 = tpu.memref_slice %arg7[%run_scoped3A_34, %dma_wait3A_421] : memref<16x128xi32, #tpu.memory_space<vmem>> -> memref<1x128xi32, #tpu.memory_space<vmem>>
      %dma_wait3A_423 = tpu.memref_squeeze %dma_wait3A_422 : memref<1x128xi32, #tpu.memory_space<vmem>> -> memref<128xi32, #tpu.memory_space<vmem>>
      %dma_wait3A_424 = tpu.memref_slice %arg4[%add3A_33] : memref<32768xi32, #tpu.memory_space<hbm>> -> memref<128xi32, #tpu.memory_space<hbm>>
      tpu.wait_dma2 semaphore(%run_scoped3A_408 : memref<!tpu.dma_semaphore, #tpu.memory_space<semaphore_mem>>) src(%dma_wait3A_424 : memref<128xi32, #tpu.memory_space<hbm>>) dst(%dma_wait3A_423 : memref<128xi32, #tpu.memory_space<vmem>>)
      tpu.yield
    }) : () -> ()
    %add3A_35 = arith.constant 640 : i32
    %add3A_36 = arith.addi %mul3A_2, %add3A_35 : i32
    %run_scoped3A_37 = arith.constant 13 : i32
    "tpu.region"() ({
      %run_scoped3A_408 = tpu.sem_alloc : memref<!tpu.dma_semaphore, #tpu.memory_space<semaphore_mem>>
      %dma_start3A_409 = arith.constant 0 : i32
      %dma_start3A_410 = tpu.memref_slice %arg7[%run_scoped3A_37, %dma_start3A_409] : memref<16x128xi32, #tpu.memory_space<vmem>> -> memref<1x128xi32, #tpu.memory_space<vmem>>
      %dma_start3A_411 = tpu.memref_squeeze %dma_start3A_410 : memref<1x128xi32, #tpu.memory_space<vmem>> -> memref<128xi32, #tpu.memory_space<vmem>>
      %dma_start3A_412 = tpu.memref_slice %arg5[%add3A_36] : memref<32768xi32, #tpu.memory_space<hbm>> -> memref<128xi32, #tpu.memory_space<hbm>>
      %dma_start3A_413 = arith.constant 0 : i32
      %dma_start3A_414 = tpu.memref_slice %arg7[%run_scoped3A_37, %dma_start3A_413] : memref<16x128xi32, #tpu.memory_space<vmem>> -> memref<1x128xi32, #tpu.memory_space<vmem>>
      %dma_start3A_415 = tpu.memref_squeeze %dma_start3A_414 : memref<1x128xi32, #tpu.memory_space<vmem>> -> memref<128xi32, #tpu.memory_space<vmem>>
      %dma_start3A_416 = tpu.memref_slice %arg5[%add3A_36] : memref<32768xi32, #tpu.memory_space<hbm>> -> memref<128xi32, #tpu.memory_space<hbm>>
      tpu.enqueue_dma source(%dma_start3A_416 : memref<128xi32, #tpu.memory_space<hbm>>) target(%dma_start3A_415 : memref<128xi32, #tpu.memory_space<vmem>>) target_semaphore(%run_scoped3A_408 : memref<!tpu.dma_semaphore, #tpu.memory_space<semaphore_mem>>)
      %dma_wait3A_417 = arith.constant 0 : i32
      %dma_wait3A_418 = tpu.memref_slice %arg7[%run_scoped3A_37, %dma_wait3A_417] : memref<16x128xi32, #tpu.memory_space<vmem>> -> memref<1x128xi32, #tpu.memory_space<vmem>>
      %dma_wait3A_419 = tpu.memref_squeeze %dma_wait3A_418 : memref<1x128xi32, #tpu.memory_space<vmem>> -> memref<128xi32, #tpu.memory_space<vmem>>
      %dma_wait3A_420 = tpu.memref_slice %arg5[%add3A_36] : memref<32768xi32, #tpu.memory_space<hbm>> -> memref<128xi32, #tpu.memory_space<hbm>>
      %dma_wait3A_421 = arith.constant 0 : i32
      %dma_wait3A_422 = tpu.memref_slice %arg7[%run_scoped3A_37, %dma_wait3A_421] : memref<16x128xi32, #tpu.memory_space<vmem>> -> memref<1x128xi32, #tpu.memory_space<vmem>>
      %dma_wait3A_423 = tpu.memref_squeeze %dma_wait3A_422 : memref<1x128xi32, #tpu.memory_space<vmem>> -> memref<128xi32, #tpu.memory_space<vmem>>
      %dma_wait3A_424 = tpu.memref_slice %arg5[%add3A_36] : memref<32768xi32, #tpu.memory_space<hbm>> -> memref<128xi32, #tpu.memory_space<hbm>>
      tpu.wait_dma2 semaphore(%run_scoped3A_408 : memref<!tpu.dma_semaphore, #tpu.memory_space<semaphore_mem>>) src(%dma_wait3A_424 : memref<128xi32, #tpu.memory_space<hbm>>) dst(%dma_wait3A_423 : memref<128xi32, #tpu.memory_space<vmem>>)
      tpu.yield
    }) : () -> ()
    %add3A_38 = arith.constant 768 : i32
    %add3A_39 = arith.addi %mul3A_2, %add3A_38 : i32
    %run_scoped3A_40 = arith.constant 6 : i32
    "tpu.region"() ({
      %run_scoped3A_408 = tpu.sem_alloc : memref<!tpu.dma_semaphore, #tpu.memory_space<semaphore_mem>>
      %dma_start3A_409 = arith.constant 0 : i32
      %dma_start3A_410 = tpu.memref_slice %arg7[%run_scoped3A_40, %dma_start3A_409] : memref<16x128xi32, #tpu.memory_space<vmem>> -> memref<1x128xi32, #tpu.memory_space<vmem>>
      %dma_start3A_411 = tpu.memref_squeeze %dma_start3A_410 : memref<1x128xi32, #tpu.memory_space<vmem>> -> memref<128xi32, #tpu.memory_space<vmem>>
      %dma_start3A_412 = tpu.memref_slice %arg4[%add3A_39] : memref<32768xi32, #tpu.memory_space<hbm>> -> memref<128xi32, #tpu.memory_space<hbm>>
      %dma_start3A_413 = arith.constant 0 : i32
      %dma_start3A_414 = tpu.memref_slice %arg7[%run_scoped3A_40, %dma_start3A_413] : memref<16x128xi32, #tpu.memory_space<vmem>> -> memref<1x128xi32, #tpu.memory_space<vmem>>
      %dma_start3A_415 = tpu.memref_squeeze %dma_start3A_414 : memref<1x128xi32, #tpu.memory_space<vmem>> -> memref<128xi32, #tpu.memory_space<vmem>>
      %dma_start3A_416 = tpu.memref_slice %arg4[%add3A_39] : memref<32768xi32, #tpu.memory_space<hbm>> -> memref<128xi32, #tpu.memory_space<hbm>>
      tpu.enqueue_dma source(%dma_start3A_416 : memref<128xi32, #tpu.memory_space<hbm>>) target(%dma_start3A_415 : memref<128xi32, #tpu.memory_space<vmem>>) target_semaphore(%run_scoped3A_408 : memref<!tpu.dma_semaphore, #tpu.memory_space<semaphore_mem>>)
      %dma_wait3A_417 = arith.constant 0 : i32
      %dma_wait3A_418 = tpu.memref_slice %arg7[%run_scoped3A_40, %dma_wait3A_417] : memref<16x128xi32, #tpu.memory_space<vmem>> -> memref<1x128xi32, #tpu.memory_space<vmem>>
      %dma_wait3A_419 = tpu.memref_squeeze %dma_wait3A_418 : memref<1x128xi32, #tpu.memory_space<vmem>> -> memref<128xi32, #tpu.memory_space<vmem>>
      %dma_wait3A_420 = tpu.memref_slice %arg4[%add3A_39] : memref<32768xi32, #tpu.memory_space<hbm>> -> memref<128xi32, #tpu.memory_space<hbm>>
      %dma_wait3A_421 = arith.constant 0 : i32
      %dma_wait3A_422 = tpu.memref_slice %arg7[%run_scoped3A_40, %dma_wait3A_421] : memref<16x128xi32, #tpu.memory_space<vmem>> -> memref<1x128xi32, #tpu.memory_space<vmem>>
      %dma_wait3A_423 = tpu.memref_squeeze %dma_wait3A_422 : memref<1x128xi32, #tpu.memory_space<vmem>> -> memref<128xi32, #tpu.memory_space<vmem>>
      %dma_wait3A_424 = tpu.memref_slice %arg4[%add3A_39] : memref<32768xi32, #tpu.memory_space<hbm>> -> memref<128xi32, #tpu.memory_space<hbm>>
      tpu.wait_dma2 semaphore(%run_scoped3A_408 : memref<!tpu.dma_semaphore, #tpu.memory_space<semaphore_mem>>) src(%dma_wait3A_424 : memref<128xi32, #tpu.memory_space<hbm>>) dst(%dma_wait3A_423 : memref<128xi32, #tpu.memory_space<vmem>>)
      tpu.yield
    }) : () -> ()
    %add3A_41 = arith.constant 768 : i32
    %add3A_42 = arith.addi %mul3A_2, %add3A_41 : i32
    %run_scoped3A_43 = arith.constant 14 : i32
    "tpu.region"() ({
      %run_scoped3A_408 = tpu.sem_alloc : memref<!tpu.dma_semaphore, #tpu.memory_space<semaphore_mem>>
      %dma_start3A_409 = arith.constant 0 : i32
      %dma_start3A_410 = tpu.memref_slice %arg7[%run_scoped3A_43, %dma_start3A_409] : memref<16x128xi32, #tpu.memory_space<vmem>> -> memref<1x128xi32, #tpu.memory_space<vmem>>
      %dma_start3A_411 = tpu.memref_squeeze %dma_start3A_410 : memref<1x128xi32, #tpu.memory_space<vmem>> -> memref<128xi32, #tpu.memory_space<vmem>>
      %dma_start3A_412 = tpu.memref_slice %arg5[%add3A_42] : memref<32768xi32, #tpu.memory_space<hbm>> -> memref<128xi32, #tpu.memory_space<hbm>>
      %dma_start3A_413 = arith.constant 0 : i32
      %dma_start3A_414 = tpu.memref_slice %arg7[%run_scoped3A_43, %dma_start3A_413] : memref<16x128xi32, #tpu.memory_space<vmem>> -> memref<1x128xi32, #tpu.memory_space<vmem>>
      %dma_start3A_415 = tpu.memref_squeeze %dma_start3A_414 : memref<1x128xi32, #tpu.memory_space<vmem>> -> memref<128xi32, #tpu.memory_space<vmem>>
      %dma_start3A_416 = tpu.memref_slice %arg5[%add3A_42] : memref<32768xi32, #tpu.memory_space<hbm>> -> memref<128xi32, #tpu.memory_space<hbm>>
      tpu.enqueue_dma source(%dma_start3A_416 : memref<128xi32, #tpu.memory_space<hbm>>) target(%dma_start3A_415 : memref<128xi32, #tpu.memory_space<vmem>>) target_semaphore(%run_scoped3A_408 : memref<!tpu.dma_semaphore, #tpu.memory_space<semaphore_mem>>)
      %dma_wait3A_417 = arith.constant 0 : i32
      %dma_wait3A_418 = tpu.memref_slice %arg7[%run_scoped3A_43, %dma_wait3A_417] : memref<16x128xi32, #tpu.memory_space<vmem>> -> memref<1x128xi32, #tpu.memory_space<vmem>>
      %dma_wait3A_419 = tpu.memref_squeeze %dma_wait3A_418 : memref<1x128xi32, #tpu.memory_space<vmem>> -> memref<128xi32, #tpu.memory_space<vmem>>
      %dma_wait3A_420 = tpu.memref_slice %arg5[%add3A_42] : memref<32768xi32, #tpu.memory_space<hbm>> -> memref<128xi32, #tpu.memory_space<hbm>>
      %dma_wait3A_421 = arith.constant 0 : i32
      %dma_wait3A_422 = tpu.memref_slice %arg7[%run_scoped3A_43, %dma_wait3A_421] : memref<16x128xi32, #tpu.memory_space<vmem>> -> memref<1x128xi32, #tpu.memory_space<vmem>>
      %dma_wait3A_423 = tpu.memref_squeeze %dma_wait3A_422 : memref<1x128xi32, #tpu.memory_space<vmem>> -> memref<128xi32, #tpu.memory_space<vmem>>
      %dma_wait3A_424 = tpu.memref_slice %arg5[%add3A_42] : memref<32768xi32, #tpu.memory_space<hbm>> -> memref<128xi32, #tpu.memory_space<hbm>>
      tpu.wait_dma2 semaphore(%run_scoped3A_408 : memref<!tpu.dma_semaphore, #tpu.memory_space<semaphore_mem>>) src(%dma_wait3A_424 : memref<128xi32, #tpu.memory_space<hbm>>) dst(%dma_wait3A_423 : memref<128xi32, #tpu.memory_space<vmem>>)
      tpu.yield
    }) : () -> ()
    %add3A_44 = arith.constant 896 : i32
    %add3A_45 = arith.addi %mul3A_2, %add3A_44 : i32
    %run_scoped3A_46 = arith.constant 7 : i32
    "tpu.region"() ({
      %run_scoped3A_408 = tpu.sem_alloc : memref<!tpu.dma_semaphore, #tpu.memory_space<semaphore_mem>>
      %dma_start3A_409 = arith.constant 0 : i32
      %dma_start3A_410 = tpu.memref_slice %arg7[%run_scoped3A_46, %dma_start3A_409] : memref<16x128xi32, #tpu.memory_space<vmem>> -> memref<1x128xi32, #tpu.memory_space<vmem>>
      %dma_start3A_411 = tpu.memref_squeeze %dma_start3A_410 : memref<1x128xi32, #tpu.memory_space<vmem>> -> memref<128xi32, #tpu.memory_space<vmem>>
      %dma_start3A_412 = tpu.memref_slice %arg4[%add3A_45] : memref<32768xi32, #tpu.memory_space<hbm>> -> memref<128xi32, #tpu.memory_space<hbm>>
      %dma_start3A_413 = arith.constant 0 : i32
      %dma_start3A_414 = tpu.memref_slice %arg7[%run_scoped3A_46, %dma_start3A_413] : memref<16x128xi32, #tpu.memory_space<vmem>> -> memref<1x128xi32, #tpu.memory_space<vmem>>
      %dma_start3A_415 = tpu.memref_squeeze %dma_start3A_414 : memref<1x128xi32, #tpu.memory_space<vmem>> -> memref<128xi32, #tpu.memory_space<vmem>>
      %dma_start3A_416 = tpu.memref_slice %arg4[%add3A_45] : memref<32768xi32, #tpu.memory_space<hbm>> -> memref<128xi32, #tpu.memory_space<hbm>>
      tpu.enqueue_dma source(%dma_start3A_416 : memref<128xi32, #tpu.memory_space<hbm>>) target(%dma_start3A_415 : memref<128xi32, #tpu.memory_space<vmem>>) target_semaphore(%run_scoped3A_408 : memref<!tpu.dma_semaphore, #tpu.memory_space<semaphore_mem>>)
      %dma_wait3A_417 = arith.constant 0 : i32
      %dma_wait3A_418 = tpu.memref_slice %arg7[%run_scoped3A_46, %dma_wait3A_417] : memref<16x128xi32, #tpu.memory_space<vmem>> -> memref<1x128xi32, #tpu.memory_space<vmem>>
      %dma_wait3A_419 = tpu.memref_squeeze %dma_wait3A_418 : memref<1x128xi32, #tpu.memory_space<vmem>> -> memref<128xi32, #tpu.memory_space<vmem>>
      %dma_wait3A_420 = tpu.memref_slice %arg4[%add3A_45] : memref<32768xi32, #tpu.memory_space<hbm>> -> memref<128xi32, #tpu.memory_space<hbm>>
      %dma_wait3A_421 = arith.constant 0 : i32
      %dma_wait3A_422 = tpu.memref_slice %arg7[%run_scoped3A_46, %dma_wait3A_421] : memref<16x128xi32, #tpu.memory_space<vmem>> -> memref<1x128xi32, #tpu.memory_space<vmem>>
      %dma_wait3A_423 = tpu.memref_squeeze %dma_wait3A_422 : memref<1x128xi32, #tpu.memory_space<vmem>> -> memref<128xi32, #tpu.memory_space<vmem>>
      %dma_wait3A_424 = tpu.memref_slice %arg4[%add3A_45] : memref<32768xi32, #tpu.memory_space<hbm>> -> memref<128xi32, #tpu.memory_space<hbm>>
      tpu.wait_dma2 semaphore(%run_scoped3A_408 : memref<!tpu.dma_semaphore, #tpu.memory_space<semaphore_mem>>) src(%dma_wait3A_424 : memref<128xi32, #tpu.memory_space<hbm>>) dst(%dma_wait3A_423 : memref<128xi32, #tpu.memory_space<vmem>>)
      tpu.yield
    }) : () -> ()
    %add3A_47 = arith.constant 896 : i32
    %add3A_48 = arith.addi %mul3A_2, %add3A_47 : i32
    %run_scoped3A_49 = arith.constant 15 : i32
    "tpu.region"() ({
      %run_scoped3A_408 = tpu.sem_alloc : memref<!tpu.dma_semaphore, #tpu.memory_space<semaphore_mem>>
      %dma_start3A_409 = arith.constant 0 : i32
      %dma_start3A_410 = tpu.memref_slice %arg7[%run_scoped3A_49, %dma_start3A_409] : memref<16x128xi32, #tpu.memory_space<vmem>> -> memref<1x128xi32, #tpu.memory_space<vmem>>
      %dma_start3A_411 = tpu.memref_squeeze %dma_start3A_410 : memref<1x128xi32, #tpu.memory_space<vmem>> -> memref<128xi32, #tpu.memory_space<vmem>>
      %dma_start3A_412 = tpu.memref_slice %arg5[%add3A_48] : memref<32768xi32, #tpu.memory_space<hbm>> -> memref<128xi32, #tpu.memory_space<hbm>>
      %dma_start3A_413 = arith.constant 0 : i32
      %dma_start3A_414 = tpu.memref_slice %arg7[%run_scoped3A_49, %dma_start3A_413] : memref<16x128xi32, #tpu.memory_space<vmem>> -> memref<1x128xi32, #tpu.memory_space<vmem>>
      %dma_start3A_415 = tpu.memref_squeeze %dma_start3A_414 : memref<1x128xi32, #tpu.memory_space<vmem>> -> memref<128xi32, #tpu.memory_space<vmem>>
      %dma_start3A_416 = tpu.memref_slice %arg5[%add3A_48] : memref<32768xi32, #tpu.memory_space<hbm>> -> memref<128xi32, #tpu.memory_space<hbm>>
      tpu.enqueue_dma source(%dma_start3A_416 : memref<128xi32, #tpu.memory_space<hbm>>) target(%dma_start3A_415 : memref<128xi32, #tpu.memory_space<vmem>>) target_semaphore(%run_scoped3A_408 : memref<!tpu.dma_semaphore, #tpu.memory_space<semaphore_mem>>)
      %dma_wait3A_417 = arith.constant 0 : i32
      %dma_wait3A_418 = tpu.memref_slice %arg7[%run_scoped3A_49, %dma_wait3A_417] : memref<16x128xi32, #tpu.memory_space<vmem>> -> memref<1x128xi32, #tpu.memory_space<vmem>>
      %dma_wait3A_419 = tpu.memref_squeeze %dma_wait3A_418 : memref<1x128xi32, #tpu.memory_space<vmem>> -> memref<128xi32, #tpu.memory_space<vmem>>
      %dma_wait3A_420 = tpu.memref_slice %arg5[%add3A_48] : memref<32768xi32, #tpu.memory_space<hbm>> -> memref<128xi32, #tpu.memory_space<hbm>>
      %dma_wait3A_421 = arith.constant 0 : i32
      %dma_wait3A_422 = tpu.memref_slice %arg7[%run_scoped3A_49, %dma_wait3A_421] : memref<16x128xi32, #tpu.memory_space<vmem>> -> memref<1x128xi32, #tpu.memory_space<vmem>>
      %dma_wait3A_423 = tpu.memref_squeeze %dma_wait3A_422 : memref<1x128xi32, #tpu.memory_space<vmem>> -> memref<128xi32, #tpu.memory_space<vmem>>
      %dma_wait3A_424 = tpu.memref_slice %arg5[%add3A_48] : memref<32768xi32, #tpu.memory_space<hbm>> -> memref<128xi32, #tpu.memory_space<hbm>>
      tpu.wait_dma2 semaphore(%run_scoped3A_408 : memref<!tpu.dma_semaphore, #tpu.memory_space<semaphore_mem>>) src(%dma_wait3A_424 : memref<128xi32, #tpu.memory_space<hbm>>) dst(%dma_wait3A_423 : memref<128xi32, #tpu.memory_space<vmem>>)
      tpu.yield
    }) : () -> ()
    %dma_start3A = arith.constant 0 : i32
    %dma_start3A_50 = arith.constant 0 : i32
    %dma_start3A_51 = arith.constant 0 : i32
    %dma_start3A_52 = tpu.memref_slice %arg8[%dma_start3A_50, %dma_start3A_51] : memref<512x64xf32, #tpu.memory_space<vmem>> -> memref<128x64xf32, #tpu.memory_space<vmem>>
    %dma_start3A_53 = arith.constant 0 : i32
    %dma_start3A_54 = tpu.memref_slice %arg7[%dma_start3A, %dma_start3A_53] : memref<16x128xi32, #tpu.memory_space<vmem>> -> memref<1x128xi32, #tpu.memory_space<vmem>>
    %dma_start3A_55 = tpu.memref_squeeze %dma_start3A_54 : memref<1x128xi32, #tpu.memory_space<vmem>> -> memref<128xi32, #tpu.memory_space<vmem>>
    %dma_start3A_56 = arith.constant 0 : i32
    %dma_start3A_57 = arith.constant 0 : i32
    %dma_start3A_58 = tpu.memref_slice %arg2[%dma_start3A_56, %dma_start3A_57] : memref<1000x64xf32, #tpu.memory_space<hbm>> -> memref<1000x64xf32, #tpu.memory_space<hbm>>
    tpu.enqueue_indirect_dma source(%dma_start3A_58 : memref<1000x64xf32, #tpu.memory_space<hbm>>) target(%dma_start3A_52 : memref<128x64xf32, #tpu.memory_space<vmem>>) offsets(%dma_start3A_55 : memref<128xi32, #tpu.memory_space<vmem>>) semaphore(%arg10 : memref<!tpu.dma_semaphore, #tpu.memory_space<semaphore_mem>>)
    %dma_start3A_59 = arith.constant 1 : i32
    %dma_start3A_60 = arith.constant 128 : i32
    %dma_start3A_61 = arith.constant 0 : i32
    %dma_start3A_62 = tpu.memref_slice %arg8[%dma_start3A_60, %dma_start3A_61] : memref<512x64xf32, #tpu.memory_space<vmem>> -> memref<128x64xf32, #tpu.memory_space<vmem>>
    %dma_start3A_63 = arith.constant 0 : i32
    %dma_start3A_64 = tpu.memref_slice %arg7[%dma_start3A_59, %dma_start3A_63] : memref<16x128xi32, #tpu.memory_space<vmem>> -> memref<1x128xi32, #tpu.memory_space<vmem>>
    %dma_start3A_65 = tpu.memref_squeeze %dma_start3A_64 : memref<1x128xi32, #tpu.memory_space<vmem>> -> memref<128xi32, #tpu.memory_space<vmem>>
    %dma_start3A_66 = arith.constant 0 : i32
    %dma_start3A_67 = arith.constant 0 : i32
    %dma_start3A_68 = tpu.memref_slice %arg2[%dma_start3A_66, %dma_start3A_67] : memref<1000x64xf32, #tpu.memory_space<hbm>> -> memref<1000x64xf32, #tpu.memory_space<hbm>>
    tpu.enqueue_indirect_dma source(%dma_start3A_68 : memref<1000x64xf32, #tpu.memory_space<hbm>>) target(%dma_start3A_62 : memref<128x64xf32, #tpu.memory_space<vmem>>) offsets(%dma_start3A_65 : memref<128xi32, #tpu.memory_space<vmem>>) semaphore(%arg10 : memref<!tpu.dma_semaphore, #tpu.memory_space<semaphore_mem>>)
    %dma_start3A_69 = arith.constant 2 : i32
    %dma_start3A_70 = arith.constant 256 : i32
    %dma_start3A_71 = arith.constant 0 : i32
    %dma_start3A_72 = tpu.memref_slice %arg8[%dma_start3A_70, %dma_start3A_71] : memref<512x64xf32, #tpu.memory_space<vmem>> -> memref<128x64xf32, #tpu.memory_space<vmem>>
    %dma_start3A_73 = arith.constant 0 : i32
    %dma_start3A_74 = tpu.memref_slice %arg7[%dma_start3A_69, %dma_start3A_73] : memref<16x128xi32, #tpu.memory_space<vmem>> -> memref<1x128xi32, #tpu.memory_space<vmem>>
    %dma_start3A_75 = tpu.memref_squeeze %dma_start3A_74 : memref<1x128xi32, #tpu.memory_space<vmem>> -> memref<128xi32, #tpu.memory_space<vmem>>
    %dma_start3A_76 = arith.constant 0 : i32
    %dma_start3A_77 = arith.constant 0 : i32
    %dma_start3A_78 = tpu.memref_slice %arg2[%dma_start3A_76, %dma_start3A_77] : memref<1000x64xf32, #tpu.memory_space<hbm>> -> memref<1000x64xf32, #tpu.memory_space<hbm>>
    tpu.enqueue_indirect_dma source(%dma_start3A_78 : memref<1000x64xf32, #tpu.memory_space<hbm>>) target(%dma_start3A_72 : memref<128x64xf32, #tpu.memory_space<vmem>>) offsets(%dma_start3A_75 : memref<128xi32, #tpu.memory_space<vmem>>) semaphore(%arg10 : memref<!tpu.dma_semaphore, #tpu.memory_space<semaphore_mem>>)
    %dma_start3A_79 = arith.constant 3 : i32
    %dma_start3A_80 = arith.constant 384 : i32
    %dma_start3A_81 = arith.constant 0 : i32
    %dma_start3A_82 = tpu.memref_slice %arg8[%dma_start3A_80, %dma_start3A_81] : memref<512x64xf32, #tpu.memory_space<vmem>> -> memref<128x64xf32, #tpu.memory_space<vmem>>
    %dma_start3A_83 = arith.constant 0 : i32
    %dma_start3A_84 = tpu.memref_slice %arg7[%dma_start3A_79, %dma_start3A_83] : memref<16x128xi32, #tpu.memory_space<vmem>> -> memref<1x128xi32, #tpu.memory_space<vmem>>
    %dma_start3A_85 = tpu.memref_squeeze %dma_start3A_84 : memref<1x128xi32, #tpu.memory_space<vmem>> -> memref<128xi32, #tpu.memory_space<vmem>>
    %dma_start3A_86 = arith.constant 0 : i32
    %dma_start3A_87 = arith.constant 0 : i32
    %dma_start3A_88 = tpu.memref_slice %arg2[%dma_start3A_86, %dma_start3A_87] : memref<1000x64xf32, #tpu.memory_space<hbm>> -> memref<1000x64xf32, #tpu.memory_space<hbm>>
    tpu.enqueue_indirect_dma source(%dma_start3A_88 : memref<1000x64xf32, #tpu.memory_space<hbm>>) target(%dma_start3A_82 : memref<128x64xf32, #tpu.memory_space<vmem>>) offsets(%dma_start3A_85 : memref<128xi32, #tpu.memory_space<vmem>>) semaphore(%arg10 : memref<!tpu.dma_semaphore, #tpu.memory_space<semaphore_mem>>)
    %dma_wait3A = arith.constant 0 : i32
    %dma_wait3A_89 = arith.constant 0 : i32
    %dma_wait3A_90 = arith.constant 0 : i32
    %dma_wait3A_91 = tpu.memref_slice %arg8[%dma_wait3A_89, %dma_wait3A_90] : memref<512x64xf32, #tpu.memory_space<vmem>> -> memref<128x64xf32, #tpu.memory_space<vmem>>
    %dma_wait3A_92 = arith.constant 0 : i32
    %dma_wait3A_93 = tpu.memref_slice %arg7[%dma_wait3A, %dma_wait3A_92] : memref<16x128xi32, #tpu.memory_space<vmem>> -> memref<1x128xi32, #tpu.memory_space<vmem>>
    %dma_wait3A_94 = tpu.memref_squeeze %dma_wait3A_93 : memref<1x128xi32, #tpu.memory_space<vmem>> -> memref<128xi32, #tpu.memory_space<vmem>>
    %dma_wait3A_95 = arith.constant 0 : i32
    %dma_wait3A_96 = arith.constant 0 : i32
    %dma_wait3A_97 = tpu.memref_slice %arg2[%dma_wait3A_95, %dma_wait3A_96] : memref<1000x64xf32, #tpu.memory_space<hbm>> -> memref<1000x64xf32, #tpu.memory_space<hbm>>
    tpu.wait_indirect_dma semaphore(%arg10 : memref<!tpu.dma_semaphore, #tpu.memory_space<semaphore_mem>>) src(%dma_wait3A_97 : memref<1000x64xf32, #tpu.memory_space<hbm>>) dst(%dma_wait3A_91 : memref<128x64xf32, #tpu.memory_space<vmem>>)
    %dma_wait3A_98 = arith.constant 1 : i32
    %dma_wait3A_99 = arith.constant 128 : i32
    %dma_wait3A_100 = arith.constant 0 : i32
    %dma_wait3A_101 = tpu.memref_slice %arg8[%dma_wait3A_99, %dma_wait3A_100] : memref<512x64xf32, #tpu.memory_space<vmem>> -> memref<128x64xf32, #tpu.memory_space<vmem>>
    %dma_wait3A_102 = arith.constant 0 : i32
    %dma_wait3A_103 = tpu.memref_slice %arg7[%dma_wait3A_98, %dma_wait3A_102] : memref<16x128xi32, #tpu.memory_space<vmem>> -> memref<1x128xi32, #tpu.memory_space<vmem>>
    %dma_wait3A_104 = tpu.memref_squeeze %dma_wait3A_103 : memref<1x128xi32, #tpu.memory_space<vmem>> -> memref<128xi32, #tpu.memory_space<vmem>>
    %dma_wait3A_105 = arith.constant 0 : i32
    %dma_wait3A_106 = arith.constant 0 : i32
    %dma_wait3A_107 = tpu.memref_slice %arg2[%dma_wait3A_105, %dma_wait3A_106] : memref<1000x64xf32, #tpu.memory_space<hbm>> -> memref<1000x64xf32, #tpu.memory_space<hbm>>
    tpu.wait_indirect_dma semaphore(%arg10 : memref<!tpu.dma_semaphore, #tpu.memory_space<semaphore_mem>>) src(%dma_wait3A_107 : memref<1000x64xf32, #tpu.memory_space<hbm>>) dst(%dma_wait3A_101 : memref<128x64xf32, #tpu.memory_space<vmem>>)
    %dma_wait3A_108 = arith.constant 2 : i32
    %dma_wait3A_109 = arith.constant 256 : i32
    %dma_wait3A_110 = arith.constant 0 : i32
    %dma_wait3A_111 = tpu.memref_slice %arg8[%dma_wait3A_109, %dma_wait3A_110] : memref<512x64xf32, #tpu.memory_space<vmem>> -> memref<128x64xf32, #tpu.memory_space<vmem>>
    %dma_wait3A_112 = arith.constant 0 : i32
    %dma_wait3A_113 = tpu.memref_slice %arg7[%dma_wait3A_108, %dma_wait3A_112] : memref<16x128xi32, #tpu.memory_space<vmem>> -> memref<1x128xi32, #tpu.memory_space<vmem>>
    %dma_wait3A_114 = tpu.memref_squeeze %dma_wait3A_113 : memref<1x128xi32, #tpu.memory_space<vmem>> -> memref<128xi32, #tpu.memory_space<vmem>>
    %dma_wait3A_115 = arith.constant 0 : i32
    %dma_wait3A_116 = arith.constant 0 : i32
    %dma_wait3A_117 = tpu.memref_slice %arg2[%dma_wait3A_115, %dma_wait3A_116] : memref<1000x64xf32, #tpu.memory_space<hbm>> -> memref<1000x64xf32, #tpu.memory_space<hbm>>
    tpu.wait_indirect_dma semaphore(%arg10 : memref<!tpu.dma_semaphore, #tpu.memory_space<semaphore_mem>>) src(%dma_wait3A_117 : memref<1000x64xf32, #tpu.memory_space<hbm>>) dst(%dma_wait3A_111 : memref<128x64xf32, #tpu.memory_space<vmem>>)
    %dma_wait3A_118 = arith.constant 3 : i32
    %dma_wait3A_119 = arith.constant 384 : i32
    %dma_wait3A_120 = arith.constant 0 : i32
    %dma_wait3A_121 = tpu.memref_slice %arg8[%dma_wait3A_119, %dma_wait3A_120] : memref<512x64xf32, #tpu.memory_space<vmem>> -> memref<128x64xf32, #tpu.memory_space<vmem>>
    %dma_wait3A_122 = arith.constant 0 : i32
    %dma_wait3A_123 = tpu.memref_slice %arg7[%dma_wait3A_118, %dma_wait3A_122] : memref<16x128xi32, #tpu.memory_space<vmem>> -> memref<1x128xi32, #tpu.memory_space<vmem>>
    %dma_wait3A_124 = tpu.memref_squeeze %dma_wait3A_123 : memref<1x128xi32, #tpu.memory_space<vmem>> -> memref<128xi32, #tpu.memory_space<vmem>>
    %dma_wait3A_125 = arith.constant 0 : i32
    %dma_wait3A_126 = arith.constant 0 : i32
    %dma_wait3A_127 = tpu.memref_slice %arg2[%dma_wait3A_125, %dma_wait3A_126] : memref<1000x64xf32, #tpu.memory_space<hbm>> -> memref<1000x64xf32, #tpu.memory_space<hbm>>
    tpu.wait_indirect_dma semaphore(%arg10 : memref<!tpu.dma_semaphore, #tpu.memory_space<semaphore_mem>>) src(%dma_wait3A_127 : memref<1000x64xf32, #tpu.memory_space<hbm>>) dst(%dma_wait3A_121 : memref<128x64xf32, #tpu.memory_space<vmem>>)
    %add3A_128 = arith.constant 0 : i32
    %add3A_129 = arith.addi %mul3A_2, %add3A_128 : i32
    %dma_start3A_130 = arith.constant 0 : i32
    %dma_start3A_131 = tpu.memref_slice %arg6[%add3A_129, %dma_start3A_130] : memref<32768x128xf32, #tpu.memory_space<hbm>> -> memref<512x64xf32, #tpu.memory_space<hbm>>
    %dma_start3A_132 = arith.constant 0 : i32
    %dma_start3A_133 = tpu.memref_slice %arg6[%add3A_129, %dma_start3A_132] : memref<32768x128xf32, #tpu.memory_space<hbm>> -> memref<512x64xf32, #tpu.memory_space<hbm>>
    tpu.enqueue_dma source(%arg8 : memref<512x64xf32, #tpu.memory_space<vmem>>) target(%dma_start3A_133 : memref<512x64xf32, #tpu.memory_space<hbm>>) target_semaphore(%arg11 : memref<!tpu.dma_semaphore, #tpu.memory_space<semaphore_mem>>)
    %dma_start3A_134 = arith.constant 4 : i32
    %dma_start3A_135 = arith.constant 0 : i32
    %dma_start3A_136 = arith.constant 0 : i32
    %dma_start3A_137 = tpu.memref_slice %arg9[%dma_start3A_135, %dma_start3A_136] : memref<512x64xf32, #tpu.memory_space<vmem>> -> memref<128x64xf32, #tpu.memory_space<vmem>>
    %dma_start3A_138 = arith.constant 0 : i32
    %dma_start3A_139 = tpu.memref_slice %arg7[%dma_start3A_134, %dma_start3A_138] : memref<16x128xi32, #tpu.memory_space<vmem>> -> memref<1x128xi32, #tpu.memory_space<vmem>>
    %dma_start3A_140 = tpu.memref_squeeze %dma_start3A_139 : memref<1x128xi32, #tpu.memory_space<vmem>> -> memref<128xi32, #tpu.memory_space<vmem>>
    %dma_start3A_141 = arith.constant 0 : i32
    %dma_start3A_142 = arith.constant 0 : i32
    %dma_start3A_143 = tpu.memref_slice %arg2[%dma_start3A_141, %dma_start3A_142] : memref<1000x64xf32, #tpu.memory_space<hbm>> -> memref<1000x64xf32, #tpu.memory_space<hbm>>
    tpu.enqueue_indirect_dma source(%dma_start3A_143 : memref<1000x64xf32, #tpu.memory_space<hbm>>) target(%dma_start3A_137 : memref<128x64xf32, #tpu.memory_space<vmem>>) offsets(%dma_start3A_140 : memref<128xi32, #tpu.memory_space<vmem>>) semaphore(%arg10 : memref<!tpu.dma_semaphore, #tpu.memory_space<semaphore_mem>>)
    %dma_start3A_144 = arith.constant 5 : i32
    %dma_start3A_145 = arith.constant 128 : i32
    %dma_start3A_146 = arith.constant 0 : i32
    %dma_start3A_147 = tpu.memref_slice %arg9[%dma_start3A_145, %dma_start3A_146] : memref<512x64xf32, #tpu.memory_space<vmem>> -> memref<128x64xf32, #tpu.memory_space<vmem>>
    %dma_start3A_148 = arith.constant 0 : i32
    %dma_start3A_149 = tpu.memref_slice %arg7[%dma_start3A_144, %dma_start3A_148] : memref<16x128xi32, #tpu.memory_space<vmem>> -> memref<1x128xi32, #tpu.memory_space<vmem>>
    %dma_start3A_150 = tpu.memref_squeeze %dma_start3A_149 : memref<1x128xi32, #tpu.memory_space<vmem>> -> memref<128xi32, #tpu.memory_space<vmem>>
    %dma_start3A_151 = arith.constant 0 : i32
    %dma_start3A_152 = arith.constant 0 : i32
    %dma_start3A_153 = tpu.memref_slice %arg2[%dma_start3A_151, %dma_start3A_152] : memref<1000x64xf32, #tpu.memory_space<hbm>> -> memref<1000x64xf32, #tpu.memory_space<hbm>>
    tpu.enqueue_indirect_dma source(%dma_start3A_153 : memref<1000x64xf32, #tpu.memory_space<hbm>>) target(%dma_start3A_147 : memref<128x64xf32, #tpu.memory_space<vmem>>) offsets(%dma_start3A_150 : memref<128xi32, #tpu.memory_space<vmem>>) semaphore(%arg10 : memref<!tpu.dma_semaphore, #tpu.memory_space<semaphore_mem>>)
    %dma_start3A_154 = arith.constant 6 : i32
    %dma_start3A_155 = arith.constant 256 : i32
    %dma_start3A_156 = arith.constant 0 : i32
    %dma_start3A_157 = tpu.memref_slice %arg9[%dma_start3A_155, %dma_start3A_156] : memref<512x64xf32, #tpu.memory_space<vmem>> -> memref<128x64xf32, #tpu.memory_space<vmem>>
    %dma_start3A_158 = arith.constant 0 : i32
    %dma_start3A_159 = tpu.memref_slice %arg7[%dma_start3A_154, %dma_start3A_158] : memref<16x128xi32, #tpu.memory_space<vmem>> -> memref<1x128xi32, #tpu.memory_space<vmem>>
    %dma_start3A_160 = tpu.memref_squeeze %dma_start3A_159 : memref<1x128xi32, #tpu.memory_space<vmem>> -> memref<128xi32, #tpu.memory_space<vmem>>
    %dma_start3A_161 = arith.constant 0 : i32
    %dma_start3A_162 = arith.constant 0 : i32
    %dma_start3A_163 = tpu.memref_slice %arg2[%dma_start3A_161, %dma_start3A_162] : memref<1000x64xf32, #tpu.memory_space<hbm>> -> memref<1000x64xf32, #tpu.memory_space<hbm>>
    tpu.enqueue_indirect_dma source(%dma_start3A_163 : memref<1000x64xf32, #tpu.memory_space<hbm>>) target(%dma_start3A_157 : memref<128x64xf32, #tpu.memory_space<vmem>>) offsets(%dma_start3A_160 : memref<128xi32, #tpu.memory_space<vmem>>) semaphore(%arg10 : memref<!tpu.dma_semaphore, #tpu.memory_space<semaphore_mem>>)
    %dma_start3A_164 = arith.constant 7 : i32
    %dma_start3A_165 = arith.constant 384 : i32
    %dma_start3A_166 = arith.constant 0 : i32
    %dma_start3A_167 = tpu.memref_slice %arg9[%dma_start3A_165, %dma_start3A_166] : memref<512x64xf32, #tpu.memory_space<vmem>> -> memref<128x64xf32, #tpu.memory_space<vmem>>
    %dma_start3A_168 = arith.constant 0 : i32
    %dma_start3A_169 = tpu.memref_slice %arg7[%dma_start3A_164, %dma_start3A_168] : memref<16x128xi32, #tpu.memory_space<vmem>> -> memref<1x128xi32, #tpu.memory_space<vmem>>
    %dma_start3A_170 = tpu.memref_squeeze %dma_start3A_169 : memref<1x128xi32, #tpu.memory_space<vmem>> -> memref<128xi32, #tpu.memory_space<vmem>>
    %dma_start3A_171 = arith.constant 0 : i32
    %dma_start3A_172 = arith.constant 0 : i32
    %dma_start3A_173 = tpu.memref_slice %arg2[%dma_start3A_171, %dma_start3A_172] : memref<1000x64xf32, #tpu.memory_space<hbm>> -> memref<1000x64xf32, #tpu.memory_space<hbm>>
    tpu.enqueue_indirect_dma source(%dma_start3A_173 : memref<1000x64xf32, #tpu.memory_space<hbm>>) target(%dma_start3A_167 : memref<128x64xf32, #tpu.memory_space<vmem>>) offsets(%dma_start3A_170 : memref<128xi32, #tpu.memory_space<vmem>>) semaphore(%arg10 : memref<!tpu.dma_semaphore, #tpu.memory_space<semaphore_mem>>)
    %dma_wait3A_174 = arith.constant 4 : i32
    %dma_wait3A_175 = arith.constant 0 : i32
    %dma_wait3A_176 = arith.constant 0 : i32
    %dma_wait3A_177 = tpu.memref_slice %arg9[%dma_wait3A_175, %dma_wait3A_176] : memref<512x64xf32, #tpu.memory_space<vmem>> -> memref<128x64xf32, #tpu.memory_space<vmem>>
    %dma_wait3A_178 = arith.constant 0 : i32
    %dma_wait3A_179 = tpu.memref_slice %arg7[%dma_wait3A_174, %dma_wait3A_178] : memref<16x128xi32, #tpu.memory_space<vmem>> -> memref<1x128xi32, #tpu.memory_space<vmem>>
    %dma_wait3A_180 = tpu.memref_squeeze %dma_wait3A_179 : memref<1x128xi32, #tpu.memory_space<vmem>> -> memref<128xi32, #tpu.memory_space<vmem>>
    %dma_wait3A_181 = arith.constant 0 : i32
    %dma_wait3A_182 = arith.constant 0 : i32
    %dma_wait3A_183 = tpu.memref_slice %arg2[%dma_wait3A_181, %dma_wait3A_182] : memref<1000x64xf32, #tpu.memory_space<hbm>> -> memref<1000x64xf32, #tpu.memory_space<hbm>>
    tpu.wait_indirect_dma semaphore(%arg10 : memref<!tpu.dma_semaphore, #tpu.memory_space<semaphore_mem>>) src(%dma_wait3A_183 : memref<1000x64xf32, #tpu.memory_space<hbm>>) dst(%dma_wait3A_177 : memref<128x64xf32, #tpu.memory_space<vmem>>)
    %dma_wait3A_184 = arith.constant 5 : i32
    %dma_wait3A_185 = arith.constant 128 : i32
    %dma_wait3A_186 = arith.constant 0 : i32
    %dma_wait3A_187 = tpu.memref_slice %arg9[%dma_wait3A_185, %dma_wait3A_186] : memref<512x64xf32, #tpu.memory_space<vmem>> -> memref<128x64xf32, #tpu.memory_space<vmem>>
    %dma_wait3A_188 = arith.constant 0 : i32
    %dma_wait3A_189 = tpu.memref_slice %arg7[%dma_wait3A_184, %dma_wait3A_188] : memref<16x128xi32, #tpu.memory_space<vmem>> -> memref<1x128xi32, #tpu.memory_space<vmem>>
    %dma_wait3A_190 = tpu.memref_squeeze %dma_wait3A_189 : memref<1x128xi32, #tpu.memory_space<vmem>> -> memref<128xi32, #tpu.memory_space<vmem>>
    %dma_wait3A_191 = arith.constant 0 : i32
    %dma_wait3A_192 = arith.constant 0 : i32
    %dma_wait3A_193 = tpu.memref_slice %arg2[%dma_wait3A_191, %dma_wait3A_192] : memref<1000x64xf32, #tpu.memory_space<hbm>> -> memref<1000x64xf32, #tpu.memory_space<hbm>>
    tpu.wait_indirect_dma semaphore(%arg10 : memref<!tpu.dma_semaphore, #tpu.memory_space<semaphore_mem>>) src(%dma_wait3A_193 : memref<1000x64xf32, #tpu.memory_space<hbm>>) dst(%dma_wait3A_187 : memref<128x64xf32, #tpu.memory_space<vmem>>)
    %dma_wait3A_194 = arith.constant 6 : i32
    %dma_wait3A_195 = arith.constant 256 : i32
    %dma_wait3A_196 = arith.constant 0 : i32
    %dma_wait3A_197 = tpu.memref_slice %arg9[%dma_wait3A_195, %dma_wait3A_196] : memref<512x64xf32, #tpu.memory_space<vmem>> -> memref<128x64xf32, #tpu.memory_space<vmem>>
    %dma_wait3A_198 = arith.constant 0 : i32
    %dma_wait3A_199 = tpu.memref_slice %arg7[%dma_wait3A_194, %dma_wait3A_198] : memref<16x128xi32, #tpu.memory_space<vmem>> -> memref<1x128xi32, #tpu.memory_space<vmem>>
    %dma_wait3A_200 = tpu.memref_squeeze %dma_wait3A_199 : memref<1x128xi32, #tpu.memory_space<vmem>> -> memref<128xi32, #tpu.memory_space<vmem>>
    %dma_wait3A_201 = arith.constant 0 : i32
    %dma_wait3A_202 = arith.constant 0 : i32
    %dma_wait3A_203 = tpu.memref_slice %arg2[%dma_wait3A_201, %dma_wait3A_202] : memref<1000x64xf32, #tpu.memory_space<hbm>> -> memref<1000x64xf32, #tpu.memory_space<hbm>>
    tpu.wait_indirect_dma semaphore(%arg10 : memref<!tpu.dma_semaphore, #tpu.memory_space<semaphore_mem>>) src(%dma_wait3A_203 : memref<1000x64xf32, #tpu.memory_space<hbm>>) dst(%dma_wait3A_197 : memref<128x64xf32, #tpu.memory_space<vmem>>)
    %dma_wait3A_204 = arith.constant 7 : i32
    %dma_wait3A_205 = arith.constant 384 : i32
    %dma_wait3A_206 = arith.constant 0 : i32
    %dma_wait3A_207 = tpu.memref_slice %arg9[%dma_wait3A_205, %dma_wait3A_206] : memref<512x64xf32, #tpu.memory_space<vmem>> -> memref<128x64xf32, #tpu.memory_space<vmem>>
    %dma_wait3A_208 = arith.constant 0 : i32
    %dma_wait3A_209 = tpu.memref_slice %arg7[%dma_wait3A_204, %dma_wait3A_208] : memref<16x128xi32, #tpu.memory_space<vmem>> -> memref<1x128xi32, #tpu.memory_space<vmem>>
    %dma_wait3A_210 = tpu.memref_squeeze %dma_wait3A_209 : memref<1x128xi32, #tpu.memory_space<vmem>> -> memref<128xi32, #tpu.memory_space<vmem>>
    %dma_wait3A_211 = arith.constant 0 : i32
    %dma_wait3A_212 = arith.constant 0 : i32
    %dma_wait3A_213 = tpu.memref_slice %arg2[%dma_wait3A_211, %dma_wait3A_212] : memref<1000x64xf32, #tpu.memory_space<hbm>> -> memref<1000x64xf32, #tpu.memory_space<hbm>>
    tpu.wait_indirect_dma semaphore(%arg10 : memref<!tpu.dma_semaphore, #tpu.memory_space<semaphore_mem>>) src(%dma_wait3A_213 : memref<1000x64xf32, #tpu.memory_space<hbm>>) dst(%dma_wait3A_207 : memref<128x64xf32, #tpu.memory_space<vmem>>)
    %add3A_214 = arith.constant 512 : i32
    %add3A_215 = arith.addi %mul3A_2, %add3A_214 : i32
    %dma_start3A_216 = arith.constant 0 : i32
    %dma_start3A_217 = tpu.memref_slice %arg6[%add3A_215, %dma_start3A_216] : memref<32768x128xf32, #tpu.memory_space<hbm>> -> memref<512x64xf32, #tpu.memory_space<hbm>>
    %dma_start3A_218 = arith.constant 0 : i32
    %dma_start3A_219 = tpu.memref_slice %arg6[%add3A_215, %dma_start3A_218] : memref<32768x128xf32, #tpu.memory_space<hbm>> -> memref<512x64xf32, #tpu.memory_space<hbm>>
    tpu.enqueue_dma source(%arg9 : memref<512x64xf32, #tpu.memory_space<vmem>>) target(%dma_start3A_219 : memref<512x64xf32, #tpu.memory_space<hbm>>) target_semaphore(%arg11 : memref<!tpu.dma_semaphore, #tpu.memory_space<semaphore_mem>>)
    %dma_wait3A_220 = arith.constant 0 : i32
    %dma_wait3A_221 = tpu.memref_slice %arg6[%add3A_129, %dma_wait3A_220] : memref<32768x128xf32, #tpu.memory_space<hbm>> -> memref<512x64xf32, #tpu.memory_space<hbm>>
    %dma_wait3A_222 = arith.constant 0 : i32
    %dma_wait3A_223 = tpu.memref_slice %arg6[%add3A_129, %dma_wait3A_222] : memref<32768x128xf32, #tpu.memory_space<hbm>> -> memref<512x64xf32, #tpu.memory_space<hbm>>
    tpu.wait_dma2 semaphore(%arg11 : memref<!tpu.dma_semaphore, #tpu.memory_space<semaphore_mem>>) src(%arg8 : memref<512x64xf32, #tpu.memory_space<vmem>>) dst(%dma_wait3A_223 : memref<512x64xf32, #tpu.memory_space<hbm>>)
    %dma_start3A_224 = arith.constant 8 : i32
    %dma_start3A_225 = arith.constant 0 : i32
    %dma_start3A_226 = arith.constant 0 : i32
    %dma_start3A_227 = tpu.memref_slice %arg8[%dma_start3A_225, %dma_start3A_226] : memref<512x64xf32, #tpu.memory_space<vmem>> -> memref<128x64xf32, #tpu.memory_space<vmem>>
    %dma_start3A_228 = arith.constant 0 : i32
    %dma_start3A_229 = tpu.memref_slice %arg7[%dma_start3A_224, %dma_start3A_228] : memref<16x128xi32, #tpu.memory_space<vmem>> -> memref<1x128xi32, #tpu.memory_space<vmem>>
    %dma_start3A_230 = tpu.memref_squeeze %dma_start3A_229 : memref<1x128xi32, #tpu.memory_space<vmem>> -> memref<128xi32, #tpu.memory_space<vmem>>
    %dma_start3A_231 = arith.constant 0 : i32
    %dma_start3A_232 = arith.constant 0 : i32
    %dma_start3A_233 = tpu.memref_slice %arg3[%dma_start3A_231, %dma_start3A_232] : memref<100000x64xf32, #tpu.memory_space<hbm>> -> memref<100000x64xf32, #tpu.memory_space<hbm>>
    tpu.enqueue_indirect_dma source(%dma_start3A_233 : memref<100000x64xf32, #tpu.memory_space<hbm>>) target(%dma_start3A_227 : memref<128x64xf32, #tpu.memory_space<vmem>>) offsets(%dma_start3A_230 : memref<128xi32, #tpu.memory_space<vmem>>) semaphore(%arg10 : memref<!tpu.dma_semaphore, #tpu.memory_space<semaphore_mem>>)
    %dma_start3A_234 = arith.constant 9 : i32
    %dma_start3A_235 = arith.constant 128 : i32
    %dma_start3A_236 = arith.constant 0 : i32
    %dma_start3A_237 = tpu.memref_slice %arg8[%dma_start3A_235, %dma_start3A_236] : memref<512x64xf32, #tpu.memory_space<vmem>> -> memref<128x64xf32, #tpu.memory_space<vmem>>
    %dma_start3A_238 = arith.constant 0 : i32
    %dma_start3A_239 = tpu.memref_slice %arg7[%dma_start3A_234, %dma_start3A_238] : memref<16x128xi32, #tpu.memory_space<vmem>> -> memref<1x128xi32, #tpu.memory_space<vmem>>
    %dma_start3A_240 = tpu.memref_squeeze %dma_start3A_239 : memref<1x128xi32, #tpu.memory_space<vmem>> -> memref<128xi32, #tpu.memory_space<vmem>>
    %dma_start3A_241 = arith.constant 0 : i32
    %dma_start3A_242 = arith.constant 0 : i32
    %dma_start3A_243 = tpu.memref_slice %arg3[%dma_start3A_241, %dma_start3A_242] : memref<100000x64xf32, #tpu.memory_space<hbm>> -> memref<100000x64xf32, #tpu.memory_space<hbm>>
    tpu.enqueue_indirect_dma source(%dma_start3A_243 : memref<100000x64xf32, #tpu.memory_space<hbm>>) target(%dma_start3A_237 : memref<128x64xf32, #tpu.memory_space<vmem>>) offsets(%dma_start3A_240 : memref<128xi32, #tpu.memory_space<vmem>>) semaphore(%arg10 : memref<!tpu.dma_semaphore, #tpu.memory_space<semaphore_mem>>)
    %dma_start3A_244 = arith.constant 10 : i32
    %dma_start3A_245 = arith.constant 256 : i32
    %dma_start3A_246 = arith.constant 0 : i32
    %dma_start3A_247 = tpu.memref_slice %arg8[%dma_start3A_245, %dma_start3A_246] : memref<512x64xf32, #tpu.memory_space<vmem>> -> memref<128x64xf32, #tpu.memory_space<vmem>>
    %dma_start3A_248 = arith.constant 0 : i32
    %dma_start3A_249 = tpu.memref_slice %arg7[%dma_start3A_244, %dma_start3A_248] : memref<16x128xi32, #tpu.memory_space<vmem>> -> memref<1x128xi32, #tpu.memory_space<vmem>>
    %dma_start3A_250 = tpu.memref_squeeze %dma_start3A_249 : memref<1x128xi32, #tpu.memory_space<vmem>> -> memref<128xi32, #tpu.memory_space<vmem>>
    %dma_start3A_251 = arith.constant 0 : i32
    %dma_start3A_252 = arith.constant 0 : i32
    %dma_start3A_253 = tpu.memref_slice %arg3[%dma_start3A_251, %dma_start3A_252] : memref<100000x64xf32, #tpu.memory_space<hbm>> -> memref<100000x64xf32, #tpu.memory_space<hbm>>
    tpu.enqueue_indirect_dma source(%dma_start3A_253 : memref<100000x64xf32, #tpu.memory_space<hbm>>) target(%dma_start3A_247 : memref<128x64xf32, #tpu.memory_space<vmem>>) offsets(%dma_start3A_250 : memref<128xi32, #tpu.memory_space<vmem>>) semaphore(%arg10 : memref<!tpu.dma_semaphore, #tpu.memory_space<semaphore_mem>>)
    %dma_start3A_254 = arith.constant 11 : i32
    %dma_start3A_255 = arith.constant 384 : i32
    %dma_start3A_256 = arith.constant 0 : i32
    %dma_start3A_257 = tpu.memref_slice %arg8[%dma_start3A_255, %dma_start3A_256] : memref<512x64xf32, #tpu.memory_space<vmem>> -> memref<128x64xf32, #tpu.memory_space<vmem>>
    %dma_start3A_258 = arith.constant 0 : i32
    %dma_start3A_259 = tpu.memref_slice %arg7[%dma_start3A_254, %dma_start3A_258] : memref<16x128xi32, #tpu.memory_space<vmem>> -> memref<1x128xi32, #tpu.memory_space<vmem>>
    %dma_start3A_260 = tpu.memref_squeeze %dma_start3A_259 : memref<1x128xi32, #tpu.memory_space<vmem>> -> memref<128xi32, #tpu.memory_space<vmem>>
    %dma_start3A_261 = arith.constant 0 : i32
    %dma_start3A_262 = arith.constant 0 : i32
    %dma_start3A_263 = tpu.memref_slice %arg3[%dma_start3A_261, %dma_start3A_262] : memref<100000x64xf32, #tpu.memory_space<hbm>> -> memref<100000x64xf32, #tpu.memory_space<hbm>>
    tpu.enqueue_indirect_dma source(%dma_start3A_263 : memref<100000x64xf32, #tpu.memory_space<hbm>>) target(%dma_start3A_257 : memref<128x64xf32, #tpu.memory_space<vmem>>) offsets(%dma_start3A_260 : memref<128xi32, #tpu.memory_space<vmem>>) semaphore(%arg10 : memref<!tpu.dma_semaphore, #tpu.memory_space<semaphore_mem>>)
    %dma_wait3A_264 = arith.constant 8 : i32
    %dma_wait3A_265 = arith.constant 0 : i32
    %dma_wait3A_266 = arith.constant 0 : i32
    %dma_wait3A_267 = tpu.memref_slice %arg8[%dma_wait3A_265, %dma_wait3A_266] : memref<512x64xf32, #tpu.memory_space<vmem>> -> memref<128x64xf32, #tpu.memory_space<vmem>>
    %dma_wait3A_268 = arith.constant 0 : i32
    %dma_wait3A_269 = tpu.memref_slice %arg7[%dma_wait3A_264, %dma_wait3A_268] : memref<16x128xi32, #tpu.memory_space<vmem>> -> memref<1x128xi32, #tpu.memory_space<vmem>>
    %dma_wait3A_270 = tpu.memref_squeeze %dma_wait3A_269 : memref<1x128xi32, #tpu.memory_space<vmem>> -> memref<128xi32, #tpu.memory_space<vmem>>
    %dma_wait3A_271 = arith.constant 0 : i32
    %dma_wait3A_272 = arith.constant 0 : i32
    %dma_wait3A_273 = tpu.memref_slice %arg3[%dma_wait3A_271, %dma_wait3A_272] : memref<100000x64xf32, #tpu.memory_space<hbm>> -> memref<100000x64xf32, #tpu.memory_space<hbm>>
    tpu.wait_indirect_dma semaphore(%arg10 : memref<!tpu.dma_semaphore, #tpu.memory_space<semaphore_mem>>) src(%dma_wait3A_273 : memref<100000x64xf32, #tpu.memory_space<hbm>>) dst(%dma_wait3A_267 : memref<128x64xf32, #tpu.memory_space<vmem>>)
    %dma_wait3A_274 = arith.constant 9 : i32
    %dma_wait3A_275 = arith.constant 128 : i32
    %dma_wait3A_276 = arith.constant 0 : i32
    %dma_wait3A_277 = tpu.memref_slice %arg8[%dma_wait3A_275, %dma_wait3A_276] : memref<512x64xf32, #tpu.memory_space<vmem>> -> memref<128x64xf32, #tpu.memory_space<vmem>>
    %dma_wait3A_278 = arith.constant 0 : i32
    %dma_wait3A_279 = tpu.memref_slice %arg7[%dma_wait3A_274, %dma_wait3A_278] : memref<16x128xi32, #tpu.memory_space<vmem>> -> memref<1x128xi32, #tpu.memory_space<vmem>>
    %dma_wait3A_280 = tpu.memref_squeeze %dma_wait3A_279 : memref<1x128xi32, #tpu.memory_space<vmem>> -> memref<128xi32, #tpu.memory_space<vmem>>
    %dma_wait3A_281 = arith.constant 0 : i32
    %dma_wait3A_282 = arith.constant 0 : i32
    %dma_wait3A_283 = tpu.memref_slice %arg3[%dma_wait3A_281, %dma_wait3A_282] : memref<100000x64xf32, #tpu.memory_space<hbm>> -> memref<100000x64xf32, #tpu.memory_space<hbm>>
    tpu.wait_indirect_dma semaphore(%arg10 : memref<!tpu.dma_semaphore, #tpu.memory_space<semaphore_mem>>) src(%dma_wait3A_283 : memref<100000x64xf32, #tpu.memory_space<hbm>>) dst(%dma_wait3A_277 : memref<128x64xf32, #tpu.memory_space<vmem>>)
    %dma_wait3A_284 = arith.constant 10 : i32
    %dma_wait3A_285 = arith.constant 256 : i32
    %dma_wait3A_286 = arith.constant 0 : i32
    %dma_wait3A_287 = tpu.memref_slice %arg8[%dma_wait3A_285, %dma_wait3A_286] : memref<512x64xf32, #tpu.memory_space<vmem>> -> memref<128x64xf32, #tpu.memory_space<vmem>>
    %dma_wait3A_288 = arith.constant 0 : i32
    %dma_wait3A_289 = tpu.memref_slice %arg7[%dma_wait3A_284, %dma_wait3A_288] : memref<16x128xi32, #tpu.memory_space<vmem>> -> memref<1x128xi32, #tpu.memory_space<vmem>>
    %dma_wait3A_290 = tpu.memref_squeeze %dma_wait3A_289 : memref<1x128xi32, #tpu.memory_space<vmem>> -> memref<128xi32, #tpu.memory_space<vmem>>
    %dma_wait3A_291 = arith.constant 0 : i32
    %dma_wait3A_292 = arith.constant 0 : i32
    %dma_wait3A_293 = tpu.memref_slice %arg3[%dma_wait3A_291, %dma_wait3A_292] : memref<100000x64xf32, #tpu.memory_space<hbm>> -> memref<100000x64xf32, #tpu.memory_space<hbm>>
    tpu.wait_indirect_dma semaphore(%arg10 : memref<!tpu.dma_semaphore, #tpu.memory_space<semaphore_mem>>) src(%dma_wait3A_293 : memref<100000x64xf32, #tpu.memory_space<hbm>>) dst(%dma_wait3A_287 : memref<128x64xf32, #tpu.memory_space<vmem>>)
    %dma_wait3A_294 = arith.constant 11 : i32
    %dma_wait3A_295 = arith.constant 384 : i32
    %dma_wait3A_296 = arith.constant 0 : i32
    %dma_wait3A_297 = tpu.memref_slice %arg8[%dma_wait3A_295, %dma_wait3A_296] : memref<512x64xf32, #tpu.memory_space<vmem>> -> memref<128x64xf32, #tpu.memory_space<vmem>>
    %dma_wait3A_298 = arith.constant 0 : i32
    %dma_wait3A_299 = tpu.memref_slice %arg7[%dma_wait3A_294, %dma_wait3A_298] : memref<16x128xi32, #tpu.memory_space<vmem>> -> memref<1x128xi32, #tpu.memory_space<vmem>>
    %dma_wait3A_300 = tpu.memref_squeeze %dma_wait3A_299 : memref<1x128xi32, #tpu.memory_space<vmem>> -> memref<128xi32, #tpu.memory_space<vmem>>
    %dma_wait3A_301 = arith.constant 0 : i32
    %dma_wait3A_302 = arith.constant 0 : i32
    %dma_wait3A_303 = tpu.memref_slice %arg3[%dma_wait3A_301, %dma_wait3A_302] : memref<100000x64xf32, #tpu.memory_space<hbm>> -> memref<100000x64xf32, #tpu.memory_space<hbm>>
    tpu.wait_indirect_dma semaphore(%arg10 : memref<!tpu.dma_semaphore, #tpu.memory_space<semaphore_mem>>) src(%dma_wait3A_303 : memref<100000x64xf32, #tpu.memory_space<hbm>>) dst(%dma_wait3A_297 : memref<128x64xf32, #tpu.memory_space<vmem>>)
    %add3A_304 = arith.constant 0 : i32
    %add3A_305 = arith.addi %mul3A_2, %add3A_304 : i32
    %dma_start3A_306 = arith.constant 64 : i32
    %dma_start3A_307 = tpu.memref_slice %arg6[%add3A_305, %dma_start3A_306] : memref<32768x128xf32, #tpu.memory_space<hbm>> -> memref<512x64xf32, #tpu.memory_space<hbm>>
    %dma_start3A_308 = arith.constant 64 : i32
    %dma_start3A_309 = tpu.memref_slice %arg6[%add3A_305, %dma_start3A_308] : memref<32768x128xf32, #tpu.memory_space<hbm>> -> memref<512x64xf32, #tpu.memory_space<hbm>>
    tpu.enqueue_dma source(%arg8 : memref<512x64xf32, #tpu.memory_space<vmem>>) target(%dma_start3A_309 : memref<512x64xf32, #tpu.memory_space<hbm>>) target_semaphore(%arg11 : memref<!tpu.dma_semaphore, #tpu.memory_space<semaphore_mem>>)
    %dma_wait3A_310 = arith.constant 0 : i32
    %dma_wait3A_311 = tpu.memref_slice %arg6[%add3A_215, %dma_wait3A_310] : memref<32768x128xf32, #tpu.memory_space<hbm>> -> memref<512x64xf32, #tpu.memory_space<hbm>>
    %dma_wait3A_312 = arith.constant 0 : i32
    %dma_wait3A_313 = tpu.memref_slice %arg6[%add3A_215, %dma_wait3A_312] : memref<32768x128xf32, #tpu.memory_space<hbm>> -> memref<512x64xf32, #tpu.memory_space<hbm>>
    tpu.wait_dma2 semaphore(%arg11 : memref<!tpu.dma_semaphore, #tpu.memory_space<semaphore_mem>>) src(%arg9 : memref<512x64xf32, #tpu.memory_space<vmem>>) dst(%dma_wait3A_313 : memref<512x64xf32, #tpu.memory_space<hbm>>)
    %dma_start3A_314 = arith.constant 12 : i32
    %dma_start3A_315 = arith.constant 0 : i32
    %dma_start3A_316 = arith.constant 0 : i32
    %dma_start3A_317 = tpu.memref_slice %arg9[%dma_start3A_315, %dma_start3A_316] : memref<512x64xf32, #tpu.memory_space<vmem>> -> memref<128x64xf32, #tpu.memory_space<vmem>>
    %dma_start3A_318 = arith.constant 0 : i32
    %dma_start3A_319 = tpu.memref_slice %arg7[%dma_start3A_314, %dma_start3A_318] : memref<16x128xi32, #tpu.memory_space<vmem>> -> memref<1x128xi32, #tpu.memory_space<vmem>>
    %dma_start3A_320 = tpu.memref_squeeze %dma_start3A_319 : memref<1x128xi32, #tpu.memory_space<vmem>> -> memref<128xi32, #tpu.memory_space<vmem>>
    %dma_start3A_321 = arith.constant 0 : i32
    %dma_start3A_322 = arith.constant 0 : i32
    %dma_start3A_323 = tpu.memref_slice %arg3[%dma_start3A_321, %dma_start3A_322] : memref<100000x64xf32, #tpu.memory_space<hbm>> -> memref<100000x64xf32, #tpu.memory_space<hbm>>
    tpu.enqueue_indirect_dma source(%dma_start3A_323 : memref<100000x64xf32, #tpu.memory_space<hbm>>) target(%dma_start3A_317 : memref<128x64xf32, #tpu.memory_space<vmem>>) offsets(%dma_start3A_320 : memref<128xi32, #tpu.memory_space<vmem>>) semaphore(%arg10 : memref<!tpu.dma_semaphore, #tpu.memory_space<semaphore_mem>>)
    %dma_start3A_324 = arith.constant 13 : i32
    %dma_start3A_325 = arith.constant 128 : i32
    %dma_start3A_326 = arith.constant 0 : i32
    %dma_start3A_327 = tpu.memref_slice %arg9[%dma_start3A_325, %dma_start3A_326] : memref<512x64xf32, #tpu.memory_space<vmem>> -> memref<128x64xf32, #tpu.memory_space<vmem>>
    %dma_start3A_328 = arith.constant 0 : i32
    %dma_start3A_329 = tpu.memref_slice %arg7[%dma_start3A_324, %dma_start3A_328] : memref<16x128xi32, #tpu.memory_space<vmem>> -> memref<1x128xi32, #tpu.memory_space<vmem>>
    %dma_start3A_330 = tpu.memref_squeeze %dma_start3A_329 : memref<1x128xi32, #tpu.memory_space<vmem>> -> memref<128xi32, #tpu.memory_space<vmem>>
    %dma_start3A_331 = arith.constant 0 : i32
    %dma_start3A_332 = arith.constant 0 : i32
    %dma_start3A_333 = tpu.memref_slice %arg3[%dma_start3A_331, %dma_start3A_332] : memref<100000x64xf32, #tpu.memory_space<hbm>> -> memref<100000x64xf32, #tpu.memory_space<hbm>>
    tpu.enqueue_indirect_dma source(%dma_start3A_333 : memref<100000x64xf32, #tpu.memory_space<hbm>>) target(%dma_start3A_327 : memref<128x64xf32, #tpu.memory_space<vmem>>) offsets(%dma_start3A_330 : memref<128xi32, #tpu.memory_space<vmem>>) semaphore(%arg10 : memref<!tpu.dma_semaphore, #tpu.memory_space<semaphore_mem>>)
    %dma_start3A_334 = arith.constant 14 : i32
    %dma_start3A_335 = arith.constant 256 : i32
    %dma_start3A_336 = arith.constant 0 : i32
    %dma_start3A_337 = tpu.memref_slice %arg9[%dma_start3A_335, %dma_start3A_336] : memref<512x64xf32, #tpu.memory_space<vmem>> -> memref<128x64xf32, #tpu.memory_space<vmem>>
    %dma_start3A_338 = arith.constant 0 : i32
    %dma_start3A_339 = tpu.memref_slice %arg7[%dma_start3A_334, %dma_start3A_338] : memref<16x128xi32, #tpu.memory_space<vmem>> -> memref<1x128xi32, #tpu.memory_space<vmem>>
    %dma_start3A_340 = tpu.memref_squeeze %dma_start3A_339 : memref<1x128xi32, #tpu.memory_space<vmem>> -> memref<128xi32, #tpu.memory_space<vmem>>
    %dma_start3A_341 = arith.constant 0 : i32
    %dma_start3A_342 = arith.constant 0 : i32
    %dma_start3A_343 = tpu.memref_slice %arg3[%dma_start3A_341, %dma_start3A_342] : memref<100000x64xf32, #tpu.memory_space<hbm>> -> memref<100000x64xf32, #tpu.memory_space<hbm>>
    tpu.enqueue_indirect_dma source(%dma_start3A_343 : memref<100000x64xf32, #tpu.memory_space<hbm>>) target(%dma_start3A_337 : memref<128x64xf32, #tpu.memory_space<vmem>>) offsets(%dma_start3A_340 : memref<128xi32, #tpu.memory_space<vmem>>) semaphore(%arg10 : memref<!tpu.dma_semaphore, #tpu.memory_space<semaphore_mem>>)
    %dma_start3A_344 = arith.constant 15 : i32
    %dma_start3A_345 = arith.constant 384 : i32
    %dma_start3A_346 = arith.constant 0 : i32
    %dma_start3A_347 = tpu.memref_slice %arg9[%dma_start3A_345, %dma_start3A_346] : memref<512x64xf32, #tpu.memory_space<vmem>> -> memref<128x64xf32, #tpu.memory_space<vmem>>
    %dma_start3A_348 = arith.constant 0 : i32
    %dma_start3A_349 = tpu.memref_slice %arg7[%dma_start3A_344, %dma_start3A_348] : memref<16x128xi32, #tpu.memory_space<vmem>> -> memref<1x128xi32, #tpu.memory_space<vmem>>
    %dma_start3A_350 = tpu.memref_squeeze %dma_start3A_349 : memref<1x128xi32, #tpu.memory_space<vmem>> -> memref<128xi32, #tpu.memory_space<vmem>>
    %dma_start3A_351 = arith.constant 0 : i32
    %dma_start3A_352 = arith.constant 0 : i32
    %dma_start3A_353 = tpu.memref_slice %arg3[%dma_start3A_351, %dma_start3A_352] : memref<100000x64xf32, #tpu.memory_space<hbm>> -> memref<100000x64xf32, #tpu.memory_space<hbm>>
    tpu.enqueue_indirect_dma source(%dma_start3A_353 : memref<100000x64xf32, #tpu.memory_space<hbm>>) target(%dma_start3A_347 : memref<128x64xf32, #tpu.memory_space<vmem>>) offsets(%dma_start3A_350 : memref<128xi32, #tpu.memory_space<vmem>>) semaphore(%arg10 : memref<!tpu.dma_semaphore, #tpu.memory_space<semaphore_mem>>)
    %dma_wait3A_354 = arith.constant 12 : i32
    %dma_wait3A_355 = arith.constant 0 : i32
    %dma_wait3A_356 = arith.constant 0 : i32
    %dma_wait3A_357 = tpu.memref_slice %arg9[%dma_wait3A_355, %dma_wait3A_356] : memref<512x64xf32, #tpu.memory_space<vmem>> -> memref<128x64xf32, #tpu.memory_space<vmem>>
    %dma_wait3A_358 = arith.constant 0 : i32
    %dma_wait3A_359 = tpu.memref_slice %arg7[%dma_wait3A_354, %dma_wait3A_358] : memref<16x128xi32, #tpu.memory_space<vmem>> -> memref<1x128xi32, #tpu.memory_space<vmem>>
    %dma_wait3A_360 = tpu.memref_squeeze %dma_wait3A_359 : memref<1x128xi32, #tpu.memory_space<vmem>> -> memref<128xi32, #tpu.memory_space<vmem>>
    %dma_wait3A_361 = arith.constant 0 : i32
    %dma_wait3A_362 = arith.constant 0 : i32
    %dma_wait3A_363 = tpu.memref_slice %arg3[%dma_wait3A_361, %dma_wait3A_362] : memref<100000x64xf32, #tpu.memory_space<hbm>> -> memref<100000x64xf32, #tpu.memory_space<hbm>>
    tpu.wait_indirect_dma semaphore(%arg10 : memref<!tpu.dma_semaphore, #tpu.memory_space<semaphore_mem>>) src(%dma_wait3A_363 : memref<100000x64xf32, #tpu.memory_space<hbm>>) dst(%dma_wait3A_357 : memref<128x64xf32, #tpu.memory_space<vmem>>)
    %dma_wait3A_364 = arith.constant 13 : i32
    %dma_wait3A_365 = arith.constant 128 : i32
    %dma_wait3A_366 = arith.constant 0 : i32
    %dma_wait3A_367 = tpu.memref_slice %arg9[%dma_wait3A_365, %dma_wait3A_366] : memref<512x64xf32, #tpu.memory_space<vmem>> -> memref<128x64xf32, #tpu.memory_space<vmem>>
    %dma_wait3A_368 = arith.constant 0 : i32
    %dma_wait3A_369 = tpu.memref_slice %arg7[%dma_wait3A_364, %dma_wait3A_368] : memref<16x128xi32, #tpu.memory_space<vmem>> -> memref<1x128xi32, #tpu.memory_space<vmem>>
    %dma_wait3A_370 = tpu.memref_squeeze %dma_wait3A_369 : memref<1x128xi32, #tpu.memory_space<vmem>> -> memref<128xi32, #tpu.memory_space<vmem>>
    %dma_wait3A_371 = arith.constant 0 : i32
    %dma_wait3A_372 = arith.constant 0 : i32
    %dma_wait3A_373 = tpu.memref_slice %arg3[%dma_wait3A_371, %dma_wait3A_372] : memref<100000x64xf32, #tpu.memory_space<hbm>> -> memref<100000x64xf32, #tpu.memory_space<hbm>>
    tpu.wait_indirect_dma semaphore(%arg10 : memref<!tpu.dma_semaphore, #tpu.memory_space<semaphore_mem>>) src(%dma_wait3A_373 : memref<100000x64xf32, #tpu.memory_space<hbm>>) dst(%dma_wait3A_367 : memref<128x64xf32, #tpu.memory_space<vmem>>)
    %dma_wait3A_374 = arith.constant 14 : i32
    %dma_wait3A_375 = arith.constant 256 : i32
    %dma_wait3A_376 = arith.constant 0 : i32
    %dma_wait3A_377 = tpu.memref_slice %arg9[%dma_wait3A_375, %dma_wait3A_376] : memref<512x64xf32, #tpu.memory_space<vmem>> -> memref<128x64xf32, #tpu.memory_space<vmem>>
    %dma_wait3A_378 = arith.constant 0 : i32
    %dma_wait3A_379 = tpu.memref_slice %arg7[%dma_wait3A_374, %dma_wait3A_378] : memref<16x128xi32, #tpu.memory_space<vmem>> -> memref<1x128xi32, #tpu.memory_space<vmem>>
    %dma_wait3A_380 = tpu.memref_squeeze %dma_wait3A_379 : memref<1x128xi32, #tpu.memory_space<vmem>> -> memref<128xi32, #tpu.memory_space<vmem>>
    %dma_wait3A_381 = arith.constant 0 : i32
    %dma_wait3A_382 = arith.constant 0 : i32
    %dma_wait3A_383 = tpu.memref_slice %arg3[%dma_wait3A_381, %dma_wait3A_382] : memref<100000x64xf32, #tpu.memory_space<hbm>> -> memref<100000x64xf32, #tpu.memory_space<hbm>>
    tpu.wait_indirect_dma semaphore(%arg10 : memref<!tpu.dma_semaphore, #tpu.memory_space<semaphore_mem>>) src(%dma_wait3A_383 : memref<100000x64xf32, #tpu.memory_space<hbm>>) dst(%dma_wait3A_377 : memref<128x64xf32, #tpu.memory_space<vmem>>)
    %dma_wait3A_384 = arith.constant 15 : i32
    %dma_wait3A_385 = arith.constant 384 : i32
    %dma_wait3A_386 = arith.constant 0 : i32
    %dma_wait3A_387 = tpu.memref_slice %arg9[%dma_wait3A_385, %dma_wait3A_386] : memref<512x64xf32, #tpu.memory_space<vmem>> -> memref<128x64xf32, #tpu.memory_space<vmem>>
    %dma_wait3A_388 = arith.constant 0 : i32
    %dma_wait3A_389 = tpu.memref_slice %arg7[%dma_wait3A_384, %dma_wait3A_388] : memref<16x128xi32, #tpu.memory_space<vmem>> -> memref<1x128xi32, #tpu.memory_space<vmem>>
    %dma_wait3A_390 = tpu.memref_squeeze %dma_wait3A_389 : memref<1x128xi32, #tpu.memory_space<vmem>> -> memref<128xi32, #tpu.memory_space<vmem>>
    %dma_wait3A_391 = arith.constant 0 : i32
    %dma_wait3A_392 = arith.constant 0 : i32
    %dma_wait3A_393 = tpu.memref_slice %arg3[%dma_wait3A_391, %dma_wait3A_392] : memref<100000x64xf32, #tpu.memory_space<hbm>> -> memref<100000x64xf32, #tpu.memory_space<hbm>>
    tpu.wait_indirect_dma semaphore(%arg10 : memref<!tpu.dma_semaphore, #tpu.memory_space<semaphore_mem>>) src(%dma_wait3A_393 : memref<100000x64xf32, #tpu.memory_space<hbm>>) dst(%dma_wait3A_387 : memref<128x64xf32, #tpu.memory_space<vmem>>)
    %add3A_394 = arith.constant 512 : i32
    %add3A_395 = arith.addi %mul3A_2, %add3A_394 : i32
    %dma_start3A_396 = arith.constant 64 : i32
    %dma_start3A_397 = tpu.memref_slice %arg6[%add3A_395, %dma_start3A_396] : memref<32768x128xf32, #tpu.memory_space<hbm>> -> memref<512x64xf32, #tpu.memory_space<hbm>>
    %dma_start3A_398 = arith.constant 64 : i32
    %dma_start3A_399 = tpu.memref_slice %arg6[%add3A_395, %dma_start3A_398] : memref<32768x128xf32, #tpu.memory_space<hbm>> -> memref<512x64xf32, #tpu.memory_space<hbm>>
    tpu.enqueue_dma source(%arg9 : memref<512x64xf32, #tpu.memory_space<vmem>>) target(%dma_start3A_399 : memref<512x64xf32, #tpu.memory_space<hbm>>) target_semaphore(%arg11 : memref<!tpu.dma_semaphore, #tpu.memory_space<semaphore_mem>>)
    %dma_wait3A_400 = arith.constant 64 : i32
    %dma_wait3A_401 = tpu.memref_slice %arg6[%add3A_305, %dma_wait3A_400] : memref<32768x128xf32, #tpu.memory_space<hbm>> -> memref<512x64xf32, #tpu.memory_space<hbm>>
    %dma_wait3A_402 = arith.constant 64 : i32
    %dma_wait3A_403 = tpu.memref_slice %arg6[%add3A_305, %dma_wait3A_402] : memref<32768x128xf32, #tpu.memory_space<hbm>> -> memref<512x64xf32, #tpu.memory_space<hbm>>
    tpu.wait_dma2 semaphore(%arg11 : memref<!tpu.dma_semaphore, #tpu.memory_space<semaphore_mem>>) src(%arg8 : memref<512x64xf32, #tpu.memory_space<vmem>>) dst(%dma_wait3A_403 : memref<512x64xf32, #tpu.memory_space<hbm>>)
    %dma_wait3A_404 = arith.constant 64 : i32
    %dma_wait3A_405 = tpu.memref_slice %arg6[%add3A_395, %dma_wait3A_404] : memref<32768x128xf32, #tpu.memory_space<hbm>> -> memref<512x64xf32, #tpu.memory_space<hbm>>
    %dma_wait3A_406 = arith.constant 64 : i32
    %dma_wait3A_407 = tpu.memref_slice %arg6[%add3A_395, %dma_wait3A_406] : memref<32768x128xf32, #tpu.memory_space<hbm>> -> memref<512x64xf32, #tpu.memory_space<hbm>>
    tpu.wait_dma2 semaphore(%arg11 : memref<!tpu.dma_semaphore, #tpu.memory_space<semaphore_mem>>) src(%arg9 : memref<512x64xf32, #tpu.memory_space<vmem>>) dst(%dma_wait3A_407 : memref<512x64xf32, #tpu.memory_space<hbm>>)
    return
  }
}

module attributes {stable_mosaic.version = 14 : i64} {
  func.func @_tpose_body(%arg0: i32, %arg1: memref<64x8192xf32, #tpu.memory_space<vmem>>, %arg2: memref<4096x128xf32, #tpu.memory_space<vmem>>) attributes {dimension_semantics = [#tpu.dimension_semantics<arbitrary>], iteration_bounds = array<i64: 13>, scalar_prefetch = 0 : i64, scratch_operands = 0 : i64, tpu.core_type = #tpu.core_type<tc>, window_params = [{transform_indices = @transform_0, window_bounds = array<i64: 64, 8192>}, {transform_indices = @transform_1, window_bounds = array<i64: 4096, 128>}]} {
    %get3A = arith.constant 0 : index
    %get3A_0 = arith.constant 0 : index
    %get3A_1 = vector.load %arg1[%get3A, %get3A_0] : memref<64x8192xf32, #tpu.memory_space<vmem>>, vector<64x8192xf32>
    %transpose3A = tpu.transpose %get3A_1, [1, 0] : vector<64x8192xf32> -> vector<8192x64xf32>
    %slice3A = vector.extract_strided_slice %transpose3A {offsets = [0, 0], sizes = [4096, 64], strides = [1, 1]} : vector<8192x64xf32> to vector<4096x64xf32>
    %slice3A_2 = vector.extract_strided_slice %transpose3A {offsets = [4096, 0], sizes = [4096, 64], strides = [1, 1]} : vector<8192x64xf32> to vector<4096x64xf32>
    %concatenate3A = tpu.concatenate %slice3A, %slice3A_2 in 1 : vector<4096x64xf32>, vector<4096x64xf32> -> vector<4096x128xf32>
    %swap3A = arith.constant 0 : index
    %swap3A_3 = arith.constant 0 : index
    %swap3A_4 = vector.load %arg2[%swap3A, %swap3A_3] : memref<4096x128xf32, #tpu.memory_space<vmem>>, vector<4096x128xf32>
    tpu.vector_store %arg2[%swap3A, %swap3A_3], %concatenate3A {strides = array<i32>} : memref<4096x128xf32, #tpu.memory_space<vmem>>, vector<4096x128xf32>,
    return
  }
  func.func @transform_0(%arg0: i32) -> (i32, i32) {
    %c0_i32 = arith.constant 0 : i32
    %c0_i32_0 = arith.constant 0 : i32
    return %c0_i32, %arg0 : i32, i32
  }
  func.func @transform_1(%arg0: i32) -> (i32, i32) {
    %c0_i32 = arith.constant 0 : i32
    %c0_i32_0 = arith.constant 0 : i32
    return %arg0, %c0_i32 : i32, i32
  }
}

module attributes {stable_mosaic.version = 14 : i64} {
  func.func @_conv_body(%arg0: i32, %arg1: memref<4096x128xf32, #tpu.memory_space<vmem>>, %arg2: memref<4096x24xf32, #tpu.memory_space<vmem>>, %arg3: memref<128x64xf32, #tpu.memory_space<vmem>>, %arg4: memref<1x64xf32, #tpu.memory_space<vmem>>, %arg5: memref<64x64xbf16, #tpu.memory_space<vmem>>, %arg6: memref<64x64xbf16, #tpu.memory_space<vmem>>, %arg7: memref<64x64xbf16, #tpu.memory_space<vmem>>, %arg8: memref<2048x128xf32, #tpu.memory_space<vmem>>) attributes {dimension_semantics = [#tpu.dimension_semantics<arbitrary>], iteration_bounds = array<i64: 8>, scalar_prefetch = 0 : i64, scratch_operands = 0 : i64, tpu.core_type = #tpu.core_type<tc>, window_params = [{transform_indices = @transform_0, window_bounds = array<i64: 4096, 128>}, {pipeline_mode = #tpu.pipeline_mode<synchronous>, transform_indices = @transform_1, window_bounds = array<i64: 4096, 24>}, {pipeline_mode = #tpu.pipeline_mode<synchronous>, transform_indices = @transform_2, window_bounds = array<i64: 128, 64>}, {pipeline_mode = #tpu.pipeline_mode<synchronous>, transform_indices = @transform_3, window_bounds = array<i64: 1, 64>}, {pipeline_mode = #tpu.pipeline_mode<synchronous>, transform_indices = @transform_4, window_bounds = array<i64: 64, 64>}, {pipeline_mode = #tpu.pipeline_mode<synchronous>, transform_indices = @transform_5, window_bounds = array<i64: 64, 64>}, {pipeline_mode = #tpu.pipeline_mode<synchronous>, transform_indices = @transform_6, window_bounds = array<i64: 64, 64>}, {transform_indices = @transform_7, window_bounds = array<i64: 2048, 128>}]} {
    %get3A = arith.constant 0 : index
    %get3A_0 = arith.constant 0 : index
    %get3A_1 = vector.load %arg1[%get3A, %get3A_0] : memref<4096x128xf32, #tpu.memory_space<vmem>>, vector<4096x128xf32>
    %get3A_2 = arith.constant 0 : index
    %get3A_3 = arith.constant 0 : index
    %get3A_4 = vector.load %arg3[%get3A_2, %get3A_3] : memref<128x64xf32, #tpu.memory_space<vmem>>, vector<128x64xf32>
    %dot_general3A = arith.constant dense<0.000000e+00> : vector<4096x64xf32>
    %dot_general3A_5 = tpu.matmul %get3A_1, %get3A_4, %dot_general3A {dimension_numbers = #tpu.dot_dimension_numbers<[1], [0], [0], [1], [0, 0, 1, 1], [], []>, transpose_lhs_hint = false} : vector<4096x128xf32>, vector<128x64xf32>, vector<4096x64xf32> -> vector<4096x64xf32>
    %get3A_6 = arith.constant 0 : index
    %get3A_7 = arith.constant 0 : index
    %get3A_8 = vector.load %arg4[%get3A_6, %get3A_7] : memref<1x64xf32, #tpu.memory_space<vmem>>, vector<1x64xf32>
    %add3A = vector.broadcast %get3A_8 : vector<1x64xf32> to vector<4096x64xf32>
    %add3A_9 = arith.addf %dot_general3A_5, %add3A : vector<4096x64xf32>
    %convert_element_type3A = arith.truncf %add3A_9 : vector<4096x64xf32> to vector<4096x64xbf16>
    %get3A_10 = arith.constant 0 : index
    %get3A_11 = arith.constant 0 : index
    %get3A_12 = vector.load %arg2[%get3A_10, %get3A_11] : memref<4096x24xf32, #tpu.memory_space<vmem>>, vector<4096x24xf32>
    %iota3A = tpu.iota {dimensions = array<i32: 1>} : vector<1x24xi32>
    %add3A_13 = arith.constant 0 : i32
    %add3A_14 = arith.addi %add3A_13, %arg0 : i32
    %eq3A = vector.broadcast %add3A_14 : i32 to vector<1x24xi32>
    %eq3A_15 = arith.cmpi eq, %iota3A, %eq3A : vector<1x24xi32>
    %convert_element_type3A_16 = arith.extui %eq3A_15 : vector<1x24xi1> to vector<1x24xi32>
    %convert_element_type3A_17 = arith.sitofp %convert_element_type3A_16 : vector<1x24xi32> to vector<1x24xf32>
    %mul3A = vector.broadcast %convert_element_type3A_17 : vector<1x24xf32> to vector<4096x24xf32>
    %mul3A_18 = arith.mulf %get3A_12, %mul3A : vector<4096x24xf32>
    %reduce_sum3A = arith.constant dense<0.000000e+00> : vector<4096xf32>
    %reduce_sum3A_19 = vector.multi_reduction <add>, %mul3A_18, %reduce_sum3A [1] : vector<4096x24xf32> to vector<4096xf32>
    %broadcast_in_dim3A = vector.shape_cast %reduce_sum3A_19 : vector<4096xf32> to vector<4096x1xf32>
    %get3A_20 = arith.constant 0 : index
    %get3A_21 = arith.constant 0 : index
    %get3A_22 = vector.load %arg5[%get3A_20, %get3A_21] : memref<64x64xbf16, #tpu.memory_space<vmem>>, vector<64x64xbf16>
    %dot_general3A_23 = arith.constant dense<0.000000e+00> : vector<4096x64xf32>
    %dot_general3A_24 = tpu.matmul %convert_element_type3A, %get3A_22, %dot_general3A_23 {dimension_numbers = #tpu.dot_dimension_numbers<[1], [0], [0], [1], [0, 0, 1, 1], [], []>, transpose_lhs_hint = false} : vector<4096x64xbf16>, vector<64x64xbf16>, vector<4096x64xf32> -> vector<4096x64xf32>
    %mul3A_25 = vector.broadcast %broadcast_in_dim3A : vector<4096x1xf32> to vector<4096x64xf32>
    %mul3A_26 = arith.mulf %mul3A_25, %dot_general3A_24 : vector<4096x64xf32>
    %add3A_27 = arith.constant 8 : i32
    %add3A_28 = arith.addi %add3A_27, %arg0 : i32
    %eq3A_29 = vector.broadcast %add3A_28 : i32 to vector<1x24xi32>
    %eq3A_30 = arith.cmpi eq, %iota3A, %eq3A_29 : vector<1x24xi32>
    %convert_element_type3A_31 = arith.extui %eq3A_30 : vector<1x24xi1> to vector<1x24xi32>
    %convert_element_type3A_32 = arith.sitofp %convert_element_type3A_31 : vector<1x24xi32> to vector<1x24xf32>
    %mul3A_33 = vector.broadcast %convert_element_type3A_32 : vector<1x24xf32> to vector<4096x24xf32>
    %mul3A_34 = arith.mulf %get3A_12, %mul3A_33 : vector<4096x24xf32>
    %reduce_sum3A_35 = arith.constant dense<0.000000e+00> : vector<4096xf32>
    %reduce_sum3A_36 = vector.multi_reduction <add>, %mul3A_34, %reduce_sum3A_35 [1] : vector<4096x24xf32> to vector<4096xf32>
    %broadcast_in_dim3A_37 = vector.shape_cast %reduce_sum3A_36 : vector<4096xf32> to vector<4096x1xf32>
    %get3A_38 = arith.constant 0 : index
    %get3A_39 = arith.constant 0 : index
    %get3A_40 = vector.load %arg6[%get3A_38, %get3A_39] : memref<64x64xbf16, #tpu.memory_space<vmem>>, vector<64x64xbf16>
    %dot_general3A_41 = arith.constant dense<0.000000e+00> : vector<4096x64xf32>
    %dot_general3A_42 = tpu.matmul %convert_element_type3A, %get3A_40, %dot_general3A_41 {dimension_numbers = #tpu.dot_dimension_numbers<[1], [0], [0], [1], [0, 0, 1, 1], [], []>, transpose_lhs_hint = false} : vector<4096x64xbf16>, vector<64x64xbf16>, vector<4096x64xf32> -> vector<4096x64xf32>
    %mul3A_43 = vector.broadcast %broadcast_in_dim3A_37 : vector<4096x1xf32> to vector<4096x64xf32>
    %mul3A_44 = arith.mulf %mul3A_43, %dot_general3A_42 : vector<4096x64xf32>
    %add3A_45 = arith.addf %mul3A_26, %mul3A_44 : vector<4096x64xf32>
    %add3A_46 = arith.constant 16 : i32
    %add3A_47 = arith.addi %add3A_46, %arg0 : i32
    %eq3A_48 = vector.broadcast %add3A_47 : i32 to vector<1x24xi32>
    %eq3A_49 = arith.cmpi eq, %iota3A, %eq3A_48 : vector<1x24xi32>
    %convert_element_type3A_50 = arith.extui %eq3A_49 : vector<1x24xi1> to vector<1x24xi32>
    %convert_element_type3A_51 = arith.sitofp %convert_element_type3A_50 : vector<1x24xi32> to vector<1x24xf32>
    %mul3A_52 = vector.broadcast %convert_element_type3A_51 : vector<1x24xf32> to vector<4096x24xf32>
    %mul3A_53 = arith.mulf %get3A_12, %mul3A_52 : vector<4096x24xf32>
    %reduce_sum3A_54 = arith.constant dense<0.000000e+00> : vector<4096xf32>
    %reduce_sum3A_55 = vector.multi_reduction <add>, %mul3A_53, %reduce_sum3A_54 [1] : vector<4096x24xf32> to vector<4096xf32>
    %broadcast_in_dim3A_56 = vector.shape_cast %reduce_sum3A_55 : vector<4096xf32> to vector<4096x1xf32>
    %get3A_57 = arith.constant 0 : index
    %get3A_58 = arith.constant 0 : index
    %get3A_59 = vector.load %arg7[%get3A_57, %get3A_58] : memref<64x64xbf16, #tpu.memory_space<vmem>>, vector<64x64xbf16>
    %dot_general3A_60 = arith.constant dense<0.000000e+00> : vector<4096x64xf32>
    %dot_general3A_61 = tpu.matmul %convert_element_type3A, %get3A_59, %dot_general3A_60 {dimension_numbers = #tpu.dot_dimension_numbers<[1], [0], [0], [1], [0, 0, 1, 1], [], []>, transpose_lhs_hint = false} : vector<4096x64xbf16>, vector<64x64xbf16>, vector<4096x64xf32> -> vector<4096x64xf32>
    %mul3A_62 = vector.broadcast %broadcast_in_dim3A_56 : vector<4096x1xf32> to vector<4096x64xf32>
    %mul3A_63 = arith.mulf %mul3A_62, %dot_general3A_61 : vector<4096x64xf32>
    %add3A_64 = arith.addf %add3A_45, %mul3A_63 : vector<4096x64xf32>
    %slice3A = vector.extract_strided_slice %add3A_64 {offsets = [0, 0], sizes = [2048, 64], strides = [1, 1]} : vector<4096x64xf32> to vector<2048x64xf32>
    %slice3A_65 = vector.extract_strided_slice %add3A_64 {offsets = [2048, 0], sizes = [2048, 64], strides = [1, 1]} : vector<4096x64xf32> to vector<2048x64xf32>
    %concatenate3A = tpu.concatenate %slice3A, %slice3A_65 in 1 : vector<2048x64xf32>, vector<2048x64xf32> -> vector<2048x128xf32>
    %swap3A = arith.constant 0 : index
    %swap3A_66 = arith.constant 0 : index
    %swap3A_67 = vector.load %arg8[%swap3A, %swap3A_66] : memref<2048x128xf32, #tpu.memory_space<vmem>>, vector<2048x128xf32>
    tpu.vector_store %arg8[%swap3A, %swap3A_66], %concatenate3A {strides = array<i32>} : memref<2048x128xf32, #tpu.memory_space<vmem>>, vector<2048x128xf32>,
    return
  }
  func.func @transform_0(%arg0: i32) -> (i32, i32) {
    %c0_i32 = arith.constant 0 : i32
    %c0_i32_0 = arith.constant 0 : i32
    return %arg0, %c0_i32 : i32, i32
  }
  func.func @transform_1(%arg0: i32) -> (i32, i32) {
    %c0_i32 = arith.constant 0 : i32
    %c0_i32_0 = arith.constant 0 : i32
    %c0_i32_1 = arith.constant 0 : i32
    return %c0_i32, %c0_i32_0 : i32, i32
  }
  func.func @transform_2(%arg0: i32) -> (i32, i32) {
    %c0_i32 = arith.constant 0 : i32
    %c0_i32_0 = arith.constant 0 : i32
    %c0_i32_1 = arith.constant 0 : i32
    return %c0_i32, %c0_i32_0 : i32, i32
  }
  func.func @transform_3(%arg0: i32) -> (i32, i32) {
    %c0_i32 = arith.constant 0 : i32
    %c0_i32_0 = arith.constant 0 : i32
    %c0_i32_1 = arith.constant 0 : i32
    return %c0_i32, %c0_i32_0 : i32, i32
  }
  func.func @transform_4(%arg0: i32) -> (i32, i32) {
    %c0_i32 = arith.constant 0 : i32
    %c0_i32_0 = arith.constant 0 : i32
    %c0_i32_1 = arith.constant 0 : i32
    return %c0_i32, %c0_i32_0 : i32, i32
  }
  func.func @transform_5(%arg0: i32) -> (i32, i32) {
    %c0_i32 = arith.constant 0 : i32
    %c0_i32_0 = arith.constant 0 : i32
    %c0_i32_1 = arith.constant 0 : i32
    return %c0_i32, %c0_i32_0 : i32, i32
  }
  func.func @transform_6(%arg0: i32) -> (i32, i32) {
    %c0_i32 = arith.constant 0 : i32
    %c0_i32_0 = arith.constant 0 : i32
    %c0_i32_1 = arith.constant 0 : i32
    return %c0_i32, %c0_i32_0 : i32, i32
  }
  func.func @transform_7(%arg0: i32) -> (i32, i32) {
    %c0_i32 = arith.constant 0 : i32
    %c0_i32_0 = arith.constant 0 : i32
    return %arg0, %c0_i32 : i32, i32
  }
}

module attributes {stable_mosaic.version = 14 : i64} {
  func.func @_tail_body(%arg0: i32, %arg1: memref<2x2048x128xf32, #tpu.memory_space<vmem>>, %arg2: memref<1x4096xi32, #tpu.memory_space<vmem>>, %arg3: memref<1x1xf32, #tpu.memory_space<vmem>>, %arg4: memref<1x64xf32, #tpu.memory_space<vmem>>, %arg5: memref<64x4096xf32, #tpu.memory_space<vmem>>, %arg6: memref<1x4096xf32, #tpu.memory_space<vmem>>, %arg7: memref<64x4096xf32, #tpu.memory_space<vmem>>, %arg8: memref<64x64xf32, #tpu.memory_space<vmem>>) attributes {dimension_semantics = [#tpu.dimension_semantics<arbitrary>], iteration_bounds = array<i64: 13>, scalar_prefetch = 0 : i64, scratch_operands = 1 : i64, tpu.core_type = #tpu.core_type<tc>, window_params = [{pipeline_mode = #tpu.pipeline_mode<synchronous>, transform_indices = @transform_0, window_bounds = array<i64: 2, 2048, 128>}, {pipeline_mode = #tpu.pipeline_mode<synchronous>, transform_indices = @transform_1, window_bounds = array<i64: 1, 4096>}, {pipeline_mode = #tpu.pipeline_mode<synchronous>, transform_indices = @transform_2, window_bounds = array<i64: 1, 1>}, {pipeline_mode = #tpu.pipeline_mode<synchronous>, transform_indices = @transform_3, window_bounds = array<i64: 1, 64>}, {transform_indices = @transform_4, window_bounds = array<i64: 64, 4096>}, {transform_indices = @transform_5, window_bounds = array<i64: 1, 4096>}, {transform_indices = @transform_6, window_bounds = array<i64: 64, 4096>}]} {
    %eq3A = arith.constant 0 : i32
    %eq3A_0 = arith.cmpi eq, %arg0, %eq3A : i32
    %convert_element_type3A = arith.extui %eq3A_0 : i1 to i32
    %cond3A = arith.constant 0 : i32
    %cond3A_1 = arith.cmpi ne, %convert_element_type3A, %cond3A : i32
    scf.if %cond3A_1 {
      %get3A_14 = arith.constant 0 : index
      %get3A_15 = arith.constant 0 : index
      %get3A_16 = arith.constant 0 : index
      %get3A_17 = vector.load %arg1[%get3A_14, %get3A_15, %get3A_16] : memref<2x2048x128xf32, #tpu.memory_space<vmem>>, vector<1x2048x128xf32>
      %get3A_18 = vector.shape_cast %get3A_17 : vector<1x2048x128xf32> to vector<2048x128xf32>
      %get3A_19 = arith.constant 1 : index
      %get3A_20 = arith.constant 0 : index
      %get3A_21 = arith.constant 0 : index
      %get3A_22 = vector.load %arg1[%get3A_19, %get3A_20, %get3A_21] : memref<2x2048x128xf32, #tpu.memory_space<vmem>>, vector<1x2048x128xf32>
      %get3A_23 = vector.shape_cast %get3A_22 : vector<1x2048x128xf32> to vector<2048x128xf32>
      %add3A_24 = arith.addf %get3A_18, %get3A_23 : vector<2048x128xf32>
      %slice3A = vector.extract_strided_slice %add3A_24 {offsets = [0, 0], sizes = [2048, 64], strides = [1, 1]} : vector<2048x128xf32> to vector<2048x64xf32>
      %slice3A_25 = vector.extract_strided_slice %add3A_24 {offsets = [0, 64], sizes = [2048, 64], strides = [1, 1]} : vector<2048x128xf32> to vector<2048x64xf32>
      %concatenate3A = tpu.concatenate %slice3A, %slice3A_25 in 0 : vector<2048x64xf32>, vector<2048x64xf32> -> vector<4096x64xf32>
      %get3A_26 = arith.constant 0 : index
      %get3A_27 = arith.constant 0 : index
      %get3A_28 = vector.load %arg3[%get3A_26, %get3A_27] : memref<1x1xf32, #tpu.memory_space<vmem>>, vector<1x1xf32>
      %get3A_29 = vector.extract %get3A_28[0, 0] : f32 from vector<1x1xf32>
      %add3A_30 = vector.broadcast %get3A_29 : f32 to vector<4096x64xf32>
      %add3A_31 = arith.addf %concatenate3A, %add3A_30 : vector<4096x64xf32>
      %tanh3A = math.tanh %add3A_31 : vector<4096x64xf32>
      %get3A_32 = arith.constant 0 : index
      %get3A_33 = arith.constant 0 : index
      %get3A_34 = vector.load %arg2[%get3A_32, %get3A_33] : memref<1x4096xi32, #tpu.memory_space<vmem>>, vector<1x4096xi32>
      %iota3A = tpu.iota {dimensions = array<i32: 0>} : vector<64x4096xi32>
      %eq3A_35 = vector.broadcast %get3A_34 : vector<1x4096xi32> to vector<64x4096xi32>
      %eq3A_36 = arith.cmpi eq, %eq3A_35, %iota3A : vector<64x4096xi32>
      %convert_element_type3A_37 = arith.extui %eq3A_36 : vector<64x4096xi1> to vector<64x4096xi32>
      %convert_element_type3A_38 = arith.sitofp %convert_element_type3A_37 : vector<64x4096xi32> to vector<64x4096xf32>
      %get3A_39 = arith.constant 0 : index
      %get3A_40 = arith.constant 0 : index
      %get3A_41 = vector.load %arg4[%get3A_39, %get3A_40] : memref<1x64xf32, #tpu.memory_space<vmem>>, vector<1x64xf32>
      %dot_general3A_42 = arith.constant dense<0.000000e+00> : vector<1x4096xf32>
      %dot_general3A_43 = tpu.matmul %get3A_41, %tanh3A, %dot_general3A_42 {dimension_numbers = #tpu.dot_dimension_numbers<[1], [1], [0], [0], [0, 0, 1, 0], [], []>, transpose_lhs_hint = false} : vector<1x64xf32>, vector<4096x64xf32>, vector<1x4096xf32> -> vector<1x4096xf32>
      %gt3A = arith.constant 5.000000e-01 : f32
      %gt3A_44 = vector.broadcast %gt3A : f32 to vector<64x4096xf32>
      %gt3A_45 = arith.cmpf ogt, %convert_element_type3A_38, %gt3A_44 : vector<64x4096xf32>
      %jit3A = arith.constant -1.000000e+30 : f32
      %broadcast_in_dim3A = vector.shape_cast %dot_general3A_43 : vector<1x4096xf32> to vector<1x4096xf32>
      %broadcast_in_dim3A_46 = vector.broadcast %broadcast_in_dim3A : vector<1x4096xf32> to vector<64x4096xf32>
      %broadcast_in_dim3A_47 = vector.broadcast %jit3A : f32 to vector<64x4096xf32>
      %select_n3A = arith.select %gt3A_45, %broadcast_in_dim3A_46, %broadcast_in_dim3A_47 : vector<64x4096xi1>, vector<64x4096xf32>
      %reduce_max3A = arith.constant dense<0xFF800000> : vector<64xf32>
      %reduce_max3A_48 = vector.multi_reduction <maximumf>, %select_n3A, %reduce_max3A [1] : vector<64x4096xf32> to vector<64xf32>
      %broadcast_in_dim3A_49 = vector.shape_cast %reduce_max3A_48 : vector<64xf32> to vector<64x1xf32>
      %dot_general3A_50 = arith.constant dense<0.000000e+00> : vector<1x4096xf32>
      %dot_general3A_51 = tpu.matmul %broadcast_in_dim3A_49, %convert_element_type3A_38, %dot_general3A_50 {dimension_numbers = #tpu.dot_dimension_numbers<[0], [0], [1], [1], [0, 1, 1, 1], [], []>, transpose_lhs_hint = false} : vector<64x1xf32>, vector<64x4096xf32>, vector<1x4096xf32> -> vector<1x4096xf32>
      %sub3A = arith.subf %dot_general3A_43, %dot_general3A_51 : vector<1x4096xf32>
      %exp3A = math.exp %sub3A : vector<1x4096xf32>
      %dot_general3A_52 = arith.constant dense<0.000000e+00> : vector<64x1xf32>
      %dot_general3A_53 = tpu.matmul %convert_element_type3A_38, %exp3A, %dot_general3A_52 {dimension_numbers = #tpu.dot_dimension_numbers<[1], [1], [0], [0], [0, 0, 1, 0], [], []>, transpose_lhs_hint = false} : vector<64x4096xf32>, vector<1x4096xf32>, vector<64x1xf32> -> vector<64x1xf32>
      %dot_general3A_54 = arith.constant dense<0.000000e+00> : vector<1x4096xf32>
      %dot_general3A_55 = tpu.matmul %dot_general3A_53, %convert_element_type3A_38, %dot_general3A_54 {dimension_numbers = #tpu.dot_dimension_numbers<[0], [0], [1], [1], [0, 1, 1, 1], [], []>, transpose_lhs_hint = false} : vector<64x1xf32>, vector<64x4096xf32>, vector<1x4096xf32> -> vector<1x4096xf32>
      %div3A = arith.divf %exp3A, %dot_general3A_55 : vector<1x4096xf32>
      %mul3A = vector.broadcast %div3A : vector<1x4096xf32> to vector<64x4096xf32>
      %mul3A_56 = arith.mulf %convert_element_type3A_38, %mul3A : vector<64x4096xf32>
      %dot_general3A_57 = arith.constant dense<0.000000e+00> : vector<64x64xf32>
      %dot_general3A_58 = tpu.matmul %mul3A_56, %tanh3A, %dot_general3A_57 {dimension_numbers = #tpu.dot_dimension_numbers<[1], [0], [0], [1], [0, 0, 1, 1], [], []>, transpose_lhs_hint = false} : vector<64x4096xf32>, vector<4096x64xf32>, vector<64x64xf32> -> vector<64x64xf32>
      %swap3A_59 = arith.constant 0 : index
      %swap3A_60 = arith.constant 0 : index
      %swap3A_61 = vector.load %arg8[%swap3A_59, %swap3A_60] : memref<64x64xf32, #tpu.memory_space<vmem>>, vector<64x64xf32>
      tpu.vector_store %arg8[%swap3A_59, %swap3A_60], %dot_general3A_58 {strides = array<i32>} : memref<64x64xf32, #tpu.memory_space<vmem>>, vector<64x64xf32>,
    } else {
    }
    %get3A = arith.constant 0 : index
    %get3A_2 = arith.constant 0 : index
    %get3A_3 = vector.load %arg8[%get3A, %get3A_2] : memref<64x64xf32, #tpu.memory_space<vmem>>, vector<64x64xf32>
    %get3A_4 = arith.constant 0 : index
    %get3A_5 = arith.constant 0 : index
    %get3A_6 = vector.load %arg5[%get3A_4, %get3A_5] : memref<64x4096xf32, #tpu.memory_space<vmem>>, vector<64x4096xf32>
    %dot_general3A = arith.constant dense<0.000000e+00> : vector<64x4096xf32>
    %dot_general3A_7 = tpu.matmul %get3A_3, %get3A_6, %dot_general3A {dimension_numbers = #tpu.dot_dimension_numbers<[1], [0], [0], [1], [0, 0, 1, 1], [], []>, transpose_lhs_hint = false} : vector<64x64xf32>, vector<64x4096xf32>, vector<64x4096xf32> -> vector<64x4096xf32>
    %get3A_8 = arith.constant 0 : index
    %get3A_9 = arith.constant 0 : index
    %get3A_10 = vector.load %arg6[%get3A_8, %get3A_9] : memref<1x4096xf32, #tpu.memory_space<vmem>>, vector<1x4096xf32>
    %add3A = vector.broadcast %get3A_10 : vector<1x4096xf32> to vector<64x4096xf32>
    %add3A_11 = arith.addf %dot_general3A_7, %add3A : vector<64x4096xf32>
    %swap3A = arith.constant 0 : index
    %swap3A_12 = arith.constant 0 : index
    %swap3A_13 = vector.load %arg7[%swap3A, %swap3A_12] : memref<64x4096xf32, #tpu.memory_space<vmem>>, vector<64x4096xf32>
    tpu.vector_store %arg7[%swap3A, %swap3A_12], %add3A_11 {strides = array<i32>} : memref<64x4096xf32, #tpu.memory_space<vmem>>, vector<64x4096xf32>,
    return
  }
  func.func @transform_0(%arg0: i32) -> (i32, i32, i32) {
    %c0_i32 = arith.constant 0 : i32
    %c0_i32_0 = arith.constant 0 : i32
    %c0_i32_1 = arith.constant 0 : i32
    %c0_i32_2 = arith.constant 0 : i32
    return %c0_i32, %c0_i32_0, %c0_i32_1 : i32, i32, i32
  }
  func.func @transform_1(%arg0: i32) -> (i32, i32) {
    %c0_i32 = arith.constant 0 : i32
    %c0_i32_0 = arith.constant 0 : i32
    %c0_i32_1 = arith.constant 0 : i32
    return %c0_i32, %c0_i32_0 : i32, i32
  }
  func.func @transform_2(%arg0: i32) -> (i32, i32) {
    %c0_i32 = arith.constant 0 : i32
    %c0_i32_0 = arith.constant 0 : i32
    %c0_i32_1 = arith.constant 0 : i32
    return %c0_i32, %c0_i32_0 : i32, i32
  }
  func.func @transform_3(%arg0: i32) -> (i32, i32) {
    %c0_i32 = arith.constant 0 : i32
    %c0_i32_0 = arith.constant 0 : i32
    %c0_i32_1 = arith.constant 0 : i32
    return %c0_i32, %c0_i32_0 : i32, i32
  }
  func.func @transform_4(%arg0: i32) -> (i32, i32) {
    %c0_i32 = arith.constant 0 : i32
    %c0_i32_0 = arith.constant 0 : i32
    return %c0_i32, %arg0 : i32, i32
  }
  func.func @transform_5(%arg0: i32) -> (i32, i32) {
    %c0_i32 = arith.constant 0 : i32
    %c0_i32_0 = arith.constant 0 : i32
    return %c0_i32, %arg0 : i32, i32
  }
  func.func @transform_6(%arg0: i32) -> (i32, i32) {
    %c0_i32 = arith.constant 0 : i32
    %c0_i32_0 = arith.constant 0 : i32
    return %c0_i32, %arg0 : i32, i32
  }
}

</mosaic_0001>

<sc_bundles>
// kernel: kernel.10.cloned.1.call-start
scs
__scs_entry_jumppad:
0x0: {  	(pc) =	sbr.rel $0x88, $3  }
0x1: {  	(tag) =	ssettag $0x0;
	lr =	simm.s32 $0x1  }
0x2: {  	[smem:$0x3F8F] =	sst lr;
	_ =	strace $0xD0000000  }
0x3: {  	_ = 	snop  }
0x4: {  	_ = 	snop  }
0x5: {  	_ = 	snop  }
0x6: {  	_ = 	snop  }
0x7: {  	_ = 	snop  }
__scs_overlays_trampoline_lowered:
0x8: {  	[smem:$0x3F9E] =	sst s0  }
0x9: {  	[smem:$0x3F9F] =	sst s1  }
0xa: {  	[smem:$0x3FA0] =	sst s2  }
0xb: {  	[smem:$0x3FA1] =	sst s3  }
0xc: {  	[smem:$0x3FA2] =	sst s4  }
0xd: {  	[smem:$0x3FA3] =	sst s5  }
0xe: {  	[smem:$0x3FA4] =	sst s6  }
0xf: {  	[smem:$0x3FA5] =	sst s7  }
0x10: {  	[smem:$0x3FA6] =	sst s8  }
0x11: {  	[smem:$0x3FA7] =	sst s9;
	s0 =	simm.s32 @!p0 $0x0  }
0x12: {  	s1 =	sld [smem:$0x3F8D];
	s0 =	simm.s32 @p0 $0x1  }
0x13: {  	[smem:$0x3FA8] =	sst s0;
	s0 =	simm.s32 @!p1 $0x0  }
0x14: {  	s2 =	sld [smem:$0x3F8C];
	s0 =	simm.s32 @p1 $0x1  }
0x15: {  	[smem:$0x3FA9] =	sst s0;
	s0 =	simm.s32 @!p2 $0x0  }
0x16: {  	s3 =	sld [smem:$0x3FDB];
	s0 =	simm.s32 @p2 $0x1  }
0x17: {  	s4 =	simm.s32 $0x1BF5;
	[smem:$0x3FAB] =	sst s0  }
0x18: {  	s0 =	sld [smem:$0x3F8E];
	_ =	swait.ge [sflag:s4], $0x0  }
0x19: {  	s7 =	sld [smem:$0x3F8F]  }
0x1a: {  	s8 =	sadd.s32 $0xFFFFE003, lr  }
0x1b: {  	s9 =	sadd.s32 $0xFFFFFEF7, lr;
	s5 =	simm.s32 $0xFFFFFFFF;
	p2 =	slt.u32 s8, $0xFFFFF086  }
0x1c: {  	p1 =	slt.u32 s9, $0xF7A;
	s5 =	simm.s32 @!p2 $0x0  }
0x1d: {  	s5 =	simm.s32 @p1 $0x1;
	p0 =	seq.s32 s7, s2  }
0x1e: {  	s7 =	smul.u32 @!p0 $0xF7A, s2;
	p2 =	seq.s32 @!p0 s5, $0x0  }
0x1f: {  	s9 =	smul.u32 $0xF7A, s1;
	s8 =	simm.s32 @!p0 $0x1BF5;
	p2 =	por !p2, p0  }
0x20: {  	[sflag:s8] =	ssyncset.s32 @!p0 $0xFFFFF086;
	s6 =	sadd.s32 @!p0 s3, s7;
	s7 =	simm.s32 @!p0 $0x108  }
0x21: {  	s3 =	sadd.s32 s3, s9;
	s6 =	sadd.s32 @!p0 $0x88, s6;
	s7 =	simm.s32 @p2 $0x1082  }
0x22: {  	[simem:s7], [sflag:s8] =	dma.local @!p0 [hbm:s6], $0xF7A  }
0x23: {  	s9 =	sor.u32 $0xD0000000, s2;
	s6 =	simm.s32 $0x108;
	_ =	swait.ge @!p0 [sflag:s8], $0x0  }
0x24: {  	s3 =	sadd.s32 $0x88, s3;
	s6 =	simm.s32 @!p1 $0x1082;
	[sflag:s4] =	ssyncset.s32 $0xFFFFF086  }
0x25: {  	[simem:s6], [sflag:s4] =	dma.local [hbm:s3], $0xF7A  }
0x26: {  	[smem:$0x3F8F] =	sst s1;
	(tag) =	ssettag s2;
	_ =	strace s9  }
0x27: {  	s1 =	sld [smem:$0x3F9F]  }
0x28: {  	s2 =	sld [smem:$0x3FA0]  }
0x29: {  	s4 =	sld [smem:$0x3FA2]  }
0x2a: {  	p0 =	seq.s32 s5, $0x0;
	s5 =	sld [smem:$0x3FA3]  }
0x2b: {  	s6 =	sld [smem:$0x3FA4]  }
0x2c: {  	s7 =	sld [smem:$0x3FA5]  }
0x2d: {  	s3 =	simm.s32 $0x108;
	s8 =	sld [smem:$0x3FA6]  }
0x2e: {  	s3 =	simm.s32 @!p0 $0x1082;
	s9 =	sld [smem:$0x3FA7]  }
0x2f: {  	lr =	sadd.s32 s0, s3;
	s0 =	sld [smem:$0x3F9E]  }
0x30: {  	s3 =	sld [smem:$0x3FA1]  }
0x31: {  	[smem:$0x3FAA] =	sst s10  }
0x32: {  	s10 =	sld [smem:$0x3FA8];
	_ =	sdelay $0x3  }
0x33: {  	p0 =	seq.s32 s10, $0x1;
	s10 =	sld [smem:$0x3FAA];
	_ =	sdelay $0x3  }
0x34: {  	[smem:$0x3FAA] =	sst s10  }
0x35: {  	s10 =	sld [smem:$0x3FA9];
	_ =	sdelay $0x3  }
0x36: {  	p1 =	seq.s32 s10, $0x1;
	s10 =	sld [smem:$0x3FAA];
	_ =	sdelay $0x3  }
0x37: {  	[smem:$0x3FAA] =	sst s10  }
0x38: {  	s10 =	sld [smem:$0x3FAB]  }
0x39: {  	_ = 	snop;
	(pc) =	sbr.ind lr, $3  }
0x3a: {  	_ = 	snop  }
0x3b: {  	_ = 	snop  }
0x3c: {  	p2 =	seq.s32 s10, $0x1;
	s10 =	sld [smem:$0x3FAA]  }
0x3d: {  	_ =	shalt  }
0x3e: {  	_ =	shalt  }
0x3f: {  	_ =	shalt  }
0x40: {  	_ =	shalt  }
0x41: {  	_ =	shalt  }
0x42: {  	_ =	shalt  }
0x43: {  	_ =	shalt  }
0x44: {  	_ =	shalt  }
0x45: {  	_ =	shalt  }
0x46: {  	_ =	shalt  }
0x47: {  	_ =	shalt  }
0x48: {  	_ =	shalt  }
0x49: {  	_ =	shalt  }
0x4a: {  	_ =	shalt  }
0x4b: {  	_ =	shalt  }
0x4c: {  	_ =	shalt  }
0x4d: {  	_ =	shalt  }
0x4e: {  	_ =	shalt  }
0x4f: {  	_ =	shalt  }
0x50: {  	_ =	shalt  }
0x51: {  	_ =	shalt  }
0x52: {  	_ =	shalt  }
0x53: {  	_ =	shalt  }
0x54: {  	_ =	shalt  }
0x55: {  	_ =	shalt  }
0x56: {  	_ =	shalt  }
0x57: {  	_ =	shalt  }
0x58: {  	_ =	shalt  }
0x59: {  	_ =	shalt  }
0x5a: {  	_ =	shalt  }
0x5b: {  	_ =	shalt  }
0x5c: {  	_ =	shalt  }
0x5d: {  	_ =	shalt  }
0x5e: {  	_ =	shalt  }
0x5f: {  	_ =	shalt  }
0x60: {  	_ =	shalt  }
0x61: {  	_ =	shalt  }
0x62: {  	_ =	shalt  }
0x63: {  	_ =	shalt  }
0x64: {  	_ =	shalt  }
0x65: {  	_ =	shalt  }
0x66: {  	_ =	shalt  }
0x67: {  	_ =	shalt  }
0x68: {  	_ =	shalt  }
0x69: {  	_ =	shalt  }
0x6a: {  	_ =	shalt  }
0x6b: {  	_ =	shalt  }
0x6c: {  	_ =	shalt  }
0x6d: {  	_ =	shalt  }
0x6e: {  	_ =	shalt  }
0x6f: {  	_ =	shalt  }
0x70: {  	_ =	shalt  }
0x71: {  	_ =	shalt  }
0x72: {  	_ =	shalt  }
0x73: {  	_ =	shalt  }
0x74: {  	_ =	shalt  }
0x75: {  	_ =	shalt  }
0x76: {  	_ =	shalt  }
0x77: {  	_ =	shalt  }
0x78: {  	_ =	shalt  }
0x79: {  	_ =	shalt  }
0x7a: {  	_ =	shalt  }
0x7b: {  	_ =	shalt  }
0x7c: {  	_ =	shalt  }
0x7d: {  	_ =	shalt  }
0x7e: {  	_ =	shalt  }
0x7f: {  	_ =	shalt  }
0x80: {  	_ =	shalt  }
0x81: {  	_ =	shalt  }
0x82: {  	_ =	shalt  }
0x83: {  	_ =	shalt  }
0x84: {  	_ =	shalt  }
0x85: {  	_ =	shalt  }
0x86: {  	_ =	shalt  }
0x87: {  	_ =	shalt  }
.Lfunc_end0:
.L_simem_size_0:
called_computation.1_lowered:
.L_overlay_start_0:
0x88: {  	s2 =	sld [smem:$0x3FD9]  }
0x89: {  	s3 =	sld [smem:$0x3FFE];
	_ =	sdelay $0x1  }
0x8a: {  	s1 =	srdreg.scid  }
0x8b: {  	s0 =	sand.u32 $0x1, s1  }
0x8c: {  	s17 =	sshll.u32 s0, $0xA;
	s2 =	sadd.s32 s3, s2  }
0x8d: {  	s2 =	sadd.s32 s2, s17  }
0x8e: {  	[smem:$0x3FB6] =	sst s2  }
0x8f: {  	_ = 	snop  }
0x90: {  	s2 =	sld [smem:$0x3FD0];
	(tm) =	ssettm $0x1  }
0x91: {  	s18 =	sld [smem:$0x3FFB];
	_ =	sdelay $0x3  }
0x92: {  	_ =	strace s18  }
0x93: {  	s3 =	sld [smem:$0x3FFC];
	_ =	sdelay $0x3  }
0x94: {  	_ =	strace s3  }
0x95: {  	s3 =	sld [smem:$0x3FFD];
	_ =	sdelay $0x3  }
0x96: {  	_ =	strace s3  }
0x97: {  	_ =	strace $0x8FFFFFFF  }
0x98: {  	s19 =	sld [smem:$0x3FDB];
	_ =	sdelay $0x1  }
0x99: {  	s4 =	simm.s32 $_scs_section_size  }
0x9a: {  	s5 =	simm.s32 $_size__tile_overlayer_lowered;
	s6 =	simm.s32 $_tile_overlayer_lowered  }
0x9b: {  	s22 =	simm.s32 $0x1BFF;
	s21 =	sshll.u32 s6, $0x1;
	s3 =	sadd.s32 s4, s19  }
0x9c: {  	s7 =	simm.s32 $0x0;
	s20 =	sshll.u32 s5, $0x1;
	s5 =	sadd.s32 s21, s3  }
0x9d: {  	[timem:s7], [sflag:s22] =	dma.local [hbm:s5], s20  }
0x9e: {  	_ =	swait.ge [sflag:s22], s20  }
0x9f: {  	s4 =	ssub.s32 $0x0, s20;
	[sflag:s22] =	ssyncset.done $0x0  }
0xa0: {  	[sflag:s22] =	ssyncadd.s32 s4;
	_ =	sdelay $0x1  }
0xa1: {  	s23 =	simm.s32 $0x1B8B  }
0xa2: {  	_ =	swait.ge [sflag:s23], $0x1  }
0xa3: {  	[sflag:s23] =	ssyncset.done $0x0  }
0xa4: {  	s25 =	simm.s32 $0x1B8E;
	s24 =	sld [smem:$0x3FFE];
	[sflag:s23] =	ssyncadd.s32 $0xFFFFFFFF  }
0xa5: {  	s26 =	simm.s32 $execute0_lowered;
	[smem:$0x3FD2] =	sst s25  }
0xa6: {  	s5 =	sshll.u32 s26, $0x1;
	_ =	strace $0x80000049;
	[dreg:$0x1] =	wrdreg $0xFFFFFFFF  }
0xa7: {  	s28 =	simm.s32 $_size_execute0_lowered;
	s3 =	sadd.s32 s3, s5;
	[dreg:$0x0] =	wrdreg $0x0  }
0xa8: {  	s5 =	sshll.u32 s28, $0x1;
	[dreg:$0x2] =	wrdreg s3  }
0xa9: {  	[dreg:$0x3] =	wrdreg s5  }
0xaa: {  	[dreg:$0x4] =	wrdreg $0xC0  }
0xab: {  	_ =	task [dreg:s7], $0x5FFFF  }
0xac: {  	[dreg:$0x1] =	wrdreg $0xFFFFFFFF  }
0xad: {  	[dreg:$0x0] =	wrdreg $0x60  }
0xae: {  	[dreg:$0x2] =	wrdreg s2  }
0xaf: {  	[dreg:$0x3] =	wrdreg s24  }
0xb0: {  	[dreg:$0x4] =	wrdreg $0x104000  }
0xb1: {  	[dreg:$0x5] =	wrdreg $0x9  }
0xb2: {  	_ =	task.clear_ibuf [dreg:s7], $0x6FFFF;
	_ =	strace $0x90000049  }
0xb3: {  	s29 =	simm.s32 $0x9;
	_ =	strace $0x8000004B  }
0xb4: {  	_ =	swait.ge [sflag:s29], $0x1  }
0xb5: {  	[sflag:s29] =	ssyncadd.s32 $0xFFFFFFFF  }
0xb6: {  	_ =	strace $0x9000004B  }
0xb7: {  	_ =	sfence  }
0xb8: {  	s30 =	sld [smem:$0x0];
	_ =	sdelay $0x2  }
0xb9: {  	s31 =	sshll.u32 s1, $0xD;
	s1 =	sshrl.u32 s1, $0x2  }
0xba: {  	s3 =	sand.u32 $0x4000, s31;
	s1 =	sadd.s32 s1, s30  }
0xbb: {  	s0 =	sor.u32 s3, s0;
	s1 =	sshll.u32 s1, $0x11  }
0xbc: {  	s0 =	sor.u32 s1, s0  }
0xbd: {  	s0 =	sadd.s32 $0x8F2B, s0  }
0xbe: {  	[sflag:s0] =	ssyncadd.remote.s32 $0x1  }
0xbf: {  	_ =	sfence.sel $0xFFFF  }
0xc0: {  	[dreg:$0x0] =	wrdreg $0xFFFFFFFF;
	(pc) =	sbr.abs _section_cstart, $3  }
0xc1: {  	[dreg:$0x1] =	wrdreg $0xFFFFFFFF  }
0xc2: {  	_ =	task.clear_ibuf [dreg:s7], $0x2FFFF;
	_ =	strace $0x9FFFFFFF  }
0xc3: {  	(tm) =	ssettm $0x7FFFFFFF  }
tec
execute0_lowered:
.L_overlay_start_1:
0x0: {  	(tag) =	ssettag $0x1  }
0x1: {  	s21 =	rddreg [dreg:$0x0]  }
0x2: {  	s31 =	rddreg [dreg:$0x1]  }
0x3: {  	s2 =	rddreg [dreg:$0x2]  }
0x4: {  	s1 =	srdreg.scid;
	s0 =	stileid.u32  }
0x5: {  	s3 =	simm.s32 $0x0;
	s1 =	sand.u32 $0x1, s1;
	s5 =	sshll.u32 s0, $0xB  }
0x6: {  	[smem:$0x7FF] =	sst s3;
	s23 =	sadd.s32 $0x3800, s31;
	s4 =	sshll.u32 s1, $0xA  }
0x7: {  	s24 =	sshll.u32 s0, $0xE;
	s25 =	sshll.u32 s0, $0x6;
	s22 =	sor.u32 s4, s5  }
0x8: {  	[dreg:$0x6] =	wrdreg s5;
	s6 =	sadd.s32 s24, s2;
	s4 =	sshrl.u32 s22, $0x3  }
0x9: {  	_ =	strace $0x8000004A;
	[dreg:$0x4] =	wrdreg s23;
	s19 =	sadd.s32 s4, s31  }
0xa: {  	s6 =	sshrl.u32 s6, $0x3;
	s7 =	rddreg [dreg:$0x4];
	s26 =	sadd.s32 $0x147E00, s19  }
0xb: {  	s5 =	simm.s32 $0x1;
	s4 =	sor.u32 $0x1C01, s25;
	[dreg:$0x5] =	wrdreg s26  }
0xc: {  	[spmem:s6], [sflag:s4] =	dma.local [hbm:s7], $0x800  }
0xd: {  	_ =	swait.ge [sflag:s5], $0x800  }
0xe: {  	[sflag:s5] =	ssyncset.done $0x0  }
0xf: {  	[sflag:s5] =	ssyncadd.s32 $0xFFFFF800  }
0x10: {  	[bflag:$0x0] =	sbarrier.arrive $0xFFFF  }
0x11: {  	s0 =	rddreg [dreg:$0x5]  }
0x12: {  	[tilespmem:s3], [sflag:$0x1] =	stream.linear.gather [hbm4b:s0+s3], $0x80, $0x38;
	[tilespmem:$0x14400] =	vst v63  }
0x13: {  	_ =	swait.ge [sflag:s5], $0x80  }
0x14: {  	[sflag:s5] =	ssyncset.done $0x0  }
0x15: {  	s8 =	simm.s32 $0x80;
	s7 =	sadd.s32 $0x147E10, s19;
	[sflag:s5] =	ssyncadd.s32 $0xFFFFFF80  }
0x16: {  	[tilespmem:s8], [sflag:$0x1] =	stream.linear.gather [hbm4b:s7+s3], $0x80, $0x38;
	[tilespmem:$0x14400] =	vst v63  }
0x17: {  	_ =	swait.ge [sflag:s5], $0x80  }
0x18: {  	[sflag:s5] =	ssyncset.done $0x0  }
0x19: {  	s10 =	simm.s32 $0x100;
	s9 =	sadd.s32 $0x147E20, s19;
	[sflag:s5] =	ssyncadd.s32 $0xFFFFFF80  }
0x1a: {  	[tilespmem:s10], [sflag:$0x1] =	stream.linear.gather [hbm4b:s9+s3], $0x80, $0x38;
	[tilespmem:$0x14400] =	vst v63  }
0x1b: {  	_ =	swait.ge [sflag:s5], $0x80  }
0x1c: {  	[sflag:s5] =	ssyncset.done $0x0  }
0x1d: {  	s12 =	simm.s32 $0x180;
	s11 =	sadd.s32 $0x147E30, s19;
	[sflag:s5] =	ssyncadd.s32 $0xFFFFFF80  }
0x1e: {  	[tilespmem:s12], [sflag:$0x1] =	stream.linear.gather [hbm4b:s11+s3], $0x80, $0x38;
	[tilespmem:$0x14400] =	vst v63  }
0x1f: {  	_ =	swait.ge [sflag:s5], $0x80  }
0x20: {  	[sflag:s5] =	ssyncset.done $0x0  }
0x21: {  	s14 =	simm.s32 $0x200;
	s13 =	sadd.s32 $0x147E40, s19;
	[sflag:s5] =	ssyncadd.s32 $0xFFFFFF80  }
0x22: {  	[tilespmem:s14], [sflag:$0x1] =	stream.linear.gather [hbm4b:s13+s3], $0x80, $0x38;
	[tilespmem:$0x14400] =	vst v63  }
0x23: {  	_ =	swait.ge [sflag:s5], $0x80  }
0x24: {  	[sflag:s5] =	ssyncset.done $0x0  }
0x25: {  	s16 =	simm.s32 $0x280;
	s15 =	sadd.s32 $0x147E50, s19;
	[sflag:s5] =	ssyncadd.s32 $0xFFFFFF80  }
0x26: {  	[tilespmem:s16], [sflag:$0x1] =	stream.linear.gather [hbm4b:s15+s3], $0x80, $0x38;
	[tilespmem:$0x14400] =	vst v63  }
0x27: {  	_ =	swait.ge [sflag:s5], $0x80  }
0x28: {  	[sflag:s5] =	ssyncset.done $0x0  }
0x29: {  	s18 =	simm.s32 $0x300;
	s17 =	sadd.s32 $0x147E60, s19;
	[sflag:s5] =	ssyncadd.s32 $0xFFFFFF80  }
0x2a: {  	[tilespmem:s18], [sflag:$0x1] =	stream.linear.gather [hbm4b:s17+s3], $0x80, $0x38;
	[tilespmem:$0x14400] =	vst v63  }
0x2b: {  	_ =	swait.ge [sflag:s5], $0x80  }
0x2c: {  	[sflag:s5] =	ssyncset.done $0x0  }
0x2d: {  	s20 =	simm.s32 $0x380;
	s19 =	sadd.s32 $0x147E70, s19;
	[sflag:s5] =	ssyncadd.s32 $0xFFFFFF80  }
0x2e: {  	[tilespmem:s20], [sflag:$0x1] =	stream.linear.gather [hbm4b:s19+s3], $0x80, $0x38;
	[tilespmem:$0x14400] =	vst v63  }
0x2f: {  	_ =	swait.ge [sflag:s5], $0x80  }
0x30: {  	s22 =	sshll.u32 s22, $0x3;
	[sflag:s5] =	ssyncset.done $0x0  }
0x31: {  	s21 =	sadd.s32 s21, s22;
	s22 =	simm.s32 $0x400;
	[sflag:s5] =	ssyncadd.s32 $0xFFFFFF80  }
0x32: {  	[tilespmem:s22], [sflag:$0x1] =	stream.linear.gather [hbm4b:s21+s3], $0x10000, $0x38;
	[tilespmem:$0x14400] =	vst v63  }
0x33: {  	_ =	swait.ge [sflag:s5], $0x10000  }
0x34: {  	[sflag:s5] =	ssyncset.done $0x0  }
0x35: {  	[sflag:s5] =	ssyncadd.s32 $0xFFFF0000  }
0x36: {  	[spmem:s2] =	stream.indirect.scatter.add.f32 [tilespmem:s22], [sflag:$0x1], $0x40, s3, s8, $0xb8;
	[tilespmem:$0x14400] =	vst v63  }
0x37: {  	_ =	swait.ge [sflag:s5], $0x2000  }
0x38: {  	[sflag:s5] =	ssyncset.done $0x0  }
0x39: {  	s23 =	simm.s32 $0x2400;
	[sflag:s5] =	ssyncadd.s32 $0xFFFFE000  }
0x3a: {  	[spmem:s2] =	stream.indirect.scatter.add.f32 [tilespmem:s23], [sflag:$0x1], $0x40, s8, s8, $0xb8;
	[tilespmem:$0x14400] =	vst v63  }
0x3b: {  	_ =	swait.ge [sflag:s5], $0x2000  }
0x3c: {  	[sflag:s5] =	ssyncset.done $0x0  }
0x3d: {  	s24 =	simm.s32 $0x4400;
	[sflag:s5] =	ssyncadd.s32 $0xFFFFE000  }
0x3e: {  	[spmem:s2] =	stream.indirect.scatter.add.f32 [tilespmem:s24], [sflag:$0x1], $0x40, s10, s8, $0xb8;
	[tilespmem:$0x14400] =	vst v63  }
0x3f: {  	_ =	swait.ge [sflag:s5], $0x2000  }
0x40: {  	[sflag:s5] =	ssyncset.done $0x0  }
0x41: {  	s25 =	simm.s32 $0x6400;
	[sflag:s5] =	ssyncadd.s32 $0xFFFFE000  }
0x42: {  	[spmem:s2] =	stream.indirect.scatter.add.f32 [tilespmem:s25], [sflag:$0x1], $0x40, s12, s8, $0xb8;
	[tilespmem:$0x14400] =	vst v63  }
0x43: {  	_ =	swait.ge [sflag:s5], $0x2000  }
0x44: {  	[sflag:s5] =	ssyncset.done $0x0  }
0x45: {  	s26 =	simm.s32 $0x8400;
	[sflag:s5] =	ssyncadd.s32 $0xFFFFE000  }
0x46: {  	[spmem:s2] =	stream.indirect.scatter.add.f32 [tilespmem:s26], [sflag:$0x1], $0x40, s14, s8, $0xb8;
	[tilespmem:$0x14400] =	vst v63  }
0x47: {  	_ =	swait.ge [sflag:s5], $0x2000  }
0x48: {  	[sflag:s5] =	ssyncset.done $0x0  }
0x49: {  	s28 =	simm.s32 $0xA400;
	[sflag:s5] =	ssyncadd.s32 $0xFFFFE000  }
0x4a: {  	[spmem:s2] =	stream.indirect.scatter.add.f32 [tilespmem:s28], [sflag:$0x1], $0x40, s16, s8, $0xb8;
	[tilespmem:$0x14400] =	vst v63  }
0x4b: {  	_ =	swait.ge [sflag:s5], $0x2000  }
0x4c: {  	s29 =	simm.s32 $0xC400;
	[sflag:s5] =	ssyncset.done $0x0  }
0x4d: {  	s0 =	sshll.u32 s1, $0xF;
	s1 =	ssub.s32 $0x2, s1;
	[sflag:s5] =	ssyncadd.s32 $0xFFFFE000  }
0x4e: {  	[spmem:s2] =	stream.indirect.scatter.add.f32 [tilespmem:s29], [sflag:$0x1], $0x40, s18, s8, $0xb8;
	[tilespmem:$0x14400] =	vst v63  }
0x4f: {  	s0 =	sadd.s32 s0, s31;
	s31 =	sshrl.u32 s1, $0x1;
	_ =	swait.ge [sflag:s5], $0x2000  }
0x50: {  	s1 =	ssub.s32 s1, s31;
	[sflag:s5] =	ssyncset.done $0x0  }
0x51: {  	s30 =	simm.s32 $0xE400;
	s1 =	smax.u32 s1, $0x1;
	[sflag:s5] =	ssyncadd.s32 $0xFFFFE000  }
0x52: {  	[spmem:s2] =	stream.indirect.scatter.add.f32 [tilespmem:s30], [sflag:$0x1], $0x40, s20, s8, $0xb8;
	[tilespmem:$0x14400] =	vst v63  }
0x53: {  	p0 =	sne.s32 s1, $0x1;
	_ =	swait.ge [sflag:s5], $0x2000  }
.Ltmp0:
0x54: {  	[sflag:s5] =	ssyncset.done $0x0;
	(pc) =	sbr.rel @!p0 .LBB2_2-.Ltmp0, $4  }
0x55: {  	s0 =	sadd.s32 $0x4000, s0;
	s31 =	rddreg [dreg:$0x6];
	[sflag:s5] =	ssyncadd.s32 $0xFFFFE000  }
0x56: {  	s31 =	sadd.s32 s31, s0;
	[bflag:$0x0] =	sbarrier.arrive $0xFFFF  }
0x57: {  	[hbm:s31], [sflag:s4] =	dma.local [spmem:s6], $0x800  }
0x58: {  	s0 =	sadd.s32 $0xFFFFFFFF, s1;
	_ =	swait.ge [sflag:s5], $0x800  }
.LBB2_1:
0x59: {  	[sflag:s5] =	ssyncset.done $0x0  }
0x5a: {  	s1 =	rddreg [dreg:$0x4];
	[sflag:s5] =	ssyncadd.s32 $0xFFFFF800  }
0x5b: {  	[spmem:s6], [sflag:s4] =	dma.local [hbm:s1], $0x800  }
0x5c: {  	_ =	swait.ge [sflag:s5], $0x800  }
0x5d: {  	[sflag:s5] =	ssyncset.done $0x0  }
0x5e: {  	[sflag:s5] =	ssyncadd.s32 $0xFFFFF800  }
0x5f: {  	[bflag:$0x0] =	sbarrier.arrive $0xFFFF  }
0x60: {  	s1 =	rddreg [dreg:$0x5]  }
0x61: {  	[tilespmem:s3], [sflag:$0x1] =	stream.linear.gather [hbm4b:s1+s3], $0x80, $0x38;
	[tilespmem:$0x14400] =	vst v63  }
0x62: {  	_ =	swait.ge [sflag:s5], $0x80  }
0x63: {  	[sflag:s5] =	ssyncset.done $0x0  }
0x64: {  	[sflag:s5] =	ssyncadd.s32 $0xFFFFFF80  }
0x65: {  	[tilespmem:s8], [sflag:$0x1] =	stream.linear.gather [hbm4b:s7+s3], $0x80, $0x38;
	[tilespmem:$0x14400] =	vst v63  }
0x66: {  	_ =	swait.ge [sflag:s5], $0x80  }
0x67: {  	[sflag:s5] =	ssyncset.done $0x0  }
0x68: {  	[sflag:s5] =	ssyncadd.s32 $0xFFFFFF80  }
0x69: {  	[tilespmem:s10], [sflag:$0x1] =	stream.linear.gather [hbm4b:s9+s3], $0x80, $0x38;
	[tilespmem:$0x14400] =	vst v63  }
0x6a: {  	_ =	swait.ge [sflag:s5], $0x80  }
0x6b: {  	[sflag:s5] =	ssyncset.done $0x0  }
0x6c: {  	[sflag:s5] =	ssyncadd.s32 $0xFFFFFF80  }
0x6d: {  	[tilespmem:s12], [sflag:$0x1] =	stream.linear.gather [hbm4b:s11+s3], $0x80, $0x38;
	[tilespmem:$0x14400] =	vst v63  }
0x6e: {  	_ =	swait.ge [sflag:s5], $0x80  }
0x6f: {  	[sflag:s5] =	ssyncset.done $0x0  }
0x70: {  	[sflag:s5] =	ssyncadd.s32 $0xFFFFFF80  }
0x71: {  	[tilespmem:s14], [sflag:$0x1] =	stream.linear.gather [hbm4b:s13+s3], $0x80, $0x38;
	[tilespmem:$0x14400] =	vst v63  }
0x72: {  	_ =	swait.ge [sflag:s5], $0x80  }
0x73: {  	[sflag:s5] =	ssyncset.done $0x0  }
0x74: {  	[sflag:s5] =	ssyncadd.s32 $0xFFFFFF80  }
0x75: {  	[tilespmem:s16], [sflag:$0x1] =	stream.linear.gather [hbm4b:s15+s3], $0x80, $0x38;
	[tilespmem:$0x14400] =	vst v63  }
0x76: {  	_ =	swait.ge [sflag:s5], $0x80  }
0x77: {  	[sflag:s5] =	ssyncset.done $0x0  }
0x78: {  	[sflag:s5] =	ssyncadd.s32 $0xFFFFFF80  }
0x79: {  	[tilespmem:s18], [sflag:$0x1] =	stream.linear.gather [hbm4b:s17+s3], $0x80, $0x38;
	[tilespmem:$0x14400] =	vst v63  }
0x7a: {  	_ =	swait.ge [sflag:s5], $0x80  }
0x7b: {  	[sflag:s5] =	ssyncset.done $0x0  }
0x7c: {  	[sflag:s5] =	ssyncadd.s32 $0xFFFFFF80  }
0x7d: {  	[tilespmem:s20], [sflag:$0x1] =	stream.linear.gather [hbm4b:s19+s3], $0x80, $0x38;
	[tilespmem:$0x14400] =	vst v63  }
0x7e: {  	_ =	swait.ge [sflag:s5], $0x80  }
0x7f: {  	[sflag:s5] =	ssyncset.done $0x0  }
0x80: {  	[sflag:s5] =	ssyncadd.s32 $0xFFFFFF80  }
0x81: {  	[tilespmem:s22], [sflag:$0x1] =	stream.linear.gather [hbm4b:s21+s3], $0x10000, $0x38;
	[tilespmem:$0x14400] =	vst v63  }
0x82: {  	_ =	swait.ge [sflag:s5], $0x10000  }
0x83: {  	[sflag:s5] =	ssyncset.done $0x0  }
0x84: {  	[sflag:s5] =	ssyncadd.s32 $0xFFFF0000  }
0x85: {  	[spmem:s2] =	stream.indirect.scatter.add.f32 [tilespmem:s22], [sflag:$0x1], $0x40, s3, s8, $0xb8;
	[tilespmem:$0x14400] =	vst v63  }
0x86: {  	_ =	swait.ge [sflag:s5], $0x2000  }
0x87: {  	[sflag:s5] =	ssyncset.done $0x0  }
0x88: {  	[sflag:s5] =	ssyncadd.s32 $0xFFFFE000  }
0x89: {  	[spmem:s2] =	stream.indirect.scatter.add.f32 [tilespmem:s23], [sflag:$0x1], $0x40, s8, s8, $0xb8;
	[tilespmem:$0x14400] =	vst v63  }
0x8a: {  	_ =	swait.ge [sflag:s5], $0x2000  }
0x8b: {  	[sflag:s5] =	ssyncset.done $0x0  }
0x8c: {  	[sflag:s5] =	ssyncadd.s32 $0xFFFFE000  }
0x8d: {  	[spmem:s2] =	stream.indirect.scatter.add.f32 [tilespmem:s24], [sflag:$0x1], $0x40, s10, s8, $0xb8;
	[tilespmem:$0x14400] =	vst v63  }
0x8e: {  	_ =	swait.ge [sflag:s5], $0x2000  }
0x8f: {  	[sflag:s5] =	ssyncset.done $0x0  }
0x90: {  	[sflag:s5] =	ssyncadd.s32 $0xFFFFE000  }
0x91: {  	[spmem:s2] =	stream.indirect.scatter.add.f32 [tilespmem:s25], [sflag:$0x1], $0x40, s12, s8, $0xb8;
	[tilespmem:$0x14400] =	vst v63  }
0x92: {  	_ =	swait.ge [sflag:s5], $0x2000  }
0x93: {  	[sflag:s5] =	ssyncset.done $0x0  }
0x94: {  	[sflag:s5] =	ssyncadd.s32 $0xFFFFE000  }
0x95: {  	[spmem:s2] =	stream.indirect.scatter.add.f32 [tilespmem:s26], [sflag:$0x1], $0x40, s14, s8, $0xb8;
	[tilespmem:$0x14400] =	vst v63  }
0x96: {  	_ =	swait.ge [sflag:s5], $0x2000  }
0x97: {  	[sflag:s5] =	ssyncset.done $0x0  }
0x98: {  	[sflag:s5] =	ssyncadd.s32 $0xFFFFE000  }
0x99: {  	[spmem:s2] =	stream.indirect.scatter.add.f32 [tilespmem:s28], [sflag:$0x1], $0x40, s16, s8, $0xb8;
	[tilespmem:$0x14400] =	vst v63  }
0x9a: {  	_ =	swait.ge [sflag:s5], $0x2000  }
0x9b: {  	[sflag:s5] =	ssyncset.done $0x0  }
0x9c: {  	[sflag:s5] =	ssyncadd.s32 $0xFFFFE000  }
0x9d: {  	[spmem:s2] =	stream.indirect.scatter.add.f32 [tilespmem:s29], [sflag:$0x1], $0x40, s18, s8, $0xb8;
	[tilespmem:$0x14400] =	vst v63  }
0x9e: {  	_ =	swait.ge [sflag:s5], $0x2000  }
0x9f: {  	[sflag:s5] =	ssyncset.done $0x0  }
0xa0: {  	[sflag:s5] =	ssyncadd.s32 $0xFFFFE000  }
0xa1: {  	[spmem:s2] =	stream.indirect.scatter.add.f32 [tilespmem:s30], [sflag:$0x1], $0x40, s20, s8, $0xb8;
	[tilespmem:$0x14400] =	vst v63  }
0xa2: {  	p0 =	sne.s32 s0, $0x1;
	_ =	swait.ge [sflag:s5], $0x2000  }
.Ltmp1:
0xa3: {  	[sflag:s5] =	ssyncset.done $0x0;
	(pc) =	sbr.rel @p0 .LBB2_1-.Ltmp1, $4  }
0xa4: {  	[sflag:s5] =	ssyncadd.s32 $0xFFFFE000  }
0xa5: {  	[bflag:$0x0] =	sbarrier.arrive $0xFFFF  }
0xa6: {  	[hbm:s31], [sflag:s4] =	dma.local [spmem:s6], $0x800  }
0xa7: {  	s0 =	sadd.s32 $0xFFFFFFFF, s0;
	_ =	swait.ge [sflag:s5], $0x800  }
.LBB2_2:
0xa8: {  	[sflag:s5] =	ssyncset.done $0x0  }
0xa9: {  	[sflag:s5] =	ssyncadd.s32 $0xFFFFF800  }
0xaa: {  	_ =	sfence.sel $0x180000  }
0xab: {  	[bflag:$0x0] =	sbarrier.arrive $0xFFFF  }
0xac: {  	_ =	strace $0x9000004A  }
0xad: {  	s0 =	stileid.u32;
	[bflag:$0x2] =	sbarrier.arrive $0xFFFF  }
0xae: {  	p0 =	sne.s32 s0, $0x0;
	s0 =	rddreg [dreg:$0x3]  }
0xaf: {  	s0 =	sadd.s32 @!p0 $0x100000, s0  }
0xb0: {  	[sflag:s0] =	ssyncadd.tile.s32 @!p0 $0x1;
	_ =	shalt  }
.Lfunc_end2:
_tile_overlayer_lowered:
.L_overlay_start_2:
0xb1: {  	(tag) =	ssettag $0x2  }
0xb2: {  	s0 =	rddreg [dreg:$0x0];
	s2 =	stileid.u32  }
0xb3: {  	s1 =	rddreg [dreg:$0x1];
	p0 =	sne.s32 s2, $0x0  }
0xb4: {  	s3 =	rddreg [dreg:$0x2];
	[bflag:$0x3] =	sbarrier.arrive $0xFFFF;
	s2 =	simm.s32 @!p0 $0x1C01  }
0xb5: {  	[timem:s3], [sflag:s2] =	dma.local @!p0 [hbm:s0], s1  }
0xb6: {  	s0 =	simm.s32 @!p0 $0x1  }
0xb7: {  	_ =	swait.ge @!p0 [sflag:s0], s1  }
0xb8: {  	s1 =	ssub.s32 @!p0 $0x0, s1;
	[sflag:s0] =	ssyncset.done @!p0 $0x0  }
0xb9: {  	[sflag:s0] =	ssyncadd.s32 @!p0 s1  }
0xba: {  	[bflag:$0x3] =	sbarrier.arrive $0xFFFF  }
0xbb: {  	_ =	shalt  }

// kernel: kernel.7.cloned.1.call-start
scs
__scs_entry_jumppad:
0x0: {  	(pc) =	sbr.rel $0x88, $3  }
0x1: {  	(tag) =	ssettag $0x0;
	lr =	simm.s32 $0x1  }
0x2: {  	[smem:$0x3F8F] =	sst lr;
	_ =	strace $0xD0000000  }
0x3: {  	_ = 	snop  }
0x4: {  	_ = 	snop  }
0x5: {  	_ = 	snop  }
0x6: {  	_ = 	snop  }
0x7: {  	_ = 	snop  }
__scs_overlays_trampoline_lowered:
0x8: {  	[smem:$0x3F9E] =	sst s0  }
0x9: {  	[smem:$0x3F9F] =	sst s1  }
0xa: {  	[smem:$0x3FA0] =	sst s2  }
0xb: {  	[smem:$0x3FA1] =	sst s3  }
0xc: {  	[smem:$0x3FA2] =	sst s4  }
0xd: {  	[smem:$0x3FA3] =	sst s5  }
0xe: {  	[smem:$0x3FA4] =	sst s6  }
0xf: {  	[smem:$0x3FA5] =	sst s7  }
0x10: {  	[smem:$0x3FA6] =	sst s8  }
0x11: {  	[smem:$0x3FA7] =	sst s9;
	s0 =	simm.s32 @!p0 $0x0  }
0x12: {  	s1 =	sld [smem:$0x3F8D];
	s0 =	simm.s32 @p0 $0x1  }
0x13: {  	[smem:$0x3FA8] =	sst s0;
	s0 =	simm.s32 @!p1 $0x0  }
0x14: {  	s2 =	sld [smem:$0x3F8C];
	s0 =	simm.s32 @p1 $0x1  }
0x15: {  	[smem:$0x3FA9] =	sst s0;
	s0 =	simm.s32 @!p2 $0x0  }
0x16: {  	s3 =	sld [smem:$0x3FDB];
	s0 =	simm.s32 @p2 $0x1  }
0x17: {  	s4 =	simm.s32 $0x1BF5;
	[smem:$0x3FAB] =	sst s0  }
0x18: {  	s0 =	sld [smem:$0x3F8E];
	_ =	swait.ge [sflag:s4], $0x0  }
0x19: {  	s7 =	sld [smem:$0x3F8F]  }
0x1a: {  	s8 =	sadd.s32 $0xFFFFE003, lr  }
0x1b: {  	s9 =	sadd.s32 $0xFFFFFEF7, lr;
	s5 =	simm.s32 $0xFFFFFFFF;
	p2 =	slt.u32 s8, $0xFFFFF086  }
0x1c: {  	p1 =	slt.u32 s9, $0xF7A;
	s5 =	simm.s32 @!p2 $0x0  }
0x1d: {  	s5 =	simm.s32 @p1 $0x1;
	p0 =	seq.s32 s7, s2  }
0x1e: {  	s7 =	smul.u32 @!p0 $0xF7A, s2;
	p2 =	seq.s32 @!p0 s5, $0x0  }
0x1f: {  	s9 =	smul.u32 $0xF7A, s1;
	s8 =	simm.s32 @!p0 $0x1BF5;
	p2 =	por !p2, p0  }
0x20: {  	[sflag:s8] =	ssyncset.s32 @!p0 $0xFFFFF086;
	s6 =	sadd.s32 @!p0 s3, s7;
	s7 =	simm.s32 @!p0 $0x108  }
0x21: {  	s3 =	sadd.s32 s3, s9;
	s6 =	sadd.s32 @!p0 $0x88, s6;
	s7 =	simm.s32 @p2 $0x1082  }
0x22: {  	[simem:s7], [sflag:s8] =	dma.local @!p0 [hbm:s6], $0xF7A  }
0x23: {  	s9 =	sor.u32 $0xD0000000, s2;
	s6 =	simm.s32 $0x108;
	_ =	swait.ge @!p0 [sflag:s8], $0x0  }
0x24: {  	s3 =	sadd.s32 $0x88, s3;
	s6 =	simm.s32 @!p1 $0x1082;
	[sflag:s4] =	ssyncset.s32 $0xFFFFF086  }
0x25: {  	[simem:s6], [sflag:s4] =	dma.local [hbm:s3], $0xF7A  }
0x26: {  	[smem:$0x3F8F] =	sst s1;
	(tag) =	ssettag s2;
	_ =	strace s9  }
0x27: {  	s1 =	sld [smem:$0x3F9F]  }
0x28: {  	s2 =	sld [smem:$0x3FA0]  }
0x29: {  	s4 =	sld [smem:$0x3FA2]  }
0x2a: {  	p0 =	seq.s32 s5, $0x0;
	s5 =	sld [smem:$0x3FA3]  }
0x2b: {  	s6 =	sld [smem:$0x3FA4]  }
0x2c: {  	s7 =	sld [smem:$0x3FA5]  }
0x2d: {  	s3 =	simm.s32 $0x108;
	s8 =	sld [smem:$0x3FA6]  }
0x2e: {  	s3 =	simm.s32 @!p0 $0x1082;
	s9 =	sld [smem:$0x3FA7]  }
0x2f: {  	lr =	sadd.s32 s0, s3;
	s0 =	sld [smem:$0x3F9E]  }
0x30: {  	s3 =	sld [smem:$0x3FA1]  }
0x31: {  	[smem:$0x3FAA] =	sst s10  }
0x32: {  	s10 =	sld [smem:$0x3FA8];
	_ =	sdelay $0x3  }
0x33: {  	p0 =	seq.s32 s10, $0x1;
	s10 =	sld [smem:$0x3FAA];
	_ =	sdelay $0x3  }
0x34: {  	[smem:$0x3FAA] =	sst s10  }
0x35: {  	s10 =	sld [smem:$0x3FA9];
	_ =	sdelay $0x3  }
0x36: {  	p1 =	seq.s32 s10, $0x1;
	s10 =	sld [smem:$0x3FAA];
	_ =	sdelay $0x3  }
0x37: {  	[smem:$0x3FAA] =	sst s10  }
0x38: {  	s10 =	sld [smem:$0x3FAB]  }
0x39: {  	_ = 	snop;
	(pc) =	sbr.ind lr, $3  }
0x3a: {  	_ = 	snop  }
0x3b: {  	_ = 	snop  }
0x3c: {  	p2 =	seq.s32 s10, $0x1;
	s10 =	sld [smem:$0x3FAA]  }
0x3d: {  	_ =	shalt  }
0x3e: {  	_ =	shalt  }
0x3f: {  	_ =	shalt  }
0x40: {  	_ =	shalt  }
0x41: {  	_ =	shalt  }
0x42: {  	_ =	shalt  }
0x43: {  	_ =	shalt  }
0x44: {  	_ =	shalt  }
0x45: {  	_ =	shalt  }
0x46: {  	_ =	shalt  }
0x47: {  	_ =	shalt  }
0x48: {  	_ =	shalt  }
0x49: {  	_ =	shalt  }
0x4a: {  	_ =	shalt  }
0x4b: {  	_ =	shalt  }
0x4c: {  	_ =	shalt  }
0x4d: {  	_ =	shalt  }
0x4e: {  	_ =	shalt  }
0x4f: {  	_ =	shalt  }
0x50: {  	_ =	shalt  }
0x51: {  	_ =	shalt  }
0x52: {  	_ =	shalt  }
0x53: {  	_ =	shalt  }
0x54: {  	_ =	shalt  }
0x55: {  	_ =	shalt  }
0x56: {  	_ =	shalt  }
0x57: {  	_ =	shalt  }
0x58: {  	_ =	shalt  }
0x59: {  	_ =	shalt  }
0x5a: {  	_ =	shalt  }
0x5b: {  	_ =	shalt  }
0x5c: {  	_ =	shalt  }
0x5d: {  	_ =	shalt  }
0x5e: {  	_ =	shalt  }
0x5f: {  	_ =	shalt  }
0x60: {  	_ =	shalt  }
0x61: {  	_ =	shalt  }
0x62: {  	_ =	shalt  }
0x63: {  	_ =	shalt  }
0x64: {  	_ =	shalt  }
0x65: {  	_ =	shalt  }
0x66: {  	_ =	shalt  }
0x67: {  	_ =	shalt  }
0x68: {  	_ =	shalt  }
0x69: {  	_ =	shalt  }
0x6a: {  	_ =	shalt  }
0x6b: {  	_ =	shalt  }
0x6c: {  	_ =	shalt  }
0x6d: {  	_ =	shalt  }
0x6e: {  	_ =	shalt  }
0x6f: {  	_ =	shalt  }
0x70: {  	_ =	shalt  }
0x71: {  	_ =	shalt  }
0x72: {  	_ =	shalt  }
0x73: {  	_ =	shalt  }
0x74: {  	_ =	shalt  }
0x75: {  	_ =	shalt  }
0x76: {  	_ =	shalt  }
0x77: {  	_ =	shalt  }
0x78: {  	_ =	shalt  }
0x79: {  	_ =	shalt  }
0x7a: {  	_ =	shalt  }
0x7b: {  	_ =	shalt  }
0x7c: {  	_ =	shalt  }
0x7d: {  	_ =	shalt  }
0x7e: {  	_ =	shalt  }
0x7f: {  	_ =	shalt  }
0x80: {  	_ =	shalt  }
0x81: {  	_ =	shalt  }
0x82: {  	_ =	shalt  }
0x83: {  	_ =	shalt  }
0x84: {  	_ =	shalt  }
0x85: {  	_ =	shalt  }
0x86: {  	_ =	shalt  }
0x87: {  	_ =	shalt  }
.Lfunc_end0:
.L_simem_size_0:
called_computation_lowered:
.L_overlay_start_0:
0x88: {  	s2 =	sld [smem:$0x3FD9]  }
0x89: {  	s3 =	sld [smem:$0x3FFE];
	_ =	sdelay $0x1  }
0x8a: {  	s1 =	srdreg.scid  }
0x8b: {  	s0 =	sand.u32 $0x1, s1  }
0x8c: {  	s17 =	sshll.u32 s0, $0xA;
	s2 =	sadd.s32 s3, s2  }
0x8d: {  	s2 =	sadd.s32 s2, s17  }
0x8e: {  	[smem:$0x3FB6] =	sst s2  }
0x8f: {  	_ = 	snop  }
0x90: {  	s2 =	sld [smem:$0x3FC9]  }
0x91: {  	s18 =	sld [smem:$0x3FD0];
	(tm) =	ssettm $0x1  }
0x92: {  	s4 =	sld [smem:$0x3FFB];
	_ =	sdelay $0x3  }
0x93: {  	_ =	strace s4  }
0x94: {  	s4 =	sld [smem:$0x3FFC];
	_ =	sdelay $0x3  }
0x95: {  	_ =	strace s4  }
0x96: {  	s4 =	sld [smem:$0x3FFD];
	_ =	sdelay $0x3  }
0x97: {  	_ =	strace s4  }
0x98: {  	_ =	strace $0x8FFFFFFF  }
0x99: {  	s19 =	sld [smem:$0x3FDB];
	_ =	sdelay $0x1  }
0x9a: {  	s5 =	simm.s32 $_scs_section_size  }
0x9b: {  	s6 =	simm.s32 $_size__tile_overlayer_lowered;
	s7 =	simm.s32 $_tile_overlayer_lowered  }
0x9c: {  	s22 =	simm.s32 $0x1BFF;
	s21 =	sshll.u32 s7, $0x1;
	s4 =	sadd.s32 s5, s19  }
0x9d: {  	s8 =	simm.s32 $0x0;
	s20 =	sshll.u32 s6, $0x1;
	s6 =	sadd.s32 s21, s4  }
0x9e: {  	[timem:s8], [sflag:s22] =	dma.local [hbm:s6], s20  }
0x9f: {  	_ =	swait.ge [sflag:s22], s20  }
0xa0: {  	s5 =	ssub.s32 $0x0, s20;
	[sflag:s22] =	ssyncset.done $0x0  }
0xa1: {  	[sflag:s22] =	ssyncadd.s32 s5;
	_ =	sdelay $0x1  }
0xa2: {  	s23 =	simm.s32 $0x1B8B  }
0xa3: {  	_ =	swait.ge [sflag:s23], $0x1  }
0xa4: {  	[sflag:s23] =	ssyncset.done $0x0  }
0xa5: {  	s25 =	simm.s32 $0x1B8E;
	s24 =	sld [smem:$0x3FFE];
	[sflag:s23] =	ssyncadd.s32 $0xFFFFFFFF  }
0xa6: {  	s26 =	simm.s32 $execute0_lowered;
	[smem:$0x3FD2] =	sst s25  }
0xa7: {  	s6 =	sshll.u32 s26, $0x1;
	_ =	strace $0x80000046;
	[dreg:$0x1] =	wrdreg $0xFFFFFFFF  }
0xa8: {  	s28 =	simm.s32 $_size_execute0_lowered;
	s4 =	sadd.s32 s4, s6;
	[dreg:$0x0] =	wrdreg $0x0  }
0xa9: {  	s6 =	sshll.u32 s28, $0x1;
	[dreg:$0x2] =	wrdreg s4  }
0xaa: {  	[dreg:$0x3] =	wrdreg s6  }
0xab: {  	[dreg:$0x4] =	wrdreg $0xC0  }
0xac: {  	_ =	task [dreg:s8], $0x5FFFF  }
0xad: {  	[dreg:$0x1] =	wrdreg $0xFFFFFFFF  }
0xae: {  	[dreg:$0x0] =	wrdreg $0x60  }
0xaf: {  	[dreg:$0x2] =	wrdreg s18  }
0xb0: {  	[dreg:$0x3] =	wrdreg s24  }
0xb1: {  	[dreg:$0x4] =	wrdreg s2  }
0xb2: {  	[dreg:$0x5] =	wrdreg $0x9  }
0xb3: {  	_ =	task.clear_ibuf [dreg:s8], $0x6FFFF;
	_ =	strace $0x90000046  }
0xb4: {  	s29 =	simm.s32 $0x9;
	_ =	strace $0x80000048  }
0xb5: {  	_ =	swait.ge [sflag:s29], $0x1  }
0xb6: {  	[sflag:s29] =	ssyncadd.s32 $0xFFFFFFFF  }
0xb7: {  	_ =	strace $0x90000048  }
0xb8: {  	_ =	sfence  }
0xb9: {  	s30 =	sld [smem:$0x0];
	_ =	sdelay $0x2  }
0xba: {  	s31 =	sshll.u32 s1, $0xD;
	s1 =	sshrl.u32 s1, $0x2  }
0xbb: {  	s3 =	sand.u32 $0x4000, s31;
	s1 =	sadd.s32 s1, s30  }
0xbc: {  	s0 =	sor.u32 s3, s0;
	s1 =	sshll.u32 s1, $0x11  }
0xbd: {  	s0 =	sor.u32 s1, s0  }
0xbe: {  	s0 =	sadd.s32 $0x8F2B, s0  }
0xbf: {  	[sflag:s0] =	ssyncadd.remote.s32 $0x1  }
0xc0: {  	_ =	sfence.sel $0xFFFF  }
0xc1: {  	[dreg:$0x0] =	wrdreg $0xFFFFFFFF;
	(pc) =	sbr.abs _section_cstart, $3  }
0xc2: {  	[dreg:$0x1] =	wrdreg $0xFFFFFFFF  }
0xc3: {  	_ =	task.clear_ibuf [dreg:s8], $0x2FFFF;
	_ =	strace $0x9FFFFFFF  }
0xc4: {  	(tm) =	ssettm $0x7FFFFFFF  }
0xc5: {  	_ =	shalt  }
tec
execute0_lowered:
.L_overlay_start_1:
0x0: {  	(tag) =	ssettag $0x1  }
0x1: {  	s3 =	rddreg [dreg:$0x0]  }
0x2: {  	s0 =	srdreg.scid;
	s1 =	rddreg [dreg:$0x1]  }
0x3: {  	s2 =	stileid.u32;
	s4 =	rddreg [dreg:$0x2]  }
0x4: {  	s5 =	simm.s32 $0x0;
	s30 =	simm.s32 $0x3;
	s0 =	sand.u32 $0x1, s0  }
0x5: {  	p0 =	por $0x0, $0x0;
	s2 =	sshll.u32 s2, $0xB;
	s6 =	sshll.u32 s0, $0xA  }
0x6: {  	[smem:$0x7FF] =	sst s5;
	s8 =	sadd.s32 $0xC6E00, s1;
	s6 =	sor.u32 s6, s2  }
0x7: {  	_ =	strace $0x80000047;
	s0 =	ssub.s32 $0x2, s0;
	s7 =	sshrl.u32 s6, $0x3  }
0x8: {  	s2 =	sadd.s32 $0x3800, s1;
	s28 =	sadd.s32 s4, s7;
	s29 =	sadd.s32 s8, s7  }
0x9: {  	s9 =	sor.u32 $0x10, s7;
	s11 =	sor.u32 $0x20, s7;
	[dreg:$0x4] =	wrdreg s28  }
0xa: {  	s14 =	sor.u32 $0x30, s7;
	s21 =	sor.u32 $0x60, s7;
	[dreg:$0x5] =	wrdreg s29  }
0xb: {  	s31 =	sadd.s32 s4, s9;
	s10 =	sadd.s32 s8, s9;
	s12 =	sadd.s32 s4, s11  }
0xc: {  	s13 =	sadd.s32 s8, s11;
	s15 =	sadd.s32 s4, s14;
	[dreg:$0x6] =	wrdreg s31  }
0xd: {  	s16 =	sadd.s32 s8, s14;
	s11 =	sor.u32 $0x50, s7;
	[dreg:$0x7] =	wrdreg s10  }
0xe: {  	s22 =	sadd.s32 s4, s21;
	s23 =	sadd.s32 s8, s21;
	[dreg:$0x8] =	wrdreg s12  }
0xf: {  	s7 =	sor.u32 $0x70, s7;
	s29 =	sshrl.u32 s0, $0x1;
	[dreg:$0x9] =	wrdreg s13  }
0x10: {  	s14 =	simm.s32 $0x800;
	s21 =	simm.s32 $0xC800;
	[dreg:$0xa] =	wrdreg s15  }
0x11: {  	s10 =	sor.u32 $0x200, s6;
	[dreg:$0xb] =	wrdreg s16;
	s19 =	sadd.s32 s4, s11  }
0x12: {  	s20 =	sadd.s32 s8, s11;
	s12 =	sadd.s32 $0xC7E00, s1;
	[dreg:$0x10] =	wrdreg s22  }
0x13: {  	[dreg:$0x11] =	wrdreg s23;
	s24 =	sadd.s32 s8, s7;
	s6 =	sshll.u32 s6, $0x4  }
0x14: {  	s1 =	sadd.s32 $0xC7E08, s1;
	s0 =	ssub.s32 s0, s29;
	[dreg:$0xe] =	wrdreg s19  }
0x15: {  	s22 =	simm.s32 $0xE800;
	s17 =	sshrl.u32 s10, $0x3;
	[dreg:$0xf] =	wrdreg s20  }
0x16: {  	[dreg:$0x13] =	wrdreg s24;
	s25 =	sadd.s32 s12, s6;
	s26 =	sshll.u32 s10, $0x4  }
0x17: {  	s31 =	sadd.s32 s6, s1;
	s0 =	smax.u32 s0, $0x1;
	s10 =	rddreg [dreg:$0x4]  }
0x18: {  	s20 =	simm.s32 $0xA800;
	s6 =	simm.s32 $0x2;
	[dreg:$0x14] =	wrdreg s25  }
0x19: {  	s18 =	sadd.s32 s4, s17;
	[dreg:$0x16] =	wrdreg s31;
	p1 =	sne.s32 s0, $0x1  }
.Ltmp0:
0x1a: {  	s9 =	sadd.s32 s8, s17;
	[dreg:$0xc] =	wrdreg s18;
	(pc) =	sbr.rel @!p1 .LBB2_4-.Ltmp0, $4  }
0x1b: {  	s4 =	sadd.s32 s4, s7;
	s28 =	sadd.s32 s12, s26;
	[dreg:$0xd] =	wrdreg s9  }
0x1c: {  	s1 =	sadd.s32 s26, s1;
	s0 =	sadd.s32 $0xFFFFFFFF, s0;
	[dreg:$0x12] =	wrdreg s4  }
0x1d: {  	s7 =	simm.s32 $0x1;
	s8 =	simm.s32 $0x40;
	[dreg:$0x15] =	wrdreg s28  }
0x1e: {  	[dreg:$0x17] =	wrdreg s1;
	s4 =	simm.s32 $0x80;
	s9 =	simm.s32 $0x8800  }
0x1f: {  	[tilespmem:s5], [sflag:$0x3] =	stream.linear.gather [hbm4b:s10+s5], $0x80, $0x38;
	[tilespmem:$0x10800] =	vst v63  }
0x20: {  	_ =	swait.ge [sflag:s30], $0x80  }
0x21: {  	[sflag:s30] =	ssyncset.done $0x0  }
0x22: {  	s17 =	simm.s32 $0x400;
	s13 =	rddreg [dreg:$0x5];
	[sflag:s30] =	ssyncadd.s32 $0xFFFFFF80  }
0x23: {  	[tilespmem:s17], [sflag:$0x3] =	stream.linear.gather [hbm4b:s13+s5], $0x80, $0x38;
	[tilespmem:$0x10800] =	vst v63  }
0x24: {  	_ =	swait.ge [sflag:s30], $0x80  }
0x25: {  	[sflag:s30] =	ssyncset.done $0x0  }
0x26: {  	s15 =	rddreg [dreg:$0x6];
	[sflag:s30] =	ssyncadd.s32 $0xFFFFFF80  }
0x27: {  	[tilespmem:s4], [sflag:$0x3] =	stream.linear.gather [hbm4b:s15+s5], $0x80, $0x38;
	[tilespmem:$0x10800] =	vst v63  }
0x28: {  	_ =	swait.ge [sflag:s30], $0x80  }
0x29: {  	[sflag:s30] =	ssyncset.done $0x0  }
0x2a: {  	s11 =	simm.s32 $0x480;
	s16 =	rddreg [dreg:$0x7];
	[sflag:s30] =	ssyncadd.s32 $0xFFFFFF80  }
0x2b: {  	[tilespmem:s11], [sflag:$0x3] =	stream.linear.gather [hbm4b:s16+s5], $0x80, $0x38;
	[tilespmem:$0x10800] =	vst v63  }
0x2c: {  	_ =	swait.ge [sflag:s30], $0x80  }
0x2d: {  	[sflag:s30] =	ssyncset.done $0x0  }
0x2e: {  	s26 =	simm.s32 $0x100;
	s18 =	rddreg [dreg:$0x8];
	[sflag:s30] =	ssyncadd.s32 $0xFFFFFF80  }
0x2f: {  	[tilespmem:s26], [sflag:$0x3] =	stream.linear.gather [hbm4b:s18+s5], $0x80, $0x38;
	[tilespmem:$0x10800] =	vst v63  }
0x30: {  	_ =	swait.ge [sflag:s30], $0x80  }
0x31: {  	[sflag:s30] =	ssyncset.done $0x0  }
0x32: {  	s12 =	simm.s32 $0x500;
	s19 =	rddreg [dreg:$0x9];
	[sflag:s30] =	ssyncadd.s32 $0xFFFFFF80  }
0x33: {  	[tilespmem:s12], [sflag:$0x3] =	stream.linear.gather [hbm4b:s19+s5], $0x80, $0x38;
	[tilespmem:$0x10800] =	vst v63  }
0x34: {  	_ =	swait.ge [sflag:s30], $0x80  }
0x35: {  	[sflag:s30] =	ssyncset.done $0x0  }
0x36: {  	s28 =	simm.s32 $0x180;
	s23 =	rddreg [dreg:$0xa];
	[sflag:s30] =	ssyncadd.s32 $0xFFFFFF80  }
0x37: {  	[tilespmem:s28], [sflag:$0x3] =	stream.linear.gather [hbm4b:s23+s5], $0x80, $0x38;
	[tilespmem:$0x10800] =	vst v63  }
0x38: {  	_ =	swait.ge [sflag:s30], $0x80  }
0x39: {  	[sflag:s30] =	ssyncset.done $0x0  }
0x3a: {  	s13 =	simm.s32 $0x580;
	s24 =	rddreg [dreg:$0xb];
	[sflag:s30] =	ssyncadd.s32 $0xFFFFFF80  }
0x3b: {  	[tilespmem:s13], [sflag:$0x3] =	stream.linear.gather [hbm4b:s24+s5], $0x80, $0x38;
	[tilespmem:$0x10800] =	vst v63  }
0x3c: {  	_ =	swait.ge [sflag:s30], $0x80  }
0x3d: {  	[sflag:s30] =	ssyncset.done $0x0  }
0x3e: {  	s16 =	simm.s32 $0x200;
	s25 =	rddreg [dreg:$0xc];
	[sflag:s30] =	ssyncadd.s32 $0xFFFFFF80  }
0x3f: {  	[tilespmem:s16], [sflag:$0x3] =	stream.linear.gather [hbm4b:s25+s5], $0x80, $0x38;
	[tilespmem:$0x10800] =	vst v63  }
0x40: {  	_ =	swait.ge [sflag:s30], $0x80  }
0x41: {  	[sflag:s30] =	ssyncset.done $0x0  }
0x42: {  	s18 =	simm.s32 $0x600;
	s29 =	rddreg [dreg:$0xd];
	[sflag:s30] =	ssyncadd.s32 $0xFFFFFF80  }
0x43: {  	[tilespmem:s18], [sflag:$0x3] =	stream.linear.gather [hbm4b:s29+s5], $0x80, $0x38;
	[tilespmem:$0x10800] =	vst v63  }
0x44: {  	_ =	swait.ge [sflag:s30], $0x80  }
0x45: {  	[sflag:s30] =	ssyncset.done $0x0  }
0x46: {  	s23 =	simm.s32 $0x280;
	s31 =	rddreg [dreg:$0xe];
	[sflag:s30] =	ssyncadd.s32 $0xFFFFFF80  }
0x47: {  	[tilespmem:s23], [sflag:$0x3] =	stream.linear.gather [hbm4b:s31+s5], $0x80, $0x38;
	[tilespmem:$0x10800] =	vst v63  }
0x48: {  	_ =	swait.ge [sflag:s30], $0x80  }
0x49: {  	[sflag:s30] =	ssyncset.done $0x0  }
0x4a: {  	s19 =	simm.s32 $0x680;
	s1 =	rddreg [dreg:$0xf];
	[sflag:s30] =	ssyncadd.s32 $0xFFFFFF80  }
0x4b: {  	[tilespmem:s19], [sflag:$0x3] =	stream.linear.gather [hbm4b:s1+s5], $0x80, $0x38;
	[tilespmem:$0x10800] =	vst v63  }
0x4c: {  	_ =	swait.ge [sflag:s30], $0x80  }
0x4d: {  	[sflag:s30] =	ssyncset.done $0x0  }
0x4e: {  	s24 =	simm.s32 $0x300;
	s15 =	rddreg [dreg:$0x10];
	[sflag:s30] =	ssyncadd.s32 $0xFFFFFF80  }
0x4f: {  	[tilespmem:s24], [sflag:$0x3] =	stream.linear.gather [hbm4b:s15+s5], $0x80, $0x38;
	[tilespmem:$0x10800] =	vst v63  }
0x50: {  	_ =	swait.ge [sflag:s30], $0x80  }
0x51: {  	[sflag:s30] =	ssyncset.done $0x0  }
0x52: {  	s15 =	simm.s32 $0x700;
	s25 =	rddreg [dreg:$0x11];
	[sflag:s30] =	ssyncadd.s32 $0xFFFFFF80  }
0x53: {  	[tilespmem:s15], [sflag:$0x3] =	stream.linear.gather [hbm4b:s25+s5], $0x80, $0x38;
	[tilespmem:$0x10800] =	vst v63  }
0x54: {  	_ =	swait.ge [sflag:s30], $0x80  }
0x55: {  	[sflag:s30] =	ssyncset.done $0x0  }
0x56: {  	s25 =	simm.s32 $0x380;
	s29 =	rddreg [dreg:$0x12];
	[sflag:s30] =	ssyncadd.s32 $0xFFFFFF80  }
0x57: {  	[tilespmem:s25], [sflag:$0x3] =	stream.linear.gather [hbm4b:s29+s5], $0x80, $0x38;
	[tilespmem:$0x10800] =	vst v63  }
0x58: {  	_ =	swait.ge [sflag:s30], $0x80  }
0x59: {  	[sflag:s30] =	ssyncset.done $0x0  }
0x5a: {  	s1 =	simm.s32 $0x780;
	s31 =	rddreg [dreg:$0x13];
	[sflag:s30] =	ssyncadd.s32 $0xFFFFFF80  }
0x5b: {  	[tilespmem:s1], [sflag:$0x3] =	stream.linear.gather [hbm4b:s31+s5], $0x80, $0x38;
	[tilespmem:$0x10800] =	vst v63  }
0x5c: {  	_ =	swait.ge [sflag:s30], $0x80  }
0x5d: {  	[sflag:s30] =	ssyncset.done $0x0  }
0x5e: {  	[sflag:s30] =	ssyncadd.s32 $0xFFFFFF80  }
0x5f: {  	[tilespmem:s14], [sflag:$0x1] =	stream.indirect.gather [hbm4b:s3+s4], $0x40, s5, s4, $0xb8;
	[tilespmem:$0x10800] =	vst v63  }
0x60: {  	s29 =	simm.s32 $0x2800  }
0x61: {  	[tilespmem:s29], [sflag:$0x1] =	stream.indirect.gather [hbm4b:s3+s4], $0x40, s4, s4, $0xb8;
	[tilespmem:$0x10800] =	vst v63  }
0x62: {  	s31 =	simm.s32 $0x4800  }
0x63: {  	[tilespmem:s31], [sflag:$0x1] =	stream.indirect.gather [hbm4b:s3+s4], $0x40, s26, s4, $0xb8;
	[tilespmem:$0x10800] =	vst v63  }
0x64: {  	s26 =	simm.s32 $0x6800  }
0x65: {  	[tilespmem:s26], [sflag:$0x1] =	stream.indirect.gather [hbm4b:s3+s4], $0x40, s28, s4, $0xb8;
	[tilespmem:$0x10800] =	vst v63  }
0x66: {  	_ =	swait.ge [sflag:s7], $0x2000  }
0x67: {  	[sflag:s7] =	ssyncset.done $0x0  }
0x68: {  	[sflag:s7] =	ssyncadd.s32 $0xFFFFE000  }
0x69: {  	_ =	swait.ge [sflag:s7], $0x2000  }
0x6a: {  	[sflag:s7] =	ssyncset.done $0x0  }
0x6b: {  	[sflag:s7] =	ssyncadd.s32 $0xFFFFE000  }
0x6c: {  	_ =	swait.ge [sflag:s7], $0x2000  }
0x6d: {  	[sflag:s7] =	ssyncset.done $0x0  }
0x6e: {  	[sflag:s7] =	ssyncadd.s32 $0xFFFFE000  }
0x6f: {  	_ =	swait.ge [sflag:s7], $0x2000  }
0x70: {  	[sflag:s7] =	ssyncset.done $0x0  }
0x71: {  	s28 =	rddreg [dreg:$0x14];
	[sflag:s7] =	ssyncadd.s32 $0xFFFFE000  }
0x72: {  	[hbm4b:s28+s8] =	stream.strided.scatter [tilespmem:s14], [sflag:$0x2], $0x8000, s4, s8, $0x38;
	[tilespmem:$0x10800] =	vst v63  }
0x73: {  	_ = 	snop  }
0x74: {  	[tilespmem:s9], [sflag:$0x1] =	stream.indirect.gather [hbm4b:s3+s4], $0x40, s16, s4, $0xb8;
	[tilespmem:$0x10800] =	vst v63  }
0x75: {  	_ = 	snop  }
0x76: {  	[tilespmem:s20], [sflag:$0x1] =	stream.indirect.gather [hbm4b:s3+s4], $0x40, s23, s4, $0xb8;
	[tilespmem:$0x10800] =	vst v63  }
0x77: {  	_ = 	snop  }
0x78: {  	[tilespmem:s21], [sflag:$0x1] =	stream.indirect.gather [hbm4b:s3+s4], $0x40, s24, s4, $0xb8;
	[tilespmem:$0x10800] =	vst v63  }
0x79: {  	_ = 	snop  }
0x7a: {  	[tilespmem:s22], [sflag:$0x1] =	stream.indirect.gather [hbm4b:s3+s4], $0x40, s25, s4, $0xb8;
	[tilespmem:$0x10800] =	vst v63  }
0x7b: {  	_ =	swait.ge [sflag:s7], $0x2000  }
0x7c: {  	[sflag:s7] =	ssyncset.done $0x0  }
0x7d: {  	[sflag:s7] =	ssyncadd.s32 $0xFFFFE000  }
0x7e: {  	_ =	swait.ge [sflag:s7], $0x2000  }
0x7f: {  	[sflag:s7] =	ssyncset.done $0x0  }
0x80: {  	[sflag:s7] =	ssyncadd.s32 $0xFFFFE000  }
0x81: {  	_ =	swait.ge [sflag:s7], $0x2000  }
0x82: {  	[sflag:s7] =	ssyncset.done $0x0  }
0x83: {  	[sflag:s7] =	ssyncadd.s32 $0xFFFFE000  }
0x84: {  	_ =	swait.ge [sflag:s7], $0x2000  }
0x85: {  	[sflag:s7] =	ssyncset.done $0x0  }
0x86: {  	s28 =	rddreg [dreg:$0x15];
	[sflag:s7] =	ssyncadd.s32 $0xFFFFE000  }
0x87: {  	[hbm4b:s28+s8] =	stream.strided.scatter [tilespmem:s9], [sflag:$0x2], $0x8000, s4, s8, $0x38;
	[tilespmem:$0x10800] =	vst v63  }
0x88: {  	_ =	swait.ge [sflag:s6], $0x8000  }
0x89: {  	[sflag:s6] =	ssyncset.done $0x0  }
0x8a: {  	[sflag:s6] =	ssyncadd.s32 $0xFFFF8000  }
0x8b: {  	[tilespmem:s14], [sflag:$0x1] =	stream.indirect.gather [hbm4b:s2+s4], $0x40, s17, s4, $0xb8;
	[tilespmem:$0x10800] =	vst v63  }
0x8c: {  	_ = 	snop  }
0x8d: {  	[tilespmem:s29], [sflag:$0x1] =	stream.indirect.gather [hbm4b:s2+s4], $0x40, s11, s4, $0xb8;
	[tilespmem:$0x10800] =	vst v63  }
0x8e: {  	_ = 	snop  }
0x8f: {  	[tilespmem:s31], [sflag:$0x1] =	stream.indirect.gather [hbm4b:s2+s4], $0x40, s12, s4, $0xb8;
	[tilespmem:$0x10800] =	vst v63  }
0x90: {  	_ = 	snop  }
0x91: {  	[tilespmem:s26], [sflag:$0x1] =	stream.indirect.gather [hbm4b:s2+s4], $0x40, s13, s4, $0xb8;
	[tilespmem:$0x10800] =	vst v63  }
0x92: {  	_ =	swait.ge [sflag:s7], $0x2000  }
0x93: {  	[sflag:s7] =	ssyncset.done $0x0  }
0x94: {  	[sflag:s7] =	ssyncadd.s32 $0xFFFFE000  }
0x95: {  	_ =	swait.ge [sflag:s7], $0x2000  }
0x96: {  	[sflag:s7] =	ssyncset.done $0x0  }
0x97: {  	[sflag:s7] =	ssyncadd.s32 $0xFFFFE000  }
0x98: {  	_ =	swait.ge [sflag:s7], $0x2000  }
0x99: {  	[sflag:s7] =	ssyncset.done $0x0  }
0x9a: {  	[sflag:s7] =	ssyncadd.s32 $0xFFFFE000  }
0x9b: {  	_ =	swait.ge [sflag:s7], $0x2000  }
0x9c: {  	[sflag:s7] =	ssyncset.done $0x0  }
0x9d: {  	s29 =	rddreg [dreg:$0x16];
	[sflag:s7] =	ssyncadd.s32 $0xFFFFE000  }
0x9e: {  	[hbm4b:s29+s8] =	stream.strided.scatter [tilespmem:s14], [sflag:$0x2], $0x8000, s4, s8, $0x38;
	[tilespmem:$0x10800] =	vst v63  }
0x9f: {  	_ =	swait.ge [sflag:s6], $0x8000  }
0xa0: {  	[sflag:s6] =	ssyncset.done $0x0  }
0xa1: {  	[sflag:s6] =	ssyncadd.s32 $0xFFFF8000  }
0xa2: {  	[tilespmem:s9], [sflag:$0x1] =	stream.indirect.gather [hbm4b:s2+s4], $0x40, s18, s4, $0xb8;
	[tilespmem:$0x10800] =	vst v63  }
0xa3: {  	_ = 	snop  }
0xa4: {  	[tilespmem:s20], [sflag:$0x1] =	stream.indirect.gather [hbm4b:s2+s4], $0x40, s19, s4, $0xb8;
	[tilespmem:$0x10800] =	vst v63  }
0xa5: {  	_ = 	snop  }
0xa6: {  	[tilespmem:s21], [sflag:$0x1] =	stream.indirect.gather [hbm4b:s2+s4], $0x40, s15, s4, $0xb8;
	[tilespmem:$0x10800] =	vst v63  }
0xa7: {  	_ = 	snop  }
0xa8: {  	[tilespmem:s22], [sflag:$0x1] =	stream.indirect.gather [hbm4b:s2+s4], $0x40, s1, s4, $0xb8;
	[tilespmem:$0x10800] =	vst v63  }
0xa9: {  	_ =	swait.ge [sflag:s7], $0x2000  }
0xaa: {  	[sflag:s7] =	ssyncset.done $0x0  }
0xab: {  	[sflag:s7] =	ssyncadd.s32 $0xFFFFE000  }
0xac: {  	_ =	swait.ge [sflag:s7], $0x2000  }
0xad: {  	[sflag:s7] =	ssyncset.done $0x0  }
0xae: {  	[sflag:s7] =	ssyncadd.s32 $0xFFFFE000  }
0xaf: {  	_ =	swait.ge [sflag:s7], $0x2000  }
0xb0: {  	[sflag:s7] =	ssyncset.done $0x0  }
0xb1: {  	[sflag:s7] =	ssyncadd.s32 $0xFFFFE000  }
0xb2: {  	_ =	swait.ge [sflag:s7], $0x2000  }
0xb3: {  	[sflag:s7] =	ssyncset.done $0x0  }
0xb4: {  	p1 =	sne.s32 s0, $0x1;
	s31 =	rddreg [dreg:$0x17];
	[sflag:s7] =	ssyncadd.s32 $0xFFFFE000  }
0xb5: {  	[hbm4b:s31+s8] =	stream.strided.scatter [tilespmem:s9], [sflag:$0x2], $0x8000, s4, s8, $0x38;
	[tilespmem:$0x10800] =	vst v63  }
.Ltmp1:
0xb6: {  	_ =	swait.ge [sflag:s6], $0x8000;
	(pc) =	sbr.rel @!p1 .LBB2_4-.Ltmp1, $4  }
0xb7: {  	[sflag:s6] =	ssyncset.done $0x0  }
0xb8: {  	[sflag:s6] =	ssyncadd.s32 $0xFFFF8000  }
0xb9: {  	s0 =	sadd.s32 $0xFFFFFFFF, s0;
	_ =	swait.ge [sflag:s6], $0x8000  }
0xba: {  	p0 =	por $0x1, $0x1;
	s10 =	rddreg [dreg:$0x4];
	[sflag:s6] =	ssyncset.done $0x0  }
0xbb: {  	s17 =	simm.s32 $0x400;
	s11 =	simm.s32 $0x480;
	s12 =	simm.s32 $0x500  }
0xbc: {  	s28 =	simm.s32 $0x180;
	s13 =	simm.s32 $0x580;
	s16 =	simm.s32 $0x200  }
0xbd: {  	s18 =	simm.s32 $0x600;
	s23 =	simm.s32 $0x280;
	s19 =	simm.s32 $0x680  }
0xbe: {  	s24 =	simm.s32 $0x300;
	s15 =	simm.s32 $0x700;
	s25 =	simm.s32 $0x380  }
0xbf: {  	s1 =	simm.s32 $0x780;
	s29 =	simm.s32 $0x2800;
	s31 =	simm.s32 $0x4800  }
.LBB2_3:
0xc0: {  	[sflag:s6] =	ssyncadd.s32 $0xFFFF8000  }
0xc1: {  	[tilespmem:s5], [sflag:$0x3] =	stream.linear.gather [hbm4b:s10+s5], $0x80, $0x38;
	[tilespmem:$0x10800] =	vst v63  }
0xc2: {  	_ =	swait.ge [sflag:s30], $0x80  }
0xc3: {  	[sflag:s30] =	ssyncset.done $0x0  }
0xc4: {  	s26 =	rddreg [dreg:$0x5];
	[sflag:s30] =	ssyncadd.s32 $0xFFFFFF80  }
0xc5: {  	[tilespmem:s17], [sflag:$0x3] =	stream.linear.gather [hbm4b:s26+s5], $0x80, $0x38;
	[tilespmem:$0x10800] =	vst v63  }
0xc6: {  	_ =	swait.ge [sflag:s30], $0x80  }
0xc7: {  	[sflag:s30] =	ssyncset.done $0x0  }
0xc8: {  	s26 =	rddreg [dreg:$0x6];
	[sflag:s30] =	ssyncadd.s32 $0xFFFFFF80  }
0xc9: {  	[tilespmem:s4], [sflag:$0x3] =	stream.linear.gather [hbm4b:s26+s5], $0x80, $0x38;
	[tilespmem:$0x10800] =	vst v63  }
0xca: {  	_ =	swait.ge [sflag:s30], $0x80  }
0xcb: {  	[sflag:s30] =	ssyncset.done $0x0  }
0xcc: {  	s26 =	rddreg [dreg:$0x7];
	[sflag:s30] =	ssyncadd.s32 $0xFFFFFF80  }
0xcd: {  	[tilespmem:s11], [sflag:$0x3] =	stream.linear.gather [hbm4b:s26+s5], $0x80, $0x38;
	[tilespmem:$0x10800] =	vst v63  }
0xce: {  	_ =	swait.ge [sflag:s30], $0x80  }
0xcf: {  	[sflag:s30] =	ssyncset.done $0x0  }
0xd0: {  	s26 =	simm.s32 $0x100;
	s10 =	rddreg [dreg:$0x8];
	[sflag:s30] =	ssyncadd.s32 $0xFFFFFF80  }
0xd1: {  	[tilespmem:s26], [sflag:$0x3] =	stream.linear.gather [hbm4b:s10+s5], $0x80, $0x38;
	[tilespmem:$0x10800] =	vst v63  }
0xd2: {  	_ =	swait.ge [sflag:s30], $0x80  }
0xd3: {  	[sflag:s30] =	ssyncset.done $0x0  }
0xd4: {  	s10 =	rddreg [dreg:$0x9];
	[sflag:s30] =	ssyncadd.s32 $0xFFFFFF80  }
0xd5: {  	[tilespmem:s12], [sflag:$0x3] =	stream.linear.gather [hbm4b:s10+s5], $0x80, $0x38;
	[tilespmem:$0x10800] =	vst v63  }
0xd6: {  	_ =	swait.ge [sflag:s30], $0x80  }
0xd7: {  	[sflag:s30] =	ssyncset.done $0x0  }
0xd8: {  	s10 =	rddreg [dreg:$0xa];
	[sflag:s30] =	ssyncadd.s32 $0xFFFFFF80  }
0xd9: {  	[tilespmem:s28], [sflag:$0x3] =	stream.linear.gather [hbm4b:s10+s5], $0x80, $0x38;
	[tilespmem:$0x10800] =	vst v63  }
0xda: {  	_ =	swait.ge [sflag:s30], $0x80  }
0xdb: {  	[sflag:s30] =	ssyncset.done $0x0  }
0xdc: {  	s10 =	rddreg [dreg:$0xb];
	[sflag:s30] =	ssyncadd.s32 $0xFFFFFF80  }
0xdd: {  	[tilespmem:s13], [sflag:$0x3] =	stream.linear.gather [hbm4b:s10+s5], $0x80, $0x38;
	[tilespmem:$0x10800] =	vst v63  }
0xde: {  	_ =	swait.ge [sflag:s30], $0x80  }
0xdf: {  	[sflag:s30] =	ssyncset.done $0x0  }
0xe0: {  	s10 =	rddreg [dreg:$0xc];
	[sflag:s30] =	ssyncadd.s32 $0xFFFFFF80  }
0xe1: {  	[tilespmem:s16], [sflag:$0x3] =	stream.linear.gather [hbm4b:s10+s5], $0x80, $0x38;
	[tilespmem:$0x10800] =	vst v63  }
0xe2: {  	_ =	swait.ge [sflag:s30], $0x80  }
0xe3: {  	[sflag:s30] =	ssyncset.done $0x0  }
0xe4: {  	s10 =	rddreg [dreg:$0xd];
	[sflag:s30] =	ssyncadd.s32 $0xFFFFFF80  }
0xe5: {  	[tilespmem:s18], [sflag:$0x3] =	stream.linear.gather [hbm4b:s10+s5], $0x80, $0x38;
	[tilespmem:$0x10800] =	vst v63  }
0xe6: {  	_ =	swait.ge [sflag:s30], $0x80  }
0xe7: {  	[sflag:s30] =	ssyncset.done $0x0  }
0xe8: {  	s10 =	rddreg [dreg:$0xe];
	[sflag:s30] =	ssyncadd.s32 $0xFFFFFF80  }
0xe9: {  	[tilespmem:s23], [sflag:$0x3] =	stream.linear.gather [hbm4b:s10+s5], $0x80, $0x38;
	[tilespmem:$0x10800] =	vst v63  }
0xea: {  	_ =	swait.ge [sflag:s30], $0x80  }
0xeb: {  	[sflag:s30] =	ssyncset.done $0x0  }
0xec: {  	s10 =	rddreg [dreg:$0xf];
	[sflag:s30] =	ssyncadd.s32 $0xFFFFFF80  }
0xed: {  	[tilespmem:s19], [sflag:$0x3] =	stream.linear.gather [hbm4b:s10+s5], $0x80, $0x38;
	[tilespmem:$0x10800] =	vst v63  }
0xee: {  	_ =	swait.ge [sflag:s30], $0x80  }
0xef: {  	[sflag:s30] =	ssyncset.done $0x0  }
0xf0: {  	s10 =	rddreg [dreg:$0x10];
	[sflag:s30] =	ssyncadd.s32 $0xFFFFFF80  }
0xf1: {  	[tilespmem:s24], [sflag:$0x3] =	stream.linear.gather [hbm4b:s10+s5], $0x80, $0x38;
	[tilespmem:$0x10800] =	vst v63  }
0xf2: {  	_ =	swait.ge [sflag:s30], $0x80  }
0xf3: {  	[sflag:s30] =	ssyncset.done $0x0  }
0xf4: {  	s10 =	rddreg [dreg:$0x11];
	[sflag:s30] =	ssyncadd.s32 $0xFFFFFF80  }
0xf5: {  	[tilespmem:s15], [sflag:$0x3] =	stream.linear.gather [hbm4b:s10+s5], $0x80, $0x38;
	[tilespmem:$0x10800] =	vst v63  }
0xf6: {  	_ =	swait.ge [sflag:s30], $0x80  }
0xf7: {  	[sflag:s30] =	ssyncset.done $0x0  }
0xf8: {  	s10 =	rddreg [dreg:$0x12];
	[sflag:s30] =	ssyncadd.s32 $0xFFFFFF80  }
0xf9: {  	[tilespmem:s25], [sflag:$0x3] =	stream.linear.gather [hbm4b:s10+s5], $0x80, $0x38;
	[tilespmem:$0x10800] =	vst v63  }
0xfa: {  	_ =	swait.ge [sflag:s30], $0x80  }
0xfb: {  	[sflag:s30] =	ssyncset.done $0x0  }
0xfc: {  	s10 =	rddreg [dreg:$0x13];
	[sflag:s30] =	ssyncadd.s32 $0xFFFFFF80  }
0xfd: {  	[tilespmem:s1], [sflag:$0x3] =	stream.linear.gather [hbm4b:s10+s5], $0x80, $0x38;
	[tilespmem:$0x10800] =	vst v63  }
0xfe: {  	_ =	swait.ge [sflag:s30], $0x80  }
0xff: {  	[sflag:s30] =	ssyncset.done $0x0  }
0x100: {  	[sflag:s30] =	ssyncadd.s32 $0xFFFFFF80  }
0x101: {  	[tilespmem:s14], [sflag:$0x1] =	stream.indirect.gather [hbm4b:s3+s4], $0x40, s5, s4, $0xb8;
	[tilespmem:$0x10800] =	vst v63  }
0x102: {  	_ = 	snop  }
0x103: {  	[tilespmem:s29], [sflag:$0x1] =	stream.indirect.gather [hbm4b:s3+s4], $0x40, s4, s4, $0xb8;
	[tilespmem:$0x10800] =	vst v63  }
0x104: {  	_ = 	snop  }
0x105: {  	[tilespmem:s31], [sflag:$0x1] =	stream.indirect.gather [hbm4b:s3+s4], $0x40, s26, s4, $0xb8;
	[tilespmem:$0x10800] =	vst v63  }
0x106: {  	s26 =	simm.s32 $0x6800  }
0x107: {  	[tilespmem:s26], [sflag:$0x1] =	stream.indirect.gather [hbm4b:s3+s4], $0x40, s28, s4, $0xb8;
	[tilespmem:$0x10800] =	vst v63  }
0x108: {  	_ =	swait.ge [sflag:s7], $0x2000  }
0x109: {  	[sflag:s7] =	ssyncset.done $0x0  }
0x10a: {  	[sflag:s7] =	ssyncadd.s32 $0xFFFFE000  }
0x10b: {  	_ =	swait.ge [sflag:s7], $0x2000  }
0x10c: {  	[sflag:s7] =	ssyncset.done $0x0  }
0x10d: {  	[sflag:s7] =	ssyncadd.s32 $0xFFFFE000  }
0x10e: {  	_ =	swait.ge [sflag:s7], $0x2000  }
0x10f: {  	[sflag:s7] =	ssyncset.done $0x0  }
0x110: {  	[sflag:s7] =	ssyncadd.s32 $0xFFFFE000  }
0x111: {  	_ =	swait.ge [sflag:s7], $0x2000  }
0x112: {  	[sflag:s7] =	ssyncset.done $0x0  }
0x113: {  	s10 =	rddreg [dreg:$0x14];
	[sflag:s7] =	ssyncadd.s32 $0xFFFFE000  }
0x114: {  	[hbm4b:s10+s8] =	stream.strided.scatter [tilespmem:s14], [sflag:$0x2], $0x8000, s4, s8, $0x38;
	[tilespmem:$0x10800] =	vst v63  }
0x115: {  	_ = 	snop  }
0x116: {  	[tilespmem:s9], [sflag:$0x1] =	stream.indirect.gather [hbm4b:s3+s4], $0x40, s16, s4, $0xb8;
	[tilespmem:$0x10800] =	vst v63  }
0x117: {  	_ = 	snop  }
0x118: {  	[tilespmem:s20], [sflag:$0x1] =	stream.indirect.gather [hbm4b:s3+s4], $0x40, s23, s4, $0xb8;
	[tilespmem:$0x10800] =	vst v63  }
0x119: {  	_ = 	snop  }
0x11a: {  	[tilespmem:s21], [sflag:$0x1] =	stream.indirect.gather [hbm4b:s3+s4], $0x40, s24, s4, $0xb8;
	[tilespmem:$0x10800] =	vst v63  }
0x11b: {  	_ = 	snop  }
0x11c: {  	[tilespmem:s22], [sflag:$0x1] =	stream.indirect.gather [hbm4b:s3+s4], $0x40, s25, s4, $0xb8;
	[tilespmem:$0x10800] =	vst v63  }
0x11d: {  	_ =	swait.ge [sflag:s7], $0x2000  }
0x11e: {  	[sflag:s7] =	ssyncset.done $0x0  }
0x11f: {  	[sflag:s7] =	ssyncadd.s32 $0xFFFFE000  }
0x120: {  	_ =	swait.ge [sflag:s7], $0x2000  }
0x121: {  	[sflag:s7] =	ssyncset.done $0x0  }
0x122: {  	[sflag:s7] =	ssyncadd.s32 $0xFFFFE000  }
0x123: {  	_ =	swait.ge [sflag:s7], $0x2000  }
0x124: {  	[sflag:s7] =	ssyncset.done $0x0  }
0x125: {  	[sflag:s7] =	ssyncadd.s32 $0xFFFFE000  }
0x126: {  	_ =	swait.ge [sflag:s7], $0x2000  }
0x127: {  	[sflag:s7] =	ssyncset.done $0x0  }
0x128: {  	s10 =	rddreg [dreg:$0x15];
	[sflag:s7] =	ssyncadd.s32 $0xFFFFE000  }
0x129: {  	[hbm4b:s10+s8] =	stream.strided.scatter [tilespmem:s9], [sflag:$0x2], $0x8000, s4, s8, $0x38;
	[tilespmem:$0x10800] =	vst v63  }
0x12a: {  	_ =	swait.ge [sflag:s6], $0x8000  }
0x12b: {  	[sflag:s6] =	ssyncset.done $0x0  }
0x12c: {  	[sflag:s6] =	ssyncadd.s32 $0xFFFF8000  }
0x12d: {  	[tilespmem:s14], [sflag:$0x1] =	stream.indirect.gather [hbm4b:s2+s4], $0x40, s17, s4, $0xb8;
	[tilespmem:$0x10800] =	vst v63  }
0x12e: {  	_ = 	snop  }
0x12f: {  	[tilespmem:s29], [sflag:$0x1] =	stream.indirect.gather [hbm4b:s2+s4], $0x40, s11, s4, $0xb8;
	[tilespmem:$0x10800] =	vst v63  }
0x130: {  	_ = 	snop  }
0x131: {  	[tilespmem:s31], [sflag:$0x1] =	stream.indirect.gather [hbm4b:s2+s4], $0x40, s12, s4, $0xb8;
	[tilespmem:$0x10800] =	vst v63  }
0x132: {  	_ = 	snop  }
0x133: {  	[tilespmem:s26], [sflag:$0x1] =	stream.indirect.gather [hbm4b:s2+s4], $0x40, s13, s4, $0xb8;
	[tilespmem:$0x10800] =	vst v63  }
0x134: {  	_ =	swait.ge [sflag:s7], $0x2000  }
0x135: {  	[sflag:s7] =	ssyncset.done $0x0  }
0x136: {  	[sflag:s7] =	ssyncadd.s32 $0xFFFFE000  }
0x137: {  	_ =	swait.ge [sflag:s7], $0x2000  }
0x138: {  	[sflag:s7] =	ssyncset.done $0x0  }
0x139: {  	[sflag:s7] =	ssyncadd.s32 $0xFFFFE000  }
0x13a: {  	_ =	swait.ge [sflag:s7], $0x2000  }
0x13b: {  	[sflag:s7] =	ssyncset.done $0x0  }
0x13c: {  	[sflag:s7] =	ssyncadd.s32 $0xFFFFE000  }
0x13d: {  	_ =	swait.ge [sflag:s7], $0x2000  }
0x13e: {  	[sflag:s7] =	ssyncset.done $0x0  }
0x13f: {  	s26 =	rddreg [dreg:$0x16];
	[sflag:s7] =	ssyncadd.s32 $0xFFFFE000  }
0x140: {  	[hbm4b:s26+s8] =	stream.strided.scatter [tilespmem:s14], [sflag:$0x2], $0x8000, s4, s8, $0x38;
	[tilespmem:$0x10800] =	vst v63  }
0x141: {  	_ =	swait.ge [sflag:s6], $0x8000  }
0x142: {  	[sflag:s6] =	ssyncset.done $0x0  }
0x143: {  	[sflag:s6] =	ssyncadd.s32 $0xFFFF8000  }
0x144: {  	[tilespmem:s9], [sflag:$0x1] =	stream.indirect.gather [hbm4b:s2+s4], $0x40, s18, s4, $0xb8;
	[tilespmem:$0x10800] =	vst v63  }
0x145: {  	_ = 	snop  }
0x146: {  	[tilespmem:s20], [sflag:$0x1] =	stream.indirect.gather [hbm4b:s2+s4], $0x40, s19, s4, $0xb8;
	[tilespmem:$0x10800] =	vst v63  }
0x147: {  	_ = 	snop  }
0x148: {  	[tilespmem:s21], [sflag:$0x1] =	stream.indirect.gather [hbm4b:s2+s4], $0x40, s15, s4, $0xb8;
	[tilespmem:$0x10800] =	vst v63  }
0x149: {  	_ = 	snop  }
0x14a: {  	[tilespmem:s22], [sflag:$0x1] =	stream.indirect.gather [hbm4b:s2+s4], $0x40, s1, s4, $0xb8;
	[tilespmem:$0x10800] =	vst v63  }
0x14b: {  	_ =	swait.ge [sflag:s7], $0x2000  }
0x14c: {  	[sflag:s7] =	ssyncset.done $0x0  }
0x14d: {  	[sflag:s7] =	ssyncadd.s32 $0xFFFFE000  }
0x14e: {  	_ =	swait.ge [sflag:s7], $0x2000  }
0x14f: {  	[sflag:s7] =	ssyncset.done $0x0  }
0x150: {  	[sflag:s7] =	ssyncadd.s32 $0xFFFFE000  }
0x151: {  	_ =	swait.ge [sflag:s7], $0x2000  }
0x152: {  	[sflag:s7] =	ssyncset.done $0x0  }
0x153: {  	[sflag:s7] =	ssyncadd.s32 $0xFFFFE000  }
0x154: {  	_ =	swait.ge [sflag:s7], $0x2000  }
0x155: {  	[sflag:s7] =	ssyncset.done $0x0  }
0x156: {  	p1 =	sne.s32 s0, $0x1;
	s26 =	rddreg [dreg:$0x17];
	[sflag:s7] =	ssyncadd.s32 $0xFFFFE000  }
0x157: {  	[hbm4b:s26+s8] =	stream.strided.scatter [tilespmem:s9], [sflag:$0x2], $0x8000, s4, s8, $0x38;
	[tilespmem:$0x10800] =	vst v63  }
.Ltmp2:
0x158: {  	_ =	swait.ge [sflag:s6], $0x8000;
	(pc) =	sbr.rel @p1 .LBB2_3-.Ltmp2, $4  }
0x159: {  	[sflag:s6] =	ssyncset.done $0x0  }
0x15a: {  	[sflag:s6] =	ssyncadd.s32 $0xFFFF8000  }
0x15b: {  	_ =	swait.ge [sflag:s6], $0x8000  }
0x15c: {  	s0 =	sadd.s32 $0xFFFFFFFF, s0;
	s10 =	rddreg [dreg:$0x4];
	[sflag:s6] =	ssyncset.done $0x0  }
.LBB2_4:
0x15d: {  	[sflag:s6] =	ssyncadd.s32 @p0 $0xFFFF8000  }
0x15e: {  	[tilespmem:s5], [sflag:$0x3] =	stream.linear.gather [hbm4b:s10+s5], $0x80, $0x38;
	[tilespmem:$0x10800] =	vst v63  }
0x15f: {  	_ =	swait.ge [sflag:s30], $0x80  }
0x160: {  	[sflag:s30] =	ssyncset.done $0x0  }
0x161: {  	s15 =	simm.s32 $0x400;
	s0 =	rddreg [dreg:$0x5];
	[sflag:s30] =	ssyncadd.s32 $0xFFFFFF80  }
0x162: {  	[tilespmem:s15], [sflag:$0x3] =	stream.linear.gather [hbm4b:s0+s5], $0x80, $0x38;
	[tilespmem:$0x10800] =	vst v63  }
0x163: {  	_ =	swait.ge [sflag:s30], $0x80  }
0x164: {  	[sflag:s30] =	ssyncset.done $0x0  }
0x165: {  	s10 =	rddreg [dreg:$0x6];
	[sflag:s30] =	ssyncadd.s32 $0xFFFFFF80  }
0x166: {  	[tilespmem:s4], [sflag:$0x3] =	stream.linear.gather [hbm4b:s10+s5], $0x80, $0x38;
	[tilespmem:$0x10800] =	vst v63  }
0x167: {  	_ =	swait.ge [sflag:s30], $0x80  }
0x168: {  	[sflag:s30] =	ssyncset.done $0x0  }
0x169: {  	s16 =	simm.s32 $0x480;
	s11 =	rddreg [dreg:$0x7];
	[sflag:s30] =	ssyncadd.s32 $0xFFFFFF80  }
0x16a: {  	[tilespmem:s16], [sflag:$0x3] =	stream.linear.gather [hbm4b:s11+s5], $0x80, $0x38;
	[tilespmem:$0x10800] =	vst v63  }
0x16b: {  	_ =	swait.ge [sflag:s30], $0x80  }
0x16c: {  	[sflag:s30] =	ssyncset.done $0x0  }
0x16d: {  	s1 =	simm.s32 $0x100;
	s12 =	rddreg [dreg:$0x8];
	[sflag:s30] =	ssyncadd.s32 $0xFFFFFF80  }
0x16e: {  	[tilespmem:s1], [sflag:$0x3] =	stream.linear.gather [hbm4b:s12+s5], $0x80, $0x38;
	[tilespmem:$0x10800] =	vst v63  }
0x16f: {  	_ =	swait.ge [sflag:s30], $0x80  }
0x170: {  	[sflag:s30] =	ssyncset.done $0x0  }
0x171: {  	s17 =	simm.s32 $0x500;
	s13 =	rddreg [dreg:$0x9];
	[sflag:s30] =	ssyncadd.s32 $0xFFFFFF80  }
0x172: {  	[tilespmem:s17], [sflag:$0x3] =	stream.linear.gather [hbm4b:s13+s5], $0x80, $0x38;
	[tilespmem:$0x10800] =	vst v63  }
0x173: {  	_ =	swait.ge [sflag:s30], $0x80  }
0x174: {  	[sflag:s30] =	ssyncset.done $0x0  }
0x175: {  	s26 =	simm.s32 $0x180;
	s18 =	rddreg [dreg:$0xa];
	[sflag:s30] =	ssyncadd.s32 $0xFFFFFF80  }
0x176: {  	[tilespmem:s26], [sflag:$0x3] =	stream.linear.gather [hbm4b:s18+s5], $0x80, $0x38;
	[tilespmem:$0x10800] =	vst v63  }
0x177: {  	_ =	swait.ge [sflag:s30], $0x80  }
0x178: {  	[sflag:s30] =	ssyncset.done $0x0  }
0x179: {  	s18 =	simm.s32 $0x580;
	s19 =	rddreg [dreg:$0xb];
	[sflag:s30] =	ssyncadd.s32 $0xFFFFFF80  }
0x17a: {  	[tilespmem:s18], [sflag:$0x3] =	stream.linear.gather [hbm4b:s19+s5], $0x80, $0x38;
	[tilespmem:$0x10800] =	vst v63  }
0x17b: {  	_ =	swait.ge [sflag:s30], $0x80  }
0x17c: {  	[sflag:s30] =	ssyncset.done $0x0  }
0x17d: {  	s19 =	simm.s32 $0x200;
	s20 =	rddreg [dreg:$0xc];
	[sflag:s30] =	ssyncadd.s32 $0xFFFFFF80  }
0x17e: {  	[tilespmem:s19], [sflag:$0x3] =	stream.linear.gather [hbm4b:s20+s5], $0x80, $0x38;
	[tilespmem:$0x10800] =	vst v63  }
0x17f: {  	_ =	swait.ge [sflag:s30], $0x80  }
0x180: {  	[sflag:s30] =	ssyncset.done $0x0  }
0x181: {  	s10 =	simm.s32 $0x600;
	s21 =	rddreg [dreg:$0xd];
	[sflag:s30] =	ssyncadd.s32 $0xFFFFFF80  }
0x182: {  	[tilespmem:s10], [sflag:$0x3] =	stream.linear.gather [hbm4b:s21+s5], $0x80, $0x38;
	[tilespmem:$0x10800] =	vst v63  }
0x183: {  	_ =	swait.ge [sflag:s30], $0x80  }
0x184: {  	[sflag:s30] =	ssyncset.done $0x0  }
0x185: {  	s23 =	simm.s32 $0x280;
	s22 =	rddreg [dreg:$0xe];
	[sflag:s30] =	ssyncadd.s32 $0xFFFFFF80  }
0x186: {  	[tilespmem:s23], [sflag:$0x3] =	stream.linear.gather [hbm4b:s22+s5], $0x80, $0x38;
	[tilespmem:$0x10800] =	vst v63  }
0x187: {  	_ =	swait.ge [sflag:s30], $0x80  }
0x188: {  	[sflag:s30] =	ssyncset.done $0x0  }
0x189: {  	s11 =	simm.s32 $0x680;
	s24 =	rddreg [dreg:$0xf];
	[sflag:s30] =	ssyncadd.s32 $0xFFFFFF80  }
0x18a: {  	[tilespmem:s11], [sflag:$0x3] =	stream.linear.gather [hbm4b:s24+s5], $0x80, $0x38;
	[tilespmem:$0x10800] =	vst v63  }
0x18b: {  	_ =	swait.ge [sflag:s30], $0x80  }
0x18c: {  	[sflag:s30] =	ssyncset.done $0x0  }
0x18d: {  	s24 =	simm.s32 $0x300;
	s25 =	rddreg [dreg:$0x10];
	[sflag:s30] =	ssyncadd.s32 $0xFFFFFF80  }
0x18e: {  	[tilespmem:s24], [sflag:$0x3] =	stream.linear.gather [hbm4b:s25+s5], $0x80, $0x38;
	[tilespmem:$0x10800] =	vst v63  }
0x18f: {  	_ =	swait.ge [sflag:s30], $0x80  }
0x190: {  	[sflag:s30] =	ssyncset.done $0x0  }
0x191: {  	s12 =	simm.s32 $0x700;
	s28 =	rddreg [dreg:$0x11];
	[sflag:s30] =	ssyncadd.s32 $0xFFFFFF80  }
0x192: {  	[tilespmem:s12], [sflag:$0x3] =	stream.linear.gather [hbm4b:s28+s5], $0x80, $0x38;
	[tilespmem:$0x10800] =	vst v63  }
0x193: {  	_ =	swait.ge [sflag:s30], $0x80  }
0x194: {  	[sflag:s30] =	ssyncset.done $0x0  }
0x195: {  	s25 =	simm.s32 $0x380;
	s29 =	rddreg [dreg:$0x12];
	[sflag:s30] =	ssyncadd.s32 $0xFFFFFF80  }
0x196: {  	[tilespmem:s25], [sflag:$0x3] =	stream.linear.gather [hbm4b:s29+s5], $0x80, $0x38;
	[tilespmem:$0x10800] =	vst v63  }
0x197: {  	_ =	swait.ge [sflag:s30], $0x80  }
0x198: {  	[sflag:s30] =	ssyncset.done $0x0  }
0x199: {  	s13 =	simm.s32 $0x780;
	s31 =	rddreg [dreg:$0x13];
	[sflag:s30] =	ssyncadd.s32 $0xFFFFFF80  }
0x19a: {  	[tilespmem:s13], [sflag:$0x3] =	stream.linear.gather [hbm4b:s31+s5], $0x80, $0x38;
	[tilespmem:$0x10800] =	vst v63  }
0x19b: {  	_ =	swait.ge [sflag:s30], $0x80  }
0x19c: {  	[sflag:s30] =	ssyncset.done $0x0  }
0x19d: {  	[sflag:s30] =	ssyncadd.s32 $0xFFFFFF80  }
0x19e: {  	[tilespmem:s14], [sflag:$0x1] =	stream.indirect.gather [hbm4b:s3+s4], $0x40, s5, s4, $0xb8;
	[tilespmem:$0x10800] =	vst v63  }
0x19f: {  	s20 =	simm.s32 $0x2800  }
0x1a0: {  	[tilespmem:s20], [sflag:$0x1] =	stream.indirect.gather [hbm4b:s3+s4], $0x40, s4, s4, $0xb8;
	[tilespmem:$0x10800] =	vst v63  }
0x1a1: {  	s21 =	simm.s32 $0x4800  }
0x1a2: {  	[tilespmem:s21], [sflag:$0x1] =	stream.indirect.gather [hbm4b:s3+s4], $0x40, s1, s4, $0xb8;
	[tilespmem:$0x10800] =	vst v63  }
0x1a3: {  	s22 =	simm.s32 $0x6800  }
0x1a4: {  	[tilespmem:s22], [sflag:$0x1] =	stream.indirect.gather [hbm4b:s3+s4], $0x40, s26, s4, $0xb8;
	[tilespmem:$0x10800] =	vst v63  }
0x1a5: {  	_ =	swait.ge [sflag:s7], $0x2000  }
0x1a6: {  	[sflag:s7] =	ssyncset.done $0x0  }
0x1a7: {  	[sflag:s7] =	ssyncadd.s32 $0xFFFFE000  }
0x1a8: {  	_ =	swait.ge [sflag:s7], $0x2000  }
0x1a9: {  	[sflag:s7] =	ssyncset.done $0x0  }
0x1aa: {  	[sflag:s7] =	ssyncadd.s32 $0xFFFFE000  }
0x1ab: {  	_ =	swait.ge [sflag:s7], $0x2000  }
0x1ac: {  	[sflag:s7] =	ssyncset.done $0x0  }
0x1ad: {  	[sflag:s7] =	ssyncadd.s32 $0xFFFFE000  }
0x1ae: {  	_ =	swait.ge [sflag:s7], $0x2000  }
0x1af: {  	[sflag:s7] =	ssyncset.done $0x0  }
0x1b0: {  	s5 =	rddreg [dreg:$0x14];
	[sflag:s7] =	ssyncadd.s32 $0xFFFFE000  }
0x1b1: {  	[hbm4b:s5+s8] =	stream.strided.scatter [tilespmem:s14], [sflag:$0x2], $0x8000, s4, s8, $0x38;
	[tilespmem:$0x10800] =	vst v63  }
0x1b2: {  	_ = 	snop  }
0x1b3: {  	[tilespmem:s9], [sflag:$0x1] =	stream.indirect.gather [hbm4b:s3+s4], $0x40, s19, s4, $0xb8;
	[tilespmem:$0x10800] =	vst v63  }
0x1b4: {  	s19 =	simm.s32 $0xA800  }
0x1b5: {  	[tilespmem:s19], [sflag:$0x1] =	stream.indirect.gather [hbm4b:s3+s4], $0x40, s23, s4, $0xb8;
	[tilespmem:$0x10800] =	vst v63  }
0x1b6: {  	s23 =	simm.s32 $0xC800  }
0x1b7: {  	[tilespmem:s23], [sflag:$0x1] =	stream.indirect.gather [hbm4b:s3+s4], $0x40, s24, s4, $0xb8;
	[tilespmem:$0x10800] =	vst v63  }
0x1b8: {  	s26 =	simm.s32 $0xE800  }
0x1b9: {  	[tilespmem:s26], [sflag:$0x1] =	stream.indirect.gather [hbm4b:s3+s4], $0x40, s25, s4, $0xb8;
	[tilespmem:$0x10800] =	vst v63  }
0x1ba: {  	_ =	swait.ge [sflag:s7], $0x2000  }
0x1bb: {  	[sflag:s7] =	ssyncset.done $0x0  }
0x1bc: {  	[sflag:s7] =	ssyncadd.s32 $0xFFFFE000  }
0x1bd: {  	_ =	swait.ge [sflag:s7], $0x2000  }
0x1be: {  	[sflag:s7] =	ssyncset.done $0x0  }
0x1bf: {  	[sflag:s7] =	ssyncadd.s32 $0xFFFFE000  }
0x1c0: {  	_ =	swait.ge [sflag:s7], $0x2000  }
0x1c1: {  	[sflag:s7] =	ssyncset.done $0x0  }
0x1c2: {  	[sflag:s7] =	ssyncadd.s32 $0xFFFFE000  }
0x1c3: {  	_ =	swait.ge [sflag:s7], $0x2000  }
0x1c4: {  	[sflag:s7] =	ssyncset.done $0x0  }
0x1c5: {  	s28 =	rddreg [dreg:$0x15];
	[sflag:s7] =	ssyncadd.s32 $0xFFFFE000  }
0x1c6: {  	[hbm4b:s28+s8] =	stream.strided.scatter [tilespmem:s9], [sflag:$0x2], $0x8000, s4, s8, $0x38;
	[tilespmem:$0x10800] =	vst v63  }
0x1c7: {  	_ =	swait.ge [sflag:s6], $0x8000  }
0x1c8: {  	[sflag:s6] =	ssyncset.done $0x0  }
0x1c9: {  	[sflag:s6] =	ssyncadd.s32 $0xFFFF8000  }
0x1ca: {  	[tilespmem:s14], [sflag:$0x1] =	stream.indirect.gather [hbm4b:s2+s4], $0x40, s15, s4, $0xb8;
	[tilespmem:$0x10800] =	vst v63  }
0x1cb: {  	_ = 	snop  }
0x1cc: {  	[tilespmem:s20], [sflag:$0x1] =	stream.indirect.gather [hbm4b:s2+s4], $0x40, s16, s4, $0xb8;
	[tilespmem:$0x10800] =	vst v63  }
0x1cd: {  	_ = 	snop  }
0x1ce: {  	[tilespmem:s21], [sflag:$0x1] =	stream.indirect.gather [hbm4b:s2+s4], $0x40, s17, s4, $0xb8;
	[tilespmem:$0x10800] =	vst v63  }
0x1cf: {  	_ = 	snop  }
0x1d0: {  	[tilespmem:s22], [sflag:$0x1] =	stream.indirect.gather [hbm4b:s2+s4], $0x40, s18, s4, $0xb8;
	[tilespmem:$0x10800] =	vst v63  }
0x1d1: {  	_ =	swait.ge [sflag:s7], $0x2000  }
0x1d2: {  	[sflag:s7] =	ssyncset.done $0x0  }
0x1d3: {  	[sflag:s7] =	ssyncadd.s32 $0xFFFFE000  }
0x1d4: {  	_ =	swait.ge [sflag:s7], $0x2000  }
0x1d5: {  	[sflag:s7] =	ssyncset.done $0x0  }
0x1d6: {  	[sflag:s7] =	ssyncadd.s32 $0xFFFFE000  }
0x1d7: {  	_ =	swait.ge [sflag:s7], $0x2000  }
0x1d8: {  	[sflag:s7] =	ssyncset.done $0x0  }
0x1d9: {  	[sflag:s7] =	ssyncadd.s32 $0xFFFFE000  }
0x1da: {  	_ =	swait.ge [sflag:s7], $0x2000  }
0x1db: {  	[sflag:s7] =	ssyncset.done $0x0  }
0x1dc: {  	s29 =	rddreg [dreg:$0x16];
	[sflag:s7] =	ssyncadd.s32 $0xFFFFE000  }
0x1dd: {  	[hbm4b:s29+s8] =	stream.strided.scatter [tilespmem:s14], [sflag:$0x2], $0x8000, s4, s8, $0x38;
	[tilespmem:$0x10800] =	vst v63  }
0x1de: {  	_ =	swait.ge [sflag:s6], $0x8000  }
0x1df: {  	[sflag:s6] =	ssyncset.done $0x0  }
0x1e0: {  	[sflag:s6] =	ssyncadd.s32 $0xFFFF8000  }
0x1e1: {  	[tilespmem:s9], [sflag:$0x1] =	stream.indirect.gather [hbm4b:s2+s4], $0x40, s10, s4, $0xb8;
	[tilespmem:$0x10800] =	vst v63  }
0x1e2: {  	_ = 	snop  }
0x1e3: {  	[tilespmem:s19], [sflag:$0x1] =	stream.indirect.gather [hbm4b:s2+s4], $0x40, s11, s4, $0xb8;
	[tilespmem:$0x10800] =	vst v63  }
0x1e4: {  	_ = 	snop  }
0x1e5: {  	[tilespmem:s23], [sflag:$0x1] =	stream.indirect.gather [hbm4b:s2+s4], $0x40, s12, s4, $0xb8;
	[tilespmem:$0x10800] =	vst v63  }
0x1e6: {  	_ = 	snop  }
0x1e7: {  	[tilespmem:s26], [sflag:$0x1] =	stream.indirect.gather [hbm4b:s2+s4], $0x40, s13, s4, $0xb8;
	[tilespmem:$0x10800] =	vst v63  }
0x1e8: {  	_ =	swait.ge [sflag:s7], $0x2000  }
0x1e9: {  	[sflag:s7] =	ssyncset.done $0x0  }
0x1ea: {  	[sflag:s7] =	ssyncadd.s32 $0xFFFFE000  }
0x1eb: {  	_ =	swait.ge [sflag:s7], $0x2000  }
0x1ec: {  	[sflag:s7] =	ssyncset.done $0x0  }
0x1ed: {  	[sflag:s7] =	ssyncadd.s32 $0xFFFFE000  }
0x1ee: {  	_ =	swait.ge [sflag:s7], $0x2000  }
0x1ef: {  	[sflag:s7] =	ssyncset.done $0x0  }
0x1f0: {  	[sflag:s7] =	ssyncadd.s32 $0xFFFFE000  }
0x1f1: {  	_ =	swait.ge [sflag:s7], $0x2000  }
0x1f2: {  	[sflag:s7] =	ssyncset.done $0x0  }
0x1f3: {  	s30 =	rddreg [dreg:$0x17];
	[sflag:s7] =	ssyncadd.s32 $0xFFFFE000  }
0x1f4: {  	[hbm4b:s30+s8] =	stream.strided.scatter [tilespmem:s9], [sflag:$0x2], $0x8000, s4, s8, $0x38;
	[tilespmem:$0x10800] =	vst v63  }
0x1f5: {  	_ =	swait.ge [sflag:s6], $0x8000  }
0x1f6: {  	[sflag:s6] =	ssyncset.done $0x0  }
0x1f7: {  	[sflag:s6] =	ssyncadd.s32 $0xFFFF8000  }
0x1f8: {  	_ =	swait.ge [sflag:s6], $0x8000  }
0x1f9: {  	[sflag:s6] =	ssyncset.done $0x0  }
0x1fa: {  	[sflag:s6] =	ssyncadd.s32 $0xFFFF8000  }
0x1fb: {  	_ =	sfence.sel $0x180000  }
0x1fc: {  	[bflag:$0x0] =	sbarrier.arrive $0xFFFF  }
0x1fd: {  	_ =	strace $0x90000047  }
0x1fe: {  	s31 =	stileid.u32;
	[bflag:$0x2] =	sbarrier.arrive $0xFFFF  }
0x1ff: {  	p0 =	sne.s32 s31, $0x0;
	s0 =	rddreg [dreg:$0x3]  }
0x200: {  	s0 =	sadd.s32 @!p0 $0x100000, s0  }
0x201: {  	[sflag:s0] =	ssyncadd.tile.s32 @!p0 $0x1;
	_ =	shalt  }
.Lfunc_end2:
_tile_overlayer_lowered:
.L_overlay_start_2:
0x202: {  	(tag) =	ssettag $0x2  }
0x203: {  	s0 =	rddreg [dreg:$0x0];
	s2 =	stileid.u32  }
0x204: {  	s1 =	rddreg [dreg:$0x1];
	p0 =	sne.s32 s2, $0x0  }
0x205: {  	s3 =	rddreg [dreg:$0x2];
	[bflag:$0x3] =	sbarrier.arrive $0xFFFF;
	s2 =	simm.s32 @!p0 $0x1C03  }
0x206: {  	[timem:s3], [sflag:s2] =	dma.local @!p0 [hbm:s0], s1  }
0x207: {  	s0 =	simm.s32 @!p0 $0x3  }
0x208: {  	_ =	swait.ge @!p0 [sflag:s0], s1  }
0x209: {  	s1 =	ssub.s32 @!p0 $0x0, s1;
	[sflag:s0] =	ssyncset.done @!p0 $0x0  }
0x20a: {  	[sflag:s0] =	ssyncadd.s32 @!p0 s1  }
0x20b: {  	[bflag:$0x3] =	sbarrier.arrive $0xFFFF  }
0x20c: {  	_ =	shalt  }

</sc_bundles>
